<compile_context>
chip_gen: v7x
topology: tpu7x:2x2x1
jax: 0.10.2.dev20260603
libtpu: 0.0.44.dev20260713+nightly
codegen_flags: <defaults>
</compile_context>

<pallas_src>
import functools

import jax
import jax.numpy as jnp
from jax import lax
from jax.experimental import pallas as pl
from jax.experimental.pallas import tpu as pltpu
from jax.experimental.pallas import tpu_sc as plsc


def _sigmoid(x):
    return 1.0 / (1.0 + jnp.exp(-x))


def _dot_t(a, w):
    return lax.dot_general(a, w, (((1,), (1,)), ((), ())),
                           preferred_element_type=jnp.float32)


_SB = 512


def _make_sc_hist(n_pad, chunk, nfull, rem, tile_slice, nc, ns):
    mesh = plsc.VectorSubcoreMesh(core_axis_name="c", subcore_axis_name="s")

    @functools.partial(
        pl.kernel,
        out_type=jax.ShapeDtypeStruct((1, nc * n_pad), jnp.float32),
        mesh=mesh,
        scratch_types=[
            pltpu.VMEM((2, chunk), jnp.int32),
            pltpu.VMEM((1, 128), jnp.int32),
            pltpu.VMEM((1, 128), jnp.float32),
            pltpu.VMEM((tile_slice,), jnp.float32),
            pltpu.VMEM_SHARED((n_pad,), jnp.float32),
            pltpu.SemaphoreType.DMA,
        ],
    )
    def hist_kernel(edge_hbm, out_hbm, buf_v, idx_v, val_v, z_v, hist_sh,
                    sem):
        cid = lax.axis_index("c")
        sid = lax.axis_index("s")
        wid = sid * nc + cid
        start = wid * chunk

        @pl.when(wid < nfull)
        def _():
            pltpu.async_copy(edge_hbm.at[:, pl.ds(start, chunk)], buf_v, sem)

        if rem:
            @pl.when(wid == nfull)
            def _():
                pltpu.async_copy(edge_hbm.at[:, pl.ds(start, rem)],
                                 buf_v.at[:, pl.ds(0, rem)], sem)

        for i in range(tile_slice // 16):
            z_v[pl.ds(i * 16, 16)] = jnp.zeros((16,), jnp.float32)
        pltpu.sync_copy(z_v, hist_sh.at[pl.ds(sid * tile_slice, tile_slice)])
        plsc.subcore_barrier()

        def _lane_or(off, ngroups):
            anym = jnp.zeros((16,), jnp.bool_)
            for g in range(ngroups):
                d = buf_v[1, pl.ds(off + g * 16, 16)]
                anym = anym | (d == 0)
            return anym

        def _any_hit(anym):
            iv = jnp.where(anym, 1, 0)
            cnt = iv[0]
            for lane in range(1, 16):
                cnt = cnt + iv[lane]
            return cnt > 0

        def super_block(i):
            base = i * _SB

            @pl.when(_any_hit(_lane_or(base, _SB // 16)))
            def _():
                def row_body(r, carry):
                    ro = base + r * 128

                    @pl.when(_any_hit(_lane_or(ro, 8)))
                    def _():
                        for g in range(8):
                            idx_v[0, pl.ds(g * 16, 16)] = (
                                buf_v[0, pl.ds(ro + g * 16, 16)])
                            d = buf_v[1, pl.ds(ro + g * 16, 16)]
                            val_v[0, pl.ds(g * 16, 16)] = jnp.where(
                                d == 0, jnp.float32(1.0), jnp.float32(0.0))
                        pltpu.sync_copy(val_v.at[0],
                                        hist_sh.at[idx_v.at[0]], add=True)
                    return carry

                lax.fori_loop(0, _SB // 128, row_body, 0)

        def body(i, carry):
            super_block(i)
            return carry

        @pl.when(wid < nfull)
        def _():
            pltpu.make_async_copy(edge_hbm.at[:, pl.ds(start, chunk)],
                                  buf_v, sem).wait()
            lax.fori_loop(0, chunk // _SB, body, 0)

        if rem:
            @pl.when(wid == nfull)
            def _():
                pltpu.make_async_copy(edge_hbm.at[:, pl.ds(start, rem)],
                                      buf_v.at[:, pl.ds(0, rem)], sem).wait()
                lax.fori_loop(0, rem // _SB, body, 0)

        plsc.subcore_barrier()
        pltpu.sync_copy(
            hist_sh.at[pl.ds(sid * tile_slice, tile_slice)],
            out_hbm.at[0, pl.ds(cid * n_pad + sid * tile_slice, tile_slice)])

    return hist_kernel


def _make_tc(n, h_dim, x_dim, mid, z_dim, n_pad, nc):

    def body(w_ref, h_ref, c_ref, ufw, ufb, feat8, me,
             wiou, uiou, biou, l1w, l1b, l2w, l2b, l3w, l3b, l4w, l4b,
             mw, mb, vw, vb, eps,
             z_out, mean_out, lv_out):
        wall = w_ref[...]
        wv = wall[:, 0:n]
        for i in range(1, nc):
            wv = wv + wall[:, i * n_pad:i * n_pad + n]
        deg = jnp.sum(wv)
        ht = lax.dot_general(
            wv, h_ref[...], (((1,), (0,)), ((), ())),
            preferred_element_type=jnp.float32)
        f = _sigmoid(_dot_t(h_ref[...], ufw[...]) + ufb[...])
        ca = lax.dot_general(
            wv, f * c_ref[...], (((1,), (0,)), ((), ())),
            preferred_element_type=jnp.float32)

        has = deg > 0.0
        iou = jnp.where(has, _dot_t(ht, uiou[...]),
                        _dot_t(feat8[0:1, :], wiou[...])) + biou[...]
        i_g = _sigmoid(iou[:, 0:h_dim])
        o_g = _sigmoid(iou[:, h_dim:2 * h_dim])
        u_g = jnp.tanh(iou[:, 2 * h_dim:3 * h_dim])
        c_node = jnp.where(has, ca, c_ref[0:1, :])
        c_new = i_g * u_g + c_node
        h_new = o_g * jnp.tanh(c_new)
        y = jnp.tanh(_dot_t(h_new, l1w[...]) + l1b[...])
        y2 = _dot_t(me[...], l2w[...]) + l2b[...]
        y2 = _dot_t(y2, l3w[...]) + l3b[...]
        y = _dot_t(y + y2, l4w[...]) + l4b[...]
        mean = _dot_t(y, mw[...]) + mb[...]
        lv = _dot_t(y, vw[...]) + vb[...]
        z_out[...] = mean + jnp.exp(0.5 * lv) * eps[...]
        mean_out[...] = mean
        lv_out[...] = lv

    def full(shape):
        return pl.BlockSpec(shape, lambda g: tuple(0 for _ in shape))

    return pl.pallas_call(
        body,
        grid=(1,),
        in_specs=[
            full((1, nc * n_pad)),
            full((n, h_dim)),
            full((n, h_dim)),
            full((h_dim, h_dim)), full((1, h_dim)),
            pl.BlockSpec((8, x_dim), lambda g: (0, 0)),
            full((1, x_dim)),
            full((3 * h_dim, x_dim)), full((3 * h_dim, h_dim)),
            full((1, 3 * h_dim)),
            full((mid, h_dim)), full((1, mid)),
            full((h_dim, x_dim)), full((1, h_dim)),
            full((mid, h_dim)), full((1, mid)),
            full((mid, mid)), full((1, mid)),
            full((z_dim, mid)), full((1, z_dim)),
            full((z_dim, mid)), full((1, z_dim)),
            full((1, z_dim)),
        ],
        out_specs=[full((1, z_dim)), full((1, z_dim)), full((1, z_dim))],
        out_shape=[jax.ShapeDtypeStruct((1, z_dim), jnp.float32)] * 3,
    )


def kernel(feat, h, c, m_ecfp, edge_index, W_iou, U_iou, b_iou, U_f_w, U_f_b,
           lin1_w, lin1_b, lin2_w, lin2_b, lin3_w, lin3_b, lin4_w, lin4_b,
           mean_w, mean_b, var_w, var_b):
    n, h_dim = h.shape
    x_dim = feat.shape[1]
    mid = lin1_w.shape[0]
    z_dim = mean_w.shape[0]
    e = edge_index.shape[1]

    ei = edge_index
    if e % _SB:
        padn = _SB - e % _SB
        ei = jnp.concatenate(
            [ei, jnp.stack([jnp.zeros((padn,), ei.dtype),
                            jnp.ones((padn,), ei.dtype)])], axis=1)
        e = e + padn

    info = plsc.get_sparse_core_info()
    nc_sc, ns = info.num_cores, info.num_subcores
    nw = nc_sc * ns
    chunk = -(-(-(-e // nw)) // _SB) * _SB
    nfull, rem = divmod(e, chunk)
    tile_slice = ((n + ns - 1) // ns + 15) // 16 * 16
    n_pad = ns * tile_slice

    hist = _make_sc_hist(n_pad, chunk, nfull, rem, tile_slice, nc_sc, ns)
    w_parts = hist(ei)

    eps = jax.random.normal(jax.random.key(42), (1, z_dim), jnp.float32)
    tc = _make_tc(n, h_dim, x_dim, mid, z_dim, n_pad, nc_sc)
    z, mean, lv = tc(
        w_parts, h, c, U_f_w, U_f_b.reshape(1, h_dim), feat,
        m_ecfp, W_iou, U_iou, b_iou.reshape(1, 3 * h_dim),
        lin1_w, lin1_b.reshape(1, mid), lin2_w, lin2_b.reshape(1, h_dim),
        lin3_w, lin3_b.reshape(1, mid), lin4_w, lin4_b.reshape(1, mid),
        mean_w, mean_b.reshape(1, z_dim), var_w, var_b.reshape(1, z_dim),
        eps)
    return (z, mean, lv)

# --- scband reference (transcript-rebuilt; emitter-appended) ---
"""Pipeline reference for scband-chem-vae-49495203119458 (READ-ONLY COPY).

The authoritative reference and input builder live on the scoring server;
editing this copy changes nothing except your own understanding.
"""

import jax, jax.numpy as jnp
import numpy as np

N = 10000
E = 320000
X = 128
H = 128
MID = 256
Z = 128


def setup_inputs(seed: int = 0) -> dict:
    key = jax.random.key(seed)
    ks = jax.random.split(key, 24)
    s = 0.05
    inp = {}
    inp["feat"] = jax.random.normal(ks[0], (N, X), dtype=jnp.float32)
    inp["h"] = jnp.zeros((N, H), dtype=jnp.float32)
    inp["c"] = jnp.zeros((N, H), dtype=jnp.float32)
    inp["m_ecfp"] = jax.random.normal(ks[1], (1, X), dtype=jnp.float32)
    inp["edge_index"] = jax.random.randint(ks[2], (2, E), 0, N, dtype=jnp.int32)
    # ChildSumTreeLSTMCell params
    inp["W_iou"] = jax.random.normal(ks[3], (3 * H, X), dtype=jnp.float32) * s
    inp["U_iou"] = jax.random.normal(ks[4], (3 * H, H), dtype=jnp.float32) * s
    inp["b_iou"] = jnp.zeros((1, 3 * H), dtype=jnp.float32)
    inp["U_f_w"] = jax.random.normal(ks[5], (H, H), dtype=jnp.float32) * s
    inp["U_f_b"] = jnp.zeros((H,), dtype=jnp.float32)
    # encoder head params
    inp["lin1_w"] = jax.random.normal(ks[6], (MID, H), dtype=jnp.float32) * s
    inp["lin1_b"] = jnp.zeros((MID,), dtype=jnp.float32)
    inp["lin2_w"] = jax.random.normal(ks[7], (H, X), dtype=jnp.float32) * s
    inp["lin2_b"] = jnp.zeros((H,), dtype=jnp.float32)
    inp["lin3_w"] = jax.random.normal(ks[8], (MID, H), dtype=jnp.float32) * s
    inp["lin3_b"] = jnp.zeros((MID,), dtype=jnp.float32)
    inp["lin4_w"] = jax.random.normal(ks[9], (MID, MID), dtype=jnp.float32) * s
    inp["lin4_b"] = jnp.zeros((MID,), dtype=jnp.float32)
    inp["mean_w"] = jax.random.normal(ks[10], (Z, MID), dtype=jnp.float32) * s
    inp["mean_b"] = jnp.zeros((Z,), dtype=jnp.float32)
    inp["var_w"] = jax.random.normal(ks[11], (Z, MID), dtype=jnp.float32) * s
    inp["var_b"] = jnp.zeros((Z,), dtype=jnp.float32)
    return inp


def reference(feat, h, c, m_ecfp, edge_index, W_iou, U_iou, b_iou, U_f_w, U_f_b,
              lin1_w, lin1_b, lin2_w, lin2_b, lin3_w, lin3_b, lin4_w, lin4_b,
              mean_w, mean_b, var_w, var_b):
    # --- ChildSumTreeLSTM encoder, one message-passing level over edges ---
    src = edge_index[0]
    dst = edge_index[1]
    # g.ndata['iou'] = W_iou(feat)  (dropout p=0)
    iou0 = feat @ W_iou.T
    # message_func: h_src, c_src gathered per edge
    h_src = jnp.take(h, src, axis=0)
    c_src = jnp.take(c, src, axis=0)
    # reduce_func: h_tild = sum children h; f = sigmoid(U_f(h_child)); c = sum f*c_child
    h_tild = jax.ops.segment_sum(h_src, dst, num_segments=N)
    f = jax.nn.sigmoid(h_src @ U_f_w.T + U_f_b)
    c_agg = jax.ops.segment_sum(f * c_src, dst, num_segments=N)
    deg = jax.ops.segment_sum(jnp.ones((E,), dtype=jnp.float32), dst, num_segments=N)
    has_msg = (deg > 0)[:, None]
    # DGL reduce overwrites 'iou' and 'c' for nodes with incoming messages
    iou = jnp.where(has_msg, h_tild @ U_iou.T, iou0)
    c_node = jnp.where(has_msg, c_agg, c)
    # apply_node_func_enc
    iou = iou + b_iou
    i_g, o_g, u_g = jnp.split(iou, 3, axis=1)
    i_g = jax.nn.sigmoid(i_g)
    o_g = jax.nn.sigmoid(o_g)
    u_g = jnp.tanh(u_g)
    c_new = i_g * u_g + c_node
    h_new = o_g * jnp.tanh(c_new)
    # root readout
    h_root = h_new[0:1]
    y = jnp.tanh(h_root @ lin1_w.T + lin1_b)
    y2 = m_ecfp @ lin2_w.T + lin2_b
    y2 = y2 @ lin3_w.T + lin3_b
    y = (y + y2) @ lin4_w.T + lin4_b
    mean = y @ mean_w.T + mean_b
    log_var = y @ var_w.T + var_b
    eps = jax.random.normal(jax.random.key(42), mean.shape, dtype=jnp.float32)
    z = mean + jnp.exp(0.5 * log_var) * eps
    return (z, mean, log_var)

if __name__ == "__main__":
    import jax
    _d = setup_inputs()
    print(jax.jit(kernel)(*tuple(_d.values())))

</pallas_src>

<mosaic_0001>
#map = affine_map<(d0, d1) -> (0, 0)>
module attributes {stable_mosaic.version = 14 : i64} {
  func.func @hist_kernel(%arg0: i32, %arg1: i32, %arg2: memref<2x320000xi32, #tpu.memory_space<hbm>>, %arg3: memref<1x20480xf32, #tpu.memory_space<hbm>>, %arg4: memref<2x10240xi32, #tpu.memory_space<vmem>>, %arg5: memref<1x128xi32, #tpu.memory_space<vmem>>, %arg6: memref<1x128xf32, #tpu.memory_space<vmem>>, %arg7: memref<640xf32, #tpu.memory_space<vmem>>, %arg8: memref<10240xf32, #tpu.memory_space<vmem_shared>>, %arg9: memref<!tpu.dma_semaphore, #tpu.memory_space<semaphore_mem>>) attributes {dimension_semantics = [#tpu.dimension_semantics<core_parallel>, #tpu.dimension_semantics<subcore_parallel>], iteration_bounds = array<i64: 2, 16>, scalar_prefetch = 0 : i64, scratch_operands = 6 : i64, tpu.core_type = #tpu.core_type<sc_vector_subcore>, window_params = [{transform_indices = #map}, {transform_indices = #map}]} {
    %mul3A = arith.constant 2 : i32
    %mul3A_0 = arith.muli %arg1, %mul3A : i32
    %add3A = arith.addi %mul3A_0, %arg0 : i32
    %mul3A_1 = arith.constant 10240 : i32
    %mul3A_2 = arith.muli %add3A, %mul3A_1 : i32
    %lt3A = arith.constant 31 : i32
    %lt3A_3 = arith.cmpi slt, %add3A, %lt3A : i32
    %convert_element_type3A = arith.extui %lt3A_3 : i1 to i32
    %cond3A = arith.constant 0 : i32
    %cond3A_4 = arith.cmpi ne, %convert_element_type3A, %cond3A : i32
    scf.if %cond3A_4 {
      %dma_start3A = arith.constant 0 : i32
      %dma_start3A_267 = tpu.memref_slice %arg2[%dma_start3A, %mul3A_2] : memref<2x320000xi32, #tpu.memory_space<hbm>> -> memref<2x10240xi32, #tpu.memory_space<hbm>>
      %dma_start3A_268 = arith.constant 0 : i32
      %dma_start3A_269 = tpu.memref_slice %arg2[%dma_start3A_268, %mul3A_2] : memref<2x320000xi32, #tpu.memory_space<hbm>> -> memref<2x10240xi32, #tpu.memory_space<hbm>>
      tpu.enqueue_dma source(%dma_start3A_269 : memref<2x10240xi32, #tpu.memory_space<hbm>>) target(%arg4 : memref<2x10240xi32, #tpu.memory_space<vmem>>) target_semaphore(%arg9 : memref<!tpu.dma_semaphore, #tpu.memory_space<semaphore_mem>>)
    } else {
    }
    %eq3A = arith.constant 31 : i32
    %eq3A_5 = arith.cmpi eq, %add3A, %eq3A : i32
    %convert_element_type3A_6 = arith.extui %eq3A_5 : i1 to i32
    %cond3A_7 = arith.constant 0 : i32
    %cond3A_8 = arith.cmpi ne, %convert_element_type3A_6, %cond3A_7 : i32
    scf.if %cond3A_8 {
      %dma_start3A = arith.constant 0 : i32
      %dma_start3A_267 = arith.constant 0 : i32
      %dma_start3A_268 = tpu.memref_slice %arg4[%dma_start3A, %dma_start3A_267] : memref<2x10240xi32, #tpu.memory_space<vmem>> -> memref<2x2560xi32, #tpu.memory_space<vmem>>
      %dma_start3A_269 = arith.constant 0 : i32
      %dma_start3A_270 = tpu.memref_slice %arg2[%dma_start3A_269, %mul3A_2] : memref<2x320000xi32, #tpu.memory_space<hbm>> -> memref<2x2560xi32, #tpu.memory_space<hbm>>
      %dma_start3A_271 = arith.constant 0 : i32
      %dma_start3A_272 = arith.constant 0 : i32
      %dma_start3A_273 = tpu.memref_slice %arg4[%dma_start3A_271, %dma_start3A_272] : memref<2x10240xi32, #tpu.memory_space<vmem>> -> memref<2x2560xi32, #tpu.memory_space<vmem>>
      %dma_start3A_274 = arith.constant 0 : i32
      %dma_start3A_275 = tpu.memref_slice %arg2[%dma_start3A_274, %mul3A_2] : memref<2x320000xi32, #tpu.memory_space<hbm>> -> memref<2x2560xi32, #tpu.memory_space<hbm>>
      tpu.enqueue_dma source(%dma_start3A_275 : memref<2x2560xi32, #tpu.memory_space<hbm>>) target(%dma_start3A_273 : memref<2x2560xi32, #tpu.memory_space<vmem>>) target_semaphore(%arg9 : memref<!tpu.dma_semaphore, #tpu.memory_space<semaphore_mem>>)
    } else {
    }
    %broadcast_in_dim3A = arith.constant 0.000000e+00 : f32
    %broadcast_in_dim3A_9 = vector.broadcast %broadcast_in_dim3A : f32 to vector<16xf32>
    %swap3A = arith.constant 0 : index
    %swap3A_10 = tpu.vector_load %arg7[%swap3A] {strides = array<i32>} : memref<640xf32, #tpu.memory_space<vmem>>, vector<16xf32>,
    %swap3A_11 = vector.shape_cast %swap3A_10 : vector<16xf32> to vector<16xf32>
    %swap3A_12 = vector.shape_cast %broadcast_in_dim3A_9 : vector<16xf32> to vector<16xf32>
    tpu.vector_store %arg7[%swap3A], %swap3A_12 {strides = array<i32>} : memref<640xf32, #tpu.memory_space<vmem>>, vector<16xf32>,
    %broadcast_in_dim3A_13 = arith.constant 0.000000e+00 : f32
    %broadcast_in_dim3A_14 = vector.broadcast %broadcast_in_dim3A_13 : f32 to vector<16xf32>
    %swap3A_15 = arith.constant 16 : index
    %swap3A_16 = tpu.vector_load %arg7[%swap3A_15] {strides = array<i32>} : memref<640xf32, #tpu.memory_space<vmem>>, vector<16xf32>,
    %swap3A_17 = vector.shape_cast %swap3A_16 : vector<16xf32> to vector<16xf32>
    %swap3A_18 = vector.shape_cast %broadcast_in_dim3A_14 : vector<16xf32> to vector<16xf32>
    tpu.vector_store %arg7[%swap3A_15], %swap3A_18 {strides = array<i32>} : memref<640xf32, #tpu.memory_space<vmem>>, vector<16xf32>,
    %broadcast_in_dim3A_19 = arith.constant 0.000000e+00 : f32
    %broadcast_in_dim3A_20 = vector.broadcast %broadcast_in_dim3A_19 : f32 to vector<16xf32>
    %swap3A_21 = arith.constant 32 : index
    %swap3A_22 = tpu.vector_load %arg7[%swap3A_21] {strides = array<i32>} : memref<640xf32, #tpu.memory_space<vmem>>, vector<16xf32>,
    %swap3A_23 = vector.shape_cast %swap3A_22 : vector<16xf32> to vector<16xf32>
    %swap3A_24 = vector.shape_cast %broadcast_in_dim3A_20 : vector<16xf32> to vector<16xf32>
    tpu.vector_store %arg7[%swap3A_21], %swap3A_24 {strides = array<i32>} : memref<640xf32, #tpu.memory_space<vmem>>, vector<16xf32>,
    %broadcast_in_dim3A_25 = arith.constant 0.000000e+00 : f32
    %broadcast_in_dim3A_26 = vector.broadcast %broadcast_in_dim3A_25 : f32 to vector<16xf32>
    %swap3A_27 = arith.constant 48 : index
    %swap3A_28 = tpu.vector_load %arg7[%swap3A_27] {strides = array<i32>} : memref<640xf32, #tpu.memory_space<vmem>>, vector<16xf32>,
    %swap3A_29 = vector.shape_cast %swap3A_28 : vector<16xf32> to vector<16xf32>
    %swap3A_30 = vector.shape_cast %broadcast_in_dim3A_26 : vector<16xf32> to vector<16xf32>
    tpu.vector_store %arg7[%swap3A_27], %swap3A_30 {strides = array<i32>} : memref<640xf32, #tpu.memory_space<vmem>>, vector<16xf32>,
    %broadcast_in_dim3A_31 = arith.constant 0.000000e+00 : f32
    %broadcast_in_dim3A_32 = vector.broadcast %broadcast_in_dim3A_31 : f32 to vector<16xf32>
    %swap3A_33 = arith.constant 64 : index
    %swap3A_34 = tpu.vector_load %arg7[%swap3A_33] {strides = array<i32>} : memref<640xf32, #tpu.memory_space<vmem>>, vector<16xf32>,
    %swap3A_35 = vector.shape_cast %swap3A_34 : vector<16xf32> to vector<16xf32>
    %swap3A_36 = vector.shape_cast %broadcast_in_dim3A_32 : vector<16xf32> to vector<16xf32>
    tpu.vector_store %arg7[%swap3A_33], %swap3A_36 {strides = array<i32>} : memref<640xf32, #tpu.memory_space<vmem>>, vector<16xf32>,
    %broadcast_in_dim3A_37 = arith.constant 0.000000e+00 : f32
    %broadcast_in_dim3A_38 = vector.broadcast %broadcast_in_dim3A_37 : f32 to vector<16xf32>
    %swap3A_39 = arith.constant 80 : index
    %swap3A_40 = tpu.vector_load %arg7[%swap3A_39] {strides = array<i32>} : memref<640xf32, #tpu.memory_space<vmem>>, vector<16xf32>,
    %swap3A_41 = vector.shape_cast %swap3A_40 : vector<16xf32> to vector<16xf32>
    %swap3A_42 = vector.shape_cast %broadcast_in_dim3A_38 : vector<16xf32> to vector<16xf32>
    tpu.vector_store %arg7[%swap3A_39], %swap3A_42 {strides = array<i32>} : memref<640xf32, #tpu.memory_space<vmem>>, vector<16xf32>,
    %broadcast_in_dim3A_43 = arith.constant 0.000000e+00 : f32
    %broadcast_in_dim3A_44 = vector.broadcast %broadcast_in_dim3A_43 : f32 to vector<16xf32>
    %swap3A_45 = arith.constant 96 : index
    %swap3A_46 = tpu.vector_load %arg7[%swap3A_45] {strides = array<i32>} : memref<640xf32, #tpu.memory_space<vmem>>, vector<16xf32>,
    %swap3A_47 = vector.shape_cast %swap3A_46 : vector<16xf32> to vector<16xf32>
    %swap3A_48 = vector.shape_cast %broadcast_in_dim3A_44 : vector<16xf32> to vector<16xf32>
    tpu.vector_store %arg7[%swap3A_45], %swap3A_48 {strides = array<i32>} : memref<640xf32, #tpu.memory_space<vmem>>, vector<16xf32>,
    %broadcast_in_dim3A_49 = arith.constant 0.000000e+00 : f32
    %broadcast_in_dim3A_50 = vector.broadcast %broadcast_in_dim3A_49 : f32 to vector<16xf32>
    %swap3A_51 = arith.constant 112 : index
    %swap3A_52 = tpu.vector_load %arg7[%swap3A_51] {strides = array<i32>} : memref<640xf32, #tpu.memory_space<vmem>>, vector<16xf32>,
    %swap3A_53 = vector.shape_cast %swap3A_52 : vector<16xf32> to vector<16xf32>
    %swap3A_54 = vector.shape_cast %broadcast_in_dim3A_50 : vector<16xf32> to vector<16xf32>
    tpu.vector_store %arg7[%swap3A_51], %swap3A_54 {strides = array<i32>} : memref<640xf32, #tpu.memory_space<vmem>>, vector<16xf32>,
    %broadcast_in_dim3A_55 = arith.constant 0.000000e+00 : f32
    %broadcast_in_dim3A_56 = vector.broadcast %broadcast_in_dim3A_55 : f32 to vector<16xf32>
    %swap3A_57 = arith.constant 128 : index
    %swap3A_58 = tpu.vector_load %arg7[%swap3A_57] {strides = array<i32>} : memref<640xf32, #tpu.memory_space<vmem>>, vector<16xf32>,
    %swap3A_59 = vector.shape_cast %swap3A_58 : vector<16xf32> to vector<16xf32>
    %swap3A_60 = vector.shape_cast %broadcast_in_dim3A_56 : vector<16xf32> to vector<16xf32>
    tpu.vector_store %arg7[%swap3A_57], %swap3A_60 {strides = array<i32>} : memref<640xf32, #tpu.memory_space<vmem>>, vector<16xf32>,
    %broadcast_in_dim3A_61 = arith.constant 0.000000e+00 : f32
    %broadcast_in_dim3A_62 = vector.broadcast %broadcast_in_dim3A_61 : f32 to vector<16xf32>
    %swap3A_63 = arith.constant 144 : index
    %swap3A_64 = tpu.vector_load %arg7[%swap3A_63] {strides = array<i32>} : memref<640xf32, #tpu.memory_space<vmem>>, vector<16xf32>,
    %swap3A_65 = vector.shape_cast %swap3A_64 : vector<16xf32> to vector<16xf32>
    %swap3A_66 = vector.shape_cast %broadcast_in_dim3A_62 : vector<16xf32> to vector<16xf32>
    tpu.vector_store %arg7[%swap3A_63], %swap3A_66 {strides = array<i32>} : memref<640xf32, #tpu.memory_space<vmem>>, vector<16xf32>,
    %broadcast_in_dim3A_67 = arith.constant 0.000000e+00 : f32
    %broadcast_in_dim3A_68 = vector.broadcast %broadcast_in_dim3A_67 : f32 to vector<16xf32>
    %swap3A_69 = arith.constant 160 : index
    %swap3A_70 = tpu.vector_load %arg7[%swap3A_69] {strides = array<i32>} : memref<640xf32, #tpu.memory_space<vmem>>, vector<16xf32>,
    %swap3A_71 = vector.shape_cast %swap3A_70 : vector<16xf32> to vector<16xf32>
    %swap3A_72 = vector.shape_cast %broadcast_in_dim3A_68 : vector<16xf32> to vector<16xf32>
    tpu.vector_store %arg7[%swap3A_69], %swap3A_72 {strides = array<i32>} : memref<640xf32, #tpu.memory_space<vmem>>, vector<16xf32>,
    %broadcast_in_dim3A_73 = arith.constant 0.000000e+00 : f32
    %broadcast_in_dim3A_74 = vector.broadcast %broadcast_in_dim3A_73 : f32 to vector<16xf32>
    %swap3A_75 = arith.constant 176 : index
    %swap3A_76 = tpu.vector_load %arg7[%swap3A_75] {strides = array<i32>} : memref<640xf32, #tpu.memory_space<vmem>>, vector<16xf32>,
    %swap3A_77 = vector.shape_cast %swap3A_76 : vector<16xf32> to vector<16xf32>
    %swap3A_78 = vector.shape_cast %broadcast_in_dim3A_74 : vector<16xf32> to vector<16xf32>
    tpu.vector_store %arg7[%swap3A_75], %swap3A_78 {strides = array<i32>} : memref<640xf32, #tpu.memory_space<vmem>>, vector<16xf32>,
    %broadcast_in_dim3A_79 = arith.constant 0.000000e+00 : f32
    %broadcast_in_dim3A_80 = vector.broadcast %broadcast_in_dim3A_79 : f32 to vector<16xf32>
    %swap3A_81 = arith.constant 192 : index
    %swap3A_82 = tpu.vector_load %arg7[%swap3A_81] {strides = array<i32>} : memref<640xf32, #tpu.memory_space<vmem>>, vector<16xf32>,
    %swap3A_83 = vector.shape_cast %swap3A_82 : vector<16xf32> to vector<16xf32>
    %swap3A_84 = vector.shape_cast %broadcast_in_dim3A_80 : vector<16xf32> to vector<16xf32>
    tpu.vector_store %arg7[%swap3A_81], %swap3A_84 {strides = array<i32>} : memref<640xf32, #tpu.memory_space<vmem>>, vector<16xf32>,
    %broadcast_in_dim3A_85 = arith.constant 0.000000e+00 : f32
    %broadcast_in_dim3A_86 = vector.broadcast %broadcast_in_dim3A_85 : f32 to vector<16xf32>
    %swap3A_87 = arith.constant 208 : index
    %swap3A_88 = tpu.vector_load %arg7[%swap3A_87] {strides = array<i32>} : memref<640xf32, #tpu.memory_space<vmem>>, vector<16xf32>,
    %swap3A_89 = vector.shape_cast %swap3A_88 : vector<16xf32> to vector<16xf32>
    %swap3A_90 = vector.shape_cast %broadcast_in_dim3A_86 : vector<16xf32> to vector<16xf32>
    tpu.vector_store %arg7[%swap3A_87], %swap3A_90 {strides = array<i32>} : memref<640xf32, #tpu.memory_space<vmem>>, vector<16xf32>,
    %broadcast_in_dim3A_91 = arith.constant 0.000000e+00 : f32
    %broadcast_in_dim3A_92 = vector.broadcast %broadcast_in_dim3A_91 : f32 to vector<16xf32>
    %swap3A_93 = arith.constant 224 : index
    %swap3A_94 = tpu.vector_load %arg7[%swap3A_93] {strides = array<i32>} : memref<640xf32, #tpu.memory_space<vmem>>, vector<16xf32>,
    %swap3A_95 = vector.shape_cast %swap3A_94 : vector<16xf32> to vector<16xf32>
    %swap3A_96 = vector.shape_cast %broadcast_in_dim3A_92 : vector<16xf32> to vector<16xf32>
    tpu.vector_store %arg7[%swap3A_93], %swap3A_96 {strides = array<i32>} : memref<640xf32, #tpu.memory_space<vmem>>, vector<16xf32>,
    %broadcast_in_dim3A_97 = arith.constant 0.000000e+00 : f32
    %broadcast_in_dim3A_98 = vector.broadcast %broadcast_in_dim3A_97 : f32 to vector<16xf32>
    %swap3A_99 = arith.constant 240 : index
    %swap3A_100 = tpu.vector_load %arg7[%swap3A_99] {strides = array<i32>} : memref<640xf32, #tpu.memory_space<vmem>>, vector<16xf32>,
    %swap3A_101 = vector.shape_cast %swap3A_100 : vector<16xf32> to vector<16xf32>
    %swap3A_102 = vector.shape_cast %broadcast_in_dim3A_98 : vector<16xf32> to vector<16xf32>
    tpu.vector_store %arg7[%swap3A_99], %swap3A_102 {strides = array<i32>} : memref<640xf32, #tpu.memory_space<vmem>>, vector<16xf32>,
    %broadcast_in_dim3A_103 = arith.constant 0.000000e+00 : f32
    %broadcast_in_dim3A_104 = vector.broadcast %broadcast_in_dim3A_103 : f32 to vector<16xf32>
    %swap3A_105 = arith.constant 256 : index
    %swap3A_106 = tpu.vector_load %arg7[%swap3A_105] {strides = array<i32>} : memref<640xf32, #tpu.memory_space<vmem>>, vector<16xf32>,
    %swap3A_107 = vector.shape_cast %swap3A_106 : vector<16xf32> to vector<16xf32>
    %swap3A_108 = vector.shape_cast %broadcast_in_dim3A_104 : vector<16xf32> to vector<16xf32>
    tpu.vector_store %arg7[%swap3A_105], %swap3A_108 {strides = array<i32>} : memref<640xf32, #tpu.memory_space<vmem>>, vector<16xf32>,
    %broadcast_in_dim3A_109 = arith.constant 0.000000e+00 : f32
    %broadcast_in_dim3A_110 = vector.broadcast %broadcast_in_dim3A_109 : f32 to vector<16xf32>
    %swap3A_111 = arith.constant 272 : index
    %swap3A_112 = tpu.vector_load %arg7[%swap3A_111] {strides = array<i32>} : memref<640xf32, #tpu.memory_space<vmem>>, vector<16xf32>,
    %swap3A_113 = vector.shape_cast %swap3A_112 : vector<16xf32> to vector<16xf32>
    %swap3A_114 = vector.shape_cast %broadcast_in_dim3A_110 : vector<16xf32> to vector<16xf32>
    tpu.vector_store %arg7[%swap3A_111], %swap3A_114 {strides = array<i32>} : memref<640xf32, #tpu.memory_space<vmem>>, vector<16xf32>,
    %broadcast_in_dim3A_115 = arith.constant 0.000000e+00 : f32
    %broadcast_in_dim3A_116 = vector.broadcast %broadcast_in_dim3A_115 : f32 to vector<16xf32>
    %swap3A_117 = arith.constant 288 : index
    %swap3A_118 = tpu.vector_load %arg7[%swap3A_117] {strides = array<i32>} : memref<640xf32, #tpu.memory_space<vmem>>, vector<16xf32>,
    %swap3A_119 = vector.shape_cast %swap3A_118 : vector<16xf32> to vector<16xf32>
    %swap3A_120 = vector.shape_cast %broadcast_in_dim3A_116 : vector<16xf32> to vector<16xf32>
    tpu.vector_store %arg7[%swap3A_117], %swap3A_120 {strides = array<i32>} : memref<640xf32, #tpu.memory_space<vmem>>, vector<16xf32>,
    %broadcast_in_dim3A_121 = arith.constant 0.000000e+00 : f32
    %broadcast_in_dim3A_122 = vector.broadcast %broadcast_in_dim3A_121 : f32 to vector<16xf32>
    %swap3A_123 = arith.constant 304 : index
    %swap3A_124 = tpu.vector_load %arg7[%swap3A_123] {strides = array<i32>} : memref<640xf32, #tpu.memory_space<vmem>>, vector<16xf32>,
    %swap3A_125 = vector.shape_cast %swap3A_124 : vector<16xf32> to vector<16xf32>
    %swap3A_126 = vector.shape_cast %broadcast_in_dim3A_122 : vector<16xf32> to vector<16xf32>
    tpu.vector_store %arg7[%swap3A_123], %swap3A_126 {strides = array<i32>} : memref<640xf32, #tpu.memory_space<vmem>>, vector<16xf32>,
    %broadcast_in_dim3A_127 = arith.constant 0.000000e+00 : f32
    %broadcast_in_dim3A_128 = vector.broadcast %broadcast_in_dim3A_127 : f32 to vector<16xf32>
    %swap3A_129 = arith.constant 320 : index
    %swap3A_130 = tpu.vector_load %arg7[%swap3A_129] {strides = array<i32>} : memref<640xf32, #tpu.memory_space<vmem>>, vector<16xf32>,
    %swap3A_131 = vector.shape_cast %swap3A_130 : vector<16xf32> to vector<16xf32>
    %swap3A_132 = vector.shape_cast %broadcast_in_dim3A_128 : vector<16xf32> to vector<16xf32>
    tpu.vector_store %arg7[%swap3A_129], %swap3A_132 {strides = array<i32>} : memref<640xf32, #tpu.memory_space<vmem>>, vector<16xf32>,
    %broadcast_in_dim3A_133 = arith.constant 0.000000e+00 : f32
    %broadcast_in_dim3A_134 = vector.broadcast %broadcast_in_dim3A_133 : f32 to vector<16xf32>
    %swap3A_135 = arith.constant 336 : index
    %swap3A_136 = tpu.vector_load %arg7[%swap3A_135] {strides = array<i32>} : memref<640xf32, #tpu.memory_space<vmem>>, vector<16xf32>,
    %swap3A_137 = vector.shape_cast %swap3A_136 : vector<16xf32> to vector<16xf32>
    %swap3A_138 = vector.shape_cast %broadcast_in_dim3A_134 : vector<16xf32> to vector<16xf32>
    tpu.vector_store %arg7[%swap3A_135], %swap3A_138 {strides = array<i32>} : memref<640xf32, #tpu.memory_space<vmem>>, vector<16xf32>,
    %broadcast_in_dim3A_139 = arith.constant 0.000000e+00 : f32
    %broadcast_in_dim3A_140 = vector.broadcast %broadcast_in_dim3A_139 : f32 to vector<16xf32>
    %swap3A_141 = arith.constant 352 : index
    %swap3A_142 = tpu.vector_load %arg7[%swap3A_141] {strides = array<i32>} : memref<640xf32, #tpu.memory_space<vmem>>, vector<16xf32>,
    %swap3A_143 = vector.shape_cast %swap3A_142 : vector<16xf32> to vector<16xf32>
    %swap3A_144 = vector.shape_cast %broadcast_in_dim3A_140 : vector<16xf32> to vector<16xf32>
    tpu.vector_store %arg7[%swap3A_141], %swap3A_144 {strides = array<i32>} : memref<640xf32, #tpu.memory_space<vmem>>, vector<16xf32>,
    %broadcast_in_dim3A_145 = arith.constant 0.000000e+00 : f32
    %broadcast_in_dim3A_146 = vector.broadcast %broadcast_in_dim3A_145 : f32 to vector<16xf32>
    %swap3A_147 = arith.constant 368 : index
    %swap3A_148 = tpu.vector_load %arg7[%swap3A_147] {strides = array<i32>} : memref<640xf32, #tpu.memory_space<vmem>>, vector<16xf32>,
    %swap3A_149 = vector.shape_cast %swap3A_148 : vector<16xf32> to vector<16xf32>
    %swap3A_150 = vector.shape_cast %broadcast_in_dim3A_146 : vector<16xf32> to vector<16xf32>
    tpu.vector_store %arg7[%swap3A_147], %swap3A_150 {strides = array<i32>} : memref<640xf32, #tpu.memory_space<vmem>>, vector<16xf32>,
    %broadcast_in_dim3A_151 = arith.constant 0.000000e+00 : f32
    %broadcast_in_dim3A_152 = vector.broadcast %broadcast_in_dim3A_151 : f32 to vector<16xf32>
    %swap3A_153 = arith.constant 384 : index
    %swap3A_154 = tpu.vector_load %arg7[%swap3A_153] {strides = array<i32>} : memref<640xf32, #tpu.memory_space<vmem>>, vector<16xf32>,
    %swap3A_155 = vector.shape_cast %swap3A_154 : vector<16xf32> to vector<16xf32>
    %swap3A_156 = vector.shape_cast %broadcast_in_dim3A_152 : vector<16xf32> to vector<16xf32>
    tpu.vector_store %arg7[%swap3A_153], %swap3A_156 {strides = array<i32>} : memref<640xf32, #tpu.memory_space<vmem>>, vector<16xf32>,
    %broadcast_in_dim3A_157 = arith.constant 0.000000e+00 : f32
    %broadcast_in_dim3A_158 = vector.broadcast %broadcast_in_dim3A_157 : f32 to vector<16xf32>
    %swap3A_159 = arith.constant 400 : index
    %swap3A_160 = tpu.vector_load %arg7[%swap3A_159] {strides = array<i32>} : memref<640xf32, #tpu.memory_space<vmem>>, vector<16xf32>,
    %swap3A_161 = vector.shape_cast %swap3A_160 : vector<16xf32> to vector<16xf32>
    %swap3A_162 = vector.shape_cast %broadcast_in_dim3A_158 : vector<16xf32> to vector<16xf32>
    tpu.vector_store %arg7[%swap3A_159], %swap3A_162 {strides = array<i32>} : memref<640xf32, #tpu.memory_space<vmem>>, vector<16xf32>,
    %broadcast_in_dim3A_163 = arith.constant 0.000000e+00 : f32
    %broadcast_in_dim3A_164 = vector.broadcast %broadcast_in_dim3A_163 : f32 to vector<16xf32>
    %swap3A_165 = arith.constant 416 : index
    %swap3A_166 = tpu.vector_load %arg7[%swap3A_165] {strides = array<i32>} : memref<640xf32, #tpu.memory_space<vmem>>, vector<16xf32>,
    %swap3A_167 = vector.shape_cast %swap3A_166 : vector<16xf32> to vector<16xf32>
    %swap3A_168 = vector.shape_cast %broadcast_in_dim3A_164 : vector<16xf32> to vector<16xf32>
    tpu.vector_store %arg7[%swap3A_165], %swap3A_168 {strides = array<i32>} : memref<640xf32, #tpu.memory_space<vmem>>, vector<16xf32>,
    %broadcast_in_dim3A_169 = arith.constant 0.000000e+00 : f32
    %broadcast_in_dim3A_170 = vector.broadcast %broadcast_in_dim3A_169 : f32 to vector<16xf32>
    %swap3A_171 = arith.constant 432 : index
    %swap3A_172 = tpu.vector_load %arg7[%swap3A_171] {strides = array<i32>} : memref<640xf32, #tpu.memory_space<vmem>>, vector<16xf32>,
    %swap3A_173 = vector.shape_cast %swap3A_172 : vector<16xf32> to vector<16xf32>
    %swap3A_174 = vector.shape_cast %broadcast_in_dim3A_170 : vector<16xf32> to vector<16xf32>
    tpu.vector_store %arg7[%swap3A_171], %swap3A_174 {strides = array<i32>} : memref<640xf32, #tpu.memory_space<vmem>>, vector<16xf32>,
    %broadcast_in_dim3A_175 = arith.constant 0.000000e+00 : f32
    %broadcast_in_dim3A_176 = vector.broadcast %broadcast_in_dim3A_175 : f32 to vector<16xf32>
    %swap3A_177 = arith.constant 448 : index
    %swap3A_178 = tpu.vector_load %arg7[%swap3A_177] {strides = array<i32>} : memref<640xf32, #tpu.memory_space<vmem>>, vector<16xf32>,
    %swap3A_179 = vector.shape_cast %swap3A_178 : vector<16xf32> to vector<16xf32>
    %swap3A_180 = vector.shape_cast %broadcast_in_dim3A_176 : vector<16xf32> to vector<16xf32>
    tpu.vector_store %arg7[%swap3A_177], %swap3A_180 {strides = array<i32>} : memref<640xf32, #tpu.memory_space<vmem>>, vector<16xf32>,
    %broadcast_in_dim3A_181 = arith.constant 0.000000e+00 : f32
    %broadcast_in_dim3A_182 = vector.broadcast %broadcast_in_dim3A_181 : f32 to vector<16xf32>
    %swap3A_183 = arith.constant 464 : index
    %swap3A_184 = tpu.vector_load %arg7[%swap3A_183] {strides = array<i32>} : memref<640xf32, #tpu.memory_space<vmem>>, vector<16xf32>,
    %swap3A_185 = vector.shape_cast %swap3A_184 : vector<16xf32> to vector<16xf32>
    %swap3A_186 = vector.shape_cast %broadcast_in_dim3A_182 : vector<16xf32> to vector<16xf32>
    tpu.vector_store %arg7[%swap3A_183], %swap3A_186 {strides = array<i32>} : memref<640xf32, #tpu.memory_space<vmem>>, vector<16xf32>,
    %broadcast_in_dim3A_187 = arith.constant 0.000000e+00 : f32
    %broadcast_in_dim3A_188 = vector.broadcast %broadcast_in_dim3A_187 : f32 to vector<16xf32>
    %swap3A_189 = arith.constant 480 : index
    %swap3A_190 = tpu.vector_load %arg7[%swap3A_189] {strides = array<i32>} : memref<640xf32, #tpu.memory_space<vmem>>, vector<16xf32>,
    %swap3A_191 = vector.shape_cast %swap3A_190 : vector<16xf32> to vector<16xf32>
    %swap3A_192 = vector.shape_cast %broadcast_in_dim3A_188 : vector<16xf32> to vector<16xf32>
    tpu.vector_store %arg7[%swap3A_189], %swap3A_192 {strides = array<i32>} : memref<640xf32, #tpu.memory_space<vmem>>, vector<16xf32>,
    %broadcast_in_dim3A_193 = arith.constant 0.000000e+00 : f32
    %broadcast_in_dim3A_194 = vector.broadcast %broadcast_in_dim3A_193 : f32 to vector<16xf32>
    %swap3A_195 = arith.constant 496 : index
    %swap3A_196 = tpu.vector_load %arg7[%swap3A_195] {strides = array<i32>} : memref<640xf32, #tpu.memory_space<vmem>>, vector<16xf32>,
    %swap3A_197 = vector.shape_cast %swap3A_196 : vector<16xf32> to vector<16xf32>
    %swap3A_198 = vector.shape_cast %broadcast_in_dim3A_194 : vector<16xf32> to vector<16xf32>
    tpu.vector_store %arg7[%swap3A_195], %swap3A_198 {strides = array<i32>} : memref<640xf32, #tpu.memory_space<vmem>>, vector<16xf32>,
    %broadcast_in_dim3A_199 = arith.constant 0.000000e+00 : f32
    %broadcast_in_dim3A_200 = vector.broadcast %broadcast_in_dim3A_199 : f32 to vector<16xf32>
    %swap3A_201 = arith.constant 512 : index
    %swap3A_202 = tpu.vector_load %arg7[%swap3A_201] {strides = array<i32>} : memref<640xf32, #tpu.memory_space<vmem>>, vector<16xf32>,
    %swap3A_203 = vector.shape_cast %swap3A_202 : vector<16xf32> to vector<16xf32>
    %swap3A_204 = vector.shape_cast %broadcast_in_dim3A_200 : vector<16xf32> to vector<16xf32>
    tpu.vector_store %arg7[%swap3A_201], %swap3A_204 {strides = array<i32>} : memref<640xf32, #tpu.memory_space<vmem>>, vector<16xf32>,
    %broadcast_in_dim3A_205 = arith.constant 0.000000e+00 : f32
    %broadcast_in_dim3A_206 = vector.broadcast %broadcast_in_dim3A_205 : f32 to vector<16xf32>
    %swap3A_207 = arith.constant 528 : index
    %swap3A_208 = tpu.vector_load %arg7[%swap3A_207] {strides = array<i32>} : memref<640xf32, #tpu.memory_space<vmem>>, vector<16xf32>,
    %swap3A_209 = vector.shape_cast %swap3A_208 : vector<16xf32> to vector<16xf32>
    %swap3A_210 = vector.shape_cast %broadcast_in_dim3A_206 : vector<16xf32> to vector<16xf32>
    tpu.vector_store %arg7[%swap3A_207], %swap3A_210 {strides = array<i32>} : memref<640xf32, #tpu.memory_space<vmem>>, vector<16xf32>,
    %broadcast_in_dim3A_211 = arith.constant 0.000000e+00 : f32
    %broadcast_in_dim3A_212 = vector.broadcast %broadcast_in_dim3A_211 : f32 to vector<16xf32>
    %swap3A_213 = arith.constant 544 : index
    %swap3A_214 = tpu.vector_load %arg7[%swap3A_213] {strides = array<i32>} : memref<640xf32, #tpu.memory_space<vmem>>, vector<16xf32>,
    %swap3A_215 = vector.shape_cast %swap3A_214 : vector<16xf32> to vector<16xf32>
    %swap3A_216 = vector.shape_cast %broadcast_in_dim3A_212 : vector<16xf32> to vector<16xf32>
    tpu.vector_store %arg7[%swap3A_213], %swap3A_216 {strides = array<i32>} : memref<640xf32, #tpu.memory_space<vmem>>, vector<16xf32>,
    %broadcast_in_dim3A_217 = arith.constant 0.000000e+00 : f32
    %broadcast_in_dim3A_218 = vector.broadcast %broadcast_in_dim3A_217 : f32 to vector<16xf32>
    %swap3A_219 = arith.constant 560 : index
    %swap3A_220 = tpu.vector_load %arg7[%swap3A_219] {strides = array<i32>} : memref<640xf32, #tpu.memory_space<vmem>>, vector<16xf32>,
    %swap3A_221 = vector.shape_cast %swap3A_220 : vector<16xf32> to vector<16xf32>
    %swap3A_222 = vector.shape_cast %broadcast_in_dim3A_218 : vector<16xf32> to vector<16xf32>
    tpu.vector_store %arg7[%swap3A_219], %swap3A_222 {strides = array<i32>} : memref<640xf32, #tpu.memory_space<vmem>>, vector<16xf32>,
    %broadcast_in_dim3A_223 = arith.constant 0.000000e+00 : f32
    %broadcast_in_dim3A_224 = vector.broadcast %broadcast_in_dim3A_223 : f32 to vector<16xf32>
    %swap3A_225 = arith.constant 576 : index
    %swap3A_226 = tpu.vector_load %arg7[%swap3A_225] {strides = array<i32>} : memref<640xf32, #tpu.memory_space<vmem>>, vector<16xf32>,
    %swap3A_227 = vector.shape_cast %swap3A_226 : vector<16xf32> to vector<16xf32>
    %swap3A_228 = vector.shape_cast %broadcast_in_dim3A_224 : vector<16xf32> to vector<16xf32>
    tpu.vector_store %arg7[%swap3A_225], %swap3A_228 {strides = array<i32>} : memref<640xf32, #tpu.memory_space<vmem>>, vector<16xf32>,
    %broadcast_in_dim3A_229 = arith.constant 0.000000e+00 : f32
    %broadcast_in_dim3A_230 = vector.broadcast %broadcast_in_dim3A_229 : f32 to vector<16xf32>
    %swap3A_231 = arith.constant 592 : index
    %swap3A_232 = tpu.vector_load %arg7[%swap3A_231] {strides = array<i32>} : memref<640xf32, #tpu.memory_space<vmem>>, vector<16xf32>,
    %swap3A_233 = vector.shape_cast %swap3A_232 : vector<16xf32> to vector<16xf32>
    %swap3A_234 = vector.shape_cast %broadcast_in_dim3A_230 : vector<16xf32> to vector<16xf32>
    tpu.vector_store %arg7[%swap3A_231], %swap3A_234 {strides = array<i32>} : memref<640xf32, #tpu.memory_space<vmem>>, vector<16xf32>,
    %broadcast_in_dim3A_235 = arith.constant 0.000000e+00 : f32
    %broadcast_in_dim3A_236 = vector.broadcast %broadcast_in_dim3A_235 : f32 to vector<16xf32>
    %swap3A_237 = arith.constant 608 : index
    %swap3A_238 = tpu.vector_load %arg7[%swap3A_237] {strides = array<i32>} : memref<640xf32, #tpu.memory_space<vmem>>, vector<16xf32>,
    %swap3A_239 = vector.shape_cast %swap3A_238 : vector<16xf32> to vector<16xf32>
    %swap3A_240 = vector.shape_cast %broadcast_in_dim3A_236 : vector<16xf32> to vector<16xf32>
    tpu.vector_store %arg7[%swap3A_237], %swap3A_240 {strides = array<i32>} : memref<640xf32, #tpu.memory_space<vmem>>, vector<16xf32>,
    %broadcast_in_dim3A_241 = arith.constant 0.000000e+00 : f32
    %broadcast_in_dim3A_242 = vector.broadcast %broadcast_in_dim3A_241 : f32 to vector<16xf32>
    %swap3A_243 = arith.constant 624 : index
    %swap3A_244 = tpu.vector_load %arg7[%swap3A_243] {strides = array<i32>} : memref<640xf32, #tpu.memory_space<vmem>>, vector<16xf32>,
    %swap3A_245 = vector.shape_cast %swap3A_244 : vector<16xf32> to vector<16xf32>
    %swap3A_246 = vector.shape_cast %broadcast_in_dim3A_242 : vector<16xf32> to vector<16xf32>
    tpu.vector_store %arg7[%swap3A_243], %swap3A_246 {strides = array<i32>} : memref<640xf32, #tpu.memory_space<vmem>>, vector<16xf32>,
    %mul3A_247 = arith.constant 640 : i32
    %mul3A_248 = arith.muli %arg1, %mul3A_247 : i32
    "tpu.region"() ({
      %run_scoped3A_267 = tpu.sem_alloc : memref<!tpu.dma_semaphore, #tpu.memory_space<semaphore_mem>>
      %dma_start3A = tpu.memref_slice %arg8[%mul3A_248] : memref<10240xf32, #tpu.memory_space<vmem_shared>> -> memref<640xf32, #tpu.memory_space<vmem_shared>>
      %dma_start3A_268 = tpu.memref_slice %arg8[%mul3A_248] : memref<10240xf32, #tpu.memory_space<vmem_shared>> -> memref<640xf32, #tpu.memory_space<vmem_shared>>
      tpu.enqueue_dma source(%arg7 : memref<640xf32, #tpu.memory_space<vmem>>) target(%dma_start3A_268 : memref<640xf32, #tpu.memory_space<vmem_shared>>) target_semaphore(%run_scoped3A_267 : memref<!tpu.dma_semaphore, #tpu.memory_space<semaphore_mem>>)
      %dma_wait3A = tpu.memref_slice %arg8[%mul3A_248] : memref<10240xf32, #tpu.memory_space<vmem_shared>> -> memref<640xf32, #tpu.memory_space<vmem_shared>>
      %dma_wait3A_269 = tpu.memref_slice %arg8[%mul3A_248] : memref<10240xf32, #tpu.memory_space<vmem_shared>> -> memref<640xf32, #tpu.memory_space<vmem_shared>>
      tpu.wait_dma2 semaphore(%run_scoped3A_267 : memref<!tpu.dma_semaphore, #tpu.memory_space<semaphore_mem>>) src(%arg7 : memref<640xf32, #tpu.memory_space<vmem>>) dst(%dma_wait3A_269 : memref<640xf32, #tpu.memory_space<vmem_shared>>)
      tpu.yield
    }) : () -> ()
    %barrier3A = arith.constant 0 : index
    tpu.barrier barrier_id(%barrier3A)
    %lt3A_249 = arith.constant 31 : i32
    %lt3A_250 = arith.cmpi slt, %add3A, %lt3A_249 : i32
    %convert_element_type3A_251 = arith.extui %lt3A_250 : i1 to i32
    %cond3A_252 = arith.constant 0 : i32
    %cond3A_253 = arith.cmpi ne, %convert_element_type3A_251, %cond3A_252 : i32
    scf.if %cond3A_253 {
      %dma_wait3A = arith.constant 0 : i32
      %dma_wait3A_267 = tpu.memref_slice %arg2[%dma_wait3A, %mul3A_2] : memref<2x320000xi32, #tpu.memory_space<hbm>> -> memref<2x10240xi32, #tpu.memory_space<hbm>>
      %dma_wait3A_268 = arith.constant 0 : i32
      %dma_wait3A_269 = tpu.memref_slice %arg2[%dma_wait3A_268, %mul3A_2] : memref<2x320000xi32, #tpu.memory_space<hbm>> -> memref<2x10240xi32, #tpu.memory_space<hbm>>
      tpu.wait_dma2 semaphore(%arg9 : memref<!tpu.dma_semaphore, #tpu.memory_space<semaphore_mem>>) src(%dma_wait3A_269 : memref<2x10240xi32, #tpu.memory_space<hbm>>) dst(%arg4 : memref<2x10240xi32, #tpu.memory_space<vmem>>)
      %scan3A = arith.constant 0 : i32
      %scan3A_270 = arith.constant 0 : i32
      %scan3A_271 = arith.constant 20 : i32
      %scan3A_272 = arith.addi %scan3A_270, %scan3A_271 : i32
      %scan3A_273 = arith.constant 1 : i32
      scf.for %scan3A_275 = %scan3A_270 to %scan3A_272 step %scan3A_273  : i32 {
        %mul3A_276 = arith.constant 512 : i32
        %mul3A_277 = arith.muli %scan3A_275, %mul3A_276 : i32
        %broadcast_in_dim3A_278 = arith.constant false
        %broadcast_in_dim3A_279 = vector.broadcast %broadcast_in_dim3A_278 : i1 to vector<16xi1>
        %add3A_280 = arith.constant 0 : i32
        %add3A_281 = arith.addi %mul3A_277, %add3A_280 : i32
        %get3A = arith.constant 1 : i32
        %get3A_282 = arith.index_cast %get3A : i32 to index
        %get3A_283 = arith.index_cast %add3A_281 : i32 to index
        %get3A_284 = tpu.vector_load %arg4[%get3A_282, %get3A_283] {strides = array<i32>} : memref<2x10240xi32, #tpu.memory_space<vmem>>, vector<1x16xi32>,
        %get3A_285 = vector.shape_cast %get3A_284 : vector<1x16xi32> to vector<16xi32>
        %eq3A_286 = arith.constant 0 : i32
        %eq3A_287 = vector.broadcast %eq3A_286 : i32 to vector<16xi32>
        %eq3A_288 = arith.cmpi eq, %get3A_285, %eq3A_287 : vector<16xi32>
        %or3A = arith.ori %broadcast_in_dim3A_279, %eq3A_288 : vector<16xi1>
        %add3A_289 = arith.constant 16 : i32
        %add3A_290 = arith.addi %mul3A_277, %add3A_289 : i32
        %get3A_291 = arith.constant 1 : i32
        %get3A_292 = arith.index_cast %get3A_291 : i32 to index
        %get3A_293 = arith.index_cast %add3A_290 : i32 to index
        %get3A_294 = tpu.vector_load %arg4[%get3A_292, %get3A_293] {strides = array<i32>} : memref<2x10240xi32, #tpu.memory_space<vmem>>, vector<1x16xi32>,
        %get3A_295 = vector.shape_cast %get3A_294 : vector<1x16xi32> to vector<16xi32>
        %eq3A_296 = arith.constant 0 : i32
        %eq3A_297 = vector.broadcast %eq3A_296 : i32 to vector<16xi32>
        %eq3A_298 = arith.cmpi eq, %get3A_295, %eq3A_297 : vector<16xi32>
        %or3A_299 = arith.ori %or3A, %eq3A_298 : vector<16xi1>
        %add3A_300 = arith.constant 32 : i32
        %add3A_301 = arith.addi %mul3A_277, %add3A_300 : i32
        %get3A_302 = arith.constant 1 : i32
        %get3A_303 = arith.index_cast %get3A_302 : i32 to index
        %get3A_304 = arith.index_cast %add3A_301 : i32 to index
        %get3A_305 = tpu.vector_load %arg4[%get3A_303, %get3A_304] {strides = array<i32>} : memref<2x10240xi32, #tpu.memory_space<vmem>>, vector<1x16xi32>,
        %get3A_306 = vector.shape_cast %get3A_305 : vector<1x16xi32> to vector<16xi32>
        %eq3A_307 = arith.constant 0 : i32
        %eq3A_308 = vector.broadcast %eq3A_307 : i32 to vector<16xi32>
        %eq3A_309 = arith.cmpi eq, %get3A_306, %eq3A_308 : vector<16xi32>
        %or3A_310 = arith.ori %or3A_299, %eq3A_309 : vector<16xi1>
        %add3A_311 = arith.constant 48 : i32
        %add3A_312 = arith.addi %mul3A_277, %add3A_311 : i32
        %get3A_313 = arith.constant 1 : i32
        %get3A_314 = arith.index_cast %get3A_313 : i32 to index
        %get3A_315 = arith.index_cast %add3A_312 : i32 to index
        %get3A_316 = tpu.vector_load %arg4[%get3A_314, %get3A_315] {strides = array<i32>} : memref<2x10240xi32, #tpu.memory_space<vmem>>, vector<1x16xi32>,
        %get3A_317 = vector.shape_cast %get3A_316 : vector<1x16xi32> to vector<16xi32>
        %eq3A_318 = arith.constant 0 : i32
        %eq3A_319 = vector.broadcast %eq3A_318 : i32 to vector<16xi32>
        %eq3A_320 = arith.cmpi eq, %get3A_317, %eq3A_319 : vector<16xi32>
        %or3A_321 = arith.ori %or3A_310, %eq3A_320 : vector<16xi1>
        %add3A_322 = arith.constant 64 : i32
        %add3A_323 = arith.addi %mul3A_277, %add3A_322 : i32
        %get3A_324 = arith.constant 1 : i32
        %get3A_325 = arith.index_cast %get3A_324 : i32 to index
        %get3A_326 = arith.index_cast %add3A_323 : i32 to index
        %get3A_327 = tpu.vector_load %arg4[%get3A_325, %get3A_326] {strides = array<i32>} : memref<2x10240xi32, #tpu.memory_space<vmem>>, vector<1x16xi32>,
        %get3A_328 = vector.shape_cast %get3A_327 : vector<1x16xi32> to vector<16xi32>
        %eq3A_329 = arith.constant 0 : i32
        %eq3A_330 = vector.broadcast %eq3A_329 : i32 to vector<16xi32>
        %eq3A_331 = arith.cmpi eq, %get3A_328, %eq3A_330 : vector<16xi32>
        %or3A_332 = arith.ori %or3A_321, %eq3A_331 : vector<16xi1>
        %add3A_333 = arith.constant 80 : i32
        %add3A_334 = arith.addi %mul3A_277, %add3A_333 : i32
        %get3A_335 = arith.constant 1 : i32
        %get3A_336 = arith.index_cast %get3A_335 : i32 to index
        %get3A_337 = arith.index_cast %add3A_334 : i32 to index
        %get3A_338 = tpu.vector_load %arg4[%get3A_336, %get3A_337] {strides = array<i32>} : memref<2x10240xi32, #tpu.memory_space<vmem>>, vector<1x16xi32>,
        %get3A_339 = vector.shape_cast %get3A_338 : vector<1x16xi32> to vector<16xi32>
        %eq3A_340 = arith.constant 0 : i32
        %eq3A_341 = vector.broadcast %eq3A_340 : i32 to vector<16xi32>
        %eq3A_342 = arith.cmpi eq, %get3A_339, %eq3A_341 : vector<16xi32>
        %or3A_343 = arith.ori %or3A_332, %eq3A_342 : vector<16xi1>
        %add3A_344 = arith.constant 96 : i32
        %add3A_345 = arith.addi %mul3A_277, %add3A_344 : i32
        %get3A_346 = arith.constant 1 : i32
        %get3A_347 = arith.index_cast %get3A_346 : i32 to index
        %get3A_348 = arith.index_cast %add3A_345 : i32 to index
        %get3A_349 = tpu.vector_load %arg4[%get3A_347, %get3A_348] {strides = array<i32>} : memref<2x10240xi32, #tpu.memory_space<vmem>>, vector<1x16xi32>,
        %get3A_350 = vector.shape_cast %get3A_349 : vector<1x16xi32> to vector<16xi32>
        %eq3A_351 = arith.constant 0 : i32
        %eq3A_352 = vector.broadcast %eq3A_351 : i32 to vector<16xi32>
        %eq3A_353 = arith.cmpi eq, %get3A_350, %eq3A_352 : vector<16xi32>
        %or3A_354 = arith.ori %or3A_343, %eq3A_353 : vector<16xi1>
        %add3A_355 = arith.constant 112 : i32
        %add3A_356 = arith.addi %mul3A_277, %add3A_355 : i32
        %get3A_357 = arith.constant 1 : i32
        %get3A_358 = arith.index_cast %get3A_357 : i32 to index
        %get3A_359 = arith.index_cast %add3A_356 : i32 to index
        %get3A_360 = tpu.vector_load %arg4[%get3A_358, %get3A_359] {strides = array<i32>} : memref<2x10240xi32, #tpu.memory_space<vmem>>, vector<1x16xi32>,
        %get3A_361 = vector.shape_cast %get3A_360 : vector<1x16xi32> to vector<16xi32>
        %eq3A_362 = arith.constant 0 : i32
        %eq3A_363 = vector.broadcast %eq3A_362 : i32 to vector<16xi32>
        %eq3A_364 = arith.cmpi eq, %get3A_361, %eq3A_363 : vector<16xi32>
        %or3A_365 = arith.ori %or3A_354, %eq3A_364 : vector<16xi1>
        %add3A_366 = arith.constant 128 : i32
        %add3A_367 = arith.addi %mul3A_277, %add3A_366 : i32
        %get3A_368 = arith.constant 1 : i32
        %get3A_369 = arith.index_cast %get3A_368 : i32 to index
        %get3A_370 = arith.index_cast %add3A_367 : i32 to index
        %get3A_371 = tpu.vector_load %arg4[%get3A_369, %get3A_370] {strides = array<i32>} : memref<2x10240xi32, #tpu.memory_space<vmem>>, vector<1x16xi32>,
        %get3A_372 = vector.shape_cast %get3A_371 : vector<1x16xi32> to vector<16xi32>
        %eq3A_373 = arith.constant 0 : i32
        %eq3A_374 = vector.broadcast %eq3A_373 : i32 to vector<16xi32>
        %eq3A_375 = arith.cmpi eq, %get3A_372, %eq3A_374 : vector<16xi32>
        %or3A_376 = arith.ori %or3A_365, %eq3A_375 : vector<16xi1>
        %add3A_377 = arith.constant 144 : i32
        %add3A_378 = arith.addi %mul3A_277, %add3A_377 : i32
        %get3A_379 = arith.constant 1 : i32
        %get3A_380 = arith.index_cast %get3A_379 : i32 to index
        %get3A_381 = arith.index_cast %add3A_378 : i32 to index
        %get3A_382 = tpu.vector_load %arg4[%get3A_380, %get3A_381] {strides = array<i32>} : memref<2x10240xi32, #tpu.memory_space<vmem>>, vector<1x16xi32>,
        %get3A_383 = vector.shape_cast %get3A_382 : vector<1x16xi32> to vector<16xi32>
        %eq3A_384 = arith.constant 0 : i32
        %eq3A_385 = vector.broadcast %eq3A_384 : i32 to vector<16xi32>
        %eq3A_386 = arith.cmpi eq, %get3A_383, %eq3A_385 : vector<16xi32>
        %or3A_387 = arith.ori %or3A_376, %eq3A_386 : vector<16xi1>
        %add3A_388 = arith.constant 160 : i32
        %add3A_389 = arith.addi %mul3A_277, %add3A_388 : i32
        %get3A_390 = arith.constant 1 : i32
        %get3A_391 = arith.index_cast %get3A_390 : i32 to index
        %get3A_392 = arith.index_cast %add3A_389 : i32 to index
        %get3A_393 = tpu.vector_load %arg4[%get3A_391, %get3A_392] {strides = array<i32>} : memref<2x10240xi32, #tpu.memory_space<vmem>>, vector<1x16xi32>,
        %get3A_394 = vector.shape_cast %get3A_393 : vector<1x16xi32> to vector<16xi32>
        %eq3A_395 = arith.constant 0 : i32
        %eq3A_396 = vector.broadcast %eq3A_395 : i32 to vector<16xi32>
        %eq3A_397 = arith.cmpi eq, %get3A_394, %eq3A_396 : vector<16xi32>
        %or3A_398 = arith.ori %or3A_387, %eq3A_397 : vector<16xi1>
        %add3A_399 = arith.constant 176 : i32
        %add3A_400 = arith.addi %mul3A_277, %add3A_399 : i32
        %get3A_401 = arith.constant 1 : i32
        %get3A_402 = arith.index_cast %get3A_401 : i32 to index
        %get3A_403 = arith.index_cast %add3A_400 : i32 to index
        %get3A_404 = tpu.vector_load %arg4[%get3A_402, %get3A_403] {strides = array<i32>} : memref<2x10240xi32, #tpu.memory_space<vmem>>, vector<1x16xi32>,
        %get3A_405 = vector.shape_cast %get3A_404 : vector<1x16xi32> to vector<16xi32>
        %eq3A_406 = arith.constant 0 : i32
        %eq3A_407 = vector.broadcast %eq3A_406 : i32 to vector<16xi32>
        %eq3A_408 = arith.cmpi eq, %get3A_405, %eq3A_407 : vector<16xi32>
        %or3A_409 = arith.ori %or3A_398, %eq3A_408 : vector<16xi1>
        %add3A_410 = arith.constant 192 : i32
        %add3A_411 = arith.addi %mul3A_277, %add3A_410 : i32
        %get3A_412 = arith.constant 1 : i32
        %get3A_413 = arith.index_cast %get3A_412 : i32 to index
        %get3A_414 = arith.index_cast %add3A_411 : i32 to index
        %get3A_415 = tpu.vector_load %arg4[%get3A_413, %get3A_414] {strides = array<i32>} : memref<2x10240xi32, #tpu.memory_space<vmem>>, vector<1x16xi32>,
        %get3A_416 = vector.shape_cast %get3A_415 : vector<1x16xi32> to vector<16xi32>
        %eq3A_417 = arith.constant 0 : i32
        %eq3A_418 = vector.broadcast %eq3A_417 : i32 to vector<16xi32>
        %eq3A_419 = arith.cmpi eq, %get3A_416, %eq3A_418 : vector<16xi32>
        %or3A_420 = arith.ori %or3A_409, %eq3A_419 : vector<16xi1>
        %add3A_421 = arith.constant 208 : i32
        %add3A_422 = arith.addi %mul3A_277, %add3A_421 : i32
        %get3A_423 = arith.constant 1 : i32
        %get3A_424 = arith.index_cast %get3A_423 : i32 to index
        %get3A_425 = arith.index_cast %add3A_422 : i32 to index
        %get3A_426 = tpu.vector_load %arg4[%get3A_424, %get3A_425] {strides = array<i32>} : memref<2x10240xi32, #tpu.memory_space<vmem>>, vector<1x16xi32>,
        %get3A_427 = vector.shape_cast %get3A_426 : vector<1x16xi32> to vector<16xi32>
        %eq3A_428 = arith.constant 0 : i32
        %eq3A_429 = vector.broadcast %eq3A_428 : i32 to vector<16xi32>
        %eq3A_430 = arith.cmpi eq, %get3A_427, %eq3A_429 : vector<16xi32>
        %or3A_431 = arith.ori %or3A_420, %eq3A_430 : vector<16xi1>
        %add3A_432 = arith.constant 224 : i32
        %add3A_433 = arith.addi %mul3A_277, %add3A_432 : i32
        %get3A_434 = arith.constant 1 : i32
        %get3A_435 = arith.index_cast %get3A_434 : i32 to index
        %get3A_436 = arith.index_cast %add3A_433 : i32 to index
        %get3A_437 = tpu.vector_load %arg4[%get3A_435, %get3A_436] {strides = array<i32>} : memref<2x10240xi32, #tpu.memory_space<vmem>>, vector<1x16xi32>,
        %get3A_438 = vector.shape_cast %get3A_437 : vector<1x16xi32> to vector<16xi32>
        %eq3A_439 = arith.constant 0 : i32
        %eq3A_440 = vector.broadcast %eq3A_439 : i32 to vector<16xi32>
        %eq3A_441 = arith.cmpi eq, %get3A_438, %eq3A_440 : vector<16xi32>
        %or3A_442 = arith.ori %or3A_431, %eq3A_441 : vector<16xi1>
        %add3A_443 = arith.constant 240 : i32
        %add3A_444 = arith.addi %mul3A_277, %add3A_443 : i32
        %get3A_445 = arith.constant 1 : i32
        %get3A_446 = arith.index_cast %get3A_445 : i32 to index
        %get3A_447 = arith.index_cast %add3A_444 : i32 to index
        %get3A_448 = tpu.vector_load %arg4[%get3A_446, %get3A_447] {strides = array<i32>} : memref<2x10240xi32, #tpu.memory_space<vmem>>, vector<1x16xi32>,
        %get3A_449 = vector.shape_cast %get3A_448 : vector<1x16xi32> to vector<16xi32>
        %eq3A_450 = arith.constant 0 : i32
        %eq3A_451 = vector.broadcast %eq3A_450 : i32 to vector<16xi32>
        %eq3A_452 = arith.cmpi eq, %get3A_449, %eq3A_451 : vector<16xi32>
        %or3A_453 = arith.ori %or3A_442, %eq3A_452 : vector<16xi1>
        %add3A_454 = arith.constant 256 : i32
        %add3A_455 = arith.addi %mul3A_277, %add3A_454 : i32
        %get3A_456 = arith.constant 1 : i32
        %get3A_457 = arith.index_cast %get3A_456 : i32 to index
        %get3A_458 = arith.index_cast %add3A_455 : i32 to index
        %get3A_459 = tpu.vector_load %arg4[%get3A_457, %get3A_458] {strides = array<i32>} : memref<2x10240xi32, #tpu.memory_space<vmem>>, vector<1x16xi32>,
        %get3A_460 = vector.shape_cast %get3A_459 : vector<1x16xi32> to vector<16xi32>
        %eq3A_461 = arith.constant 0 : i32
        %eq3A_462 = vector.broadcast %eq3A_461 : i32 to vector<16xi32>
        %eq3A_463 = arith.cmpi eq, %get3A_460, %eq3A_462 : vector<16xi32>
        %or3A_464 = arith.ori %or3A_453, %eq3A_463 : vector<16xi1>
        %add3A_465 = arith.constant 272 : i32
        %add3A_466 = arith.addi %mul3A_277, %add3A_465 : i32
        %get3A_467 = arith.constant 1 : i32
        %get3A_468 = arith.index_cast %get3A_467 : i32 to index
        %get3A_469 = arith.index_cast %add3A_466 : i32 to index
        %get3A_470 = tpu.vector_load %arg4[%get3A_468, %get3A_469] {strides = array<i32>} : memref<2x10240xi32, #tpu.memory_space<vmem>>, vector<1x16xi32>,
        %get3A_471 = vector.shape_cast %get3A_470 : vector<1x16xi32> to vector<16xi32>
        %eq3A_472 = arith.constant 0 : i32
        %eq3A_473 = vector.broadcast %eq3A_472 : i32 to vector<16xi32>
        %eq3A_474 = arith.cmpi eq, %get3A_471, %eq3A_473 : vector<16xi32>
        %or3A_475 = arith.ori %or3A_464, %eq3A_474 : vector<16xi1>
        %add3A_476 = arith.constant 288 : i32
        %add3A_477 = arith.addi %mul3A_277, %add3A_476 : i32
        %get3A_478 = arith.constant 1 : i32
        %get3A_479 = arith.index_cast %get3A_478 : i32 to index
        %get3A_480 = arith.index_cast %add3A_477 : i32 to index
        %get3A_481 = tpu.vector_load %arg4[%get3A_479, %get3A_480] {strides = array<i32>} : memref<2x10240xi32, #tpu.memory_space<vmem>>, vector<1x16xi32>,
        %get3A_482 = vector.shape_cast %get3A_481 : vector<1x16xi32> to vector<16xi32>
        %eq3A_483 = arith.constant 0 : i32
        %eq3A_484 = vector.broadcast %eq3A_483 : i32 to vector<16xi32>
        %eq3A_485 = arith.cmpi eq, %get3A_482, %eq3A_484 : vector<16xi32>
        %or3A_486 = arith.ori %or3A_475, %eq3A_485 : vector<16xi1>
        %add3A_487 = arith.constant 304 : i32
        %add3A_488 = arith.addi %mul3A_277, %add3A_487 : i32
        %get3A_489 = arith.constant 1 : i32
        %get3A_490 = arith.index_cast %get3A_489 : i32 to index
        %get3A_491 = arith.index_cast %add3A_488 : i32 to index
        %get3A_492 = tpu.vector_load %arg4[%get3A_490, %get3A_491] {strides = array<i32>} : memref<2x10240xi32, #tpu.memory_space<vmem>>, vector<1x16xi32>,
        %get3A_493 = vector.shape_cast %get3A_492 : vector<1x16xi32> to vector<16xi32>
        %eq3A_494 = arith.constant 0 : i32
        %eq3A_495 = vector.broadcast %eq3A_494 : i32 to vector<16xi32>
        %eq3A_496 = arith.cmpi eq, %get3A_493, %eq3A_495 : vector<16xi32>
        %or3A_497 = arith.ori %or3A_486, %eq3A_496 : vector<16xi1>
        %add3A_498 = arith.constant 320 : i32
        %add3A_499 = arith.addi %mul3A_277, %add3A_498 : i32
        %get3A_500 = arith.constant 1 : i32
        %get3A_501 = arith.index_cast %get3A_500 : i32 to index
        %get3A_502 = arith.index_cast %add3A_499 : i32 to index
        %get3A_503 = tpu.vector_load %arg4[%get3A_501, %get3A_502] {strides = array<i32>} : memref<2x10240xi32, #tpu.memory_space<vmem>>, vector<1x16xi32>,
        %get3A_504 = vector.shape_cast %get3A_503 : vector<1x16xi32> to vector<16xi32>
        %eq3A_505 = arith.constant 0 : i32
        %eq3A_506 = vector.broadcast %eq3A_505 : i32 to vector<16xi32>
        %eq3A_507 = arith.cmpi eq, %get3A_504, %eq3A_506 : vector<16xi32>
        %or3A_508 = arith.ori %or3A_497, %eq3A_507 : vector<16xi1>
        %add3A_509 = arith.constant 336 : i32
        %add3A_510 = arith.addi %mul3A_277, %add3A_509 : i32
        %get3A_511 = arith.constant 1 : i32
        %get3A_512 = arith.index_cast %get3A_511 : i32 to index
        %get3A_513 = arith.index_cast %add3A_510 : i32 to index
        %get3A_514 = tpu.vector_load %arg4[%get3A_512, %get3A_513] {strides = array<i32>} : memref<2x10240xi32, #tpu.memory_space<vmem>>, vector<1x16xi32>,
        %get3A_515 = vector.shape_cast %get3A_514 : vector<1x16xi32> to vector<16xi32>
        %eq3A_516 = arith.constant 0 : i32
        %eq3A_517 = vector.broadcast %eq3A_516 : i32 to vector<16xi32>
        %eq3A_518 = arith.cmpi eq, %get3A_515, %eq3A_517 : vector<16xi32>
        %or3A_519 = arith.ori %or3A_508, %eq3A_518 : vector<16xi1>
        %add3A_520 = arith.constant 352 : i32
        %add3A_521 = arith.addi %mul3A_277, %add3A_520 : i32
        %get3A_522 = arith.constant 1 : i32
        %get3A_523 = arith.index_cast %get3A_522 : i32 to index
        %get3A_524 = arith.index_cast %add3A_521 : i32 to index
        %get3A_525 = tpu.vector_load %arg4[%get3A_523, %get3A_524] {strides = array<i32>} : memref<2x10240xi32, #tpu.memory_space<vmem>>, vector<1x16xi32>,
        %get3A_526 = vector.shape_cast %get3A_525 : vector<1x16xi32> to vector<16xi32>
        %eq3A_527 = arith.constant 0 : i32
        %eq3A_528 = vector.broadcast %eq3A_527 : i32 to vector<16xi32>
        %eq3A_529 = arith.cmpi eq, %get3A_526, %eq3A_528 : vector<16xi32>
        %or3A_530 = arith.ori %or3A_519, %eq3A_529 : vector<16xi1>
        %add3A_531 = arith.constant 368 : i32
        %add3A_532 = arith.addi %mul3A_277, %add3A_531 : i32
        %get3A_533 = arith.constant 1 : i32
        %get3A_534 = arith.index_cast %get3A_533 : i32 to index
        %get3A_535 = arith.index_cast %add3A_532 : i32 to index
        %get3A_536 = tpu.vector_load %arg4[%get3A_534, %get3A_535] {strides = array<i32>} : memref<2x10240xi32, #tpu.memory_space<vmem>>, vector<1x16xi32>,
        %get3A_537 = vector.shape_cast %get3A_536 : vector<1x16xi32> to vector<16xi32>
        %eq3A_538 = arith.constant 0 : i32
        %eq3A_539 = vector.broadcast %eq3A_538 : i32 to vector<16xi32>
        %eq3A_540 = arith.cmpi eq, %get3A_537, %eq3A_539 : vector<16xi32>
        %or3A_541 = arith.ori %or3A_530, %eq3A_540 : vector<16xi1>
        %add3A_542 = arith.constant 384 : i32
        %add3A_543 = arith.addi %mul3A_277, %add3A_542 : i32
        %get3A_544 = arith.constant 1 : i32
        %get3A_545 = arith.index_cast %get3A_544 : i32 to index
        %get3A_546 = arith.index_cast %add3A_543 : i32 to index
        %get3A_547 = tpu.vector_load %arg4[%get3A_545, %get3A_546] {strides = array<i32>} : memref<2x10240xi32, #tpu.memory_space<vmem>>, vector<1x16xi32>,
        %get3A_548 = vector.shape_cast %get3A_547 : vector<1x16xi32> to vector<16xi32>
        %eq3A_549 = arith.constant 0 : i32
        %eq3A_550 = vector.broadcast %eq3A_549 : i32 to vector<16xi32>
        %eq3A_551 = arith.cmpi eq, %get3A_548, %eq3A_550 : vector<16xi32>
        %or3A_552 = arith.ori %or3A_541, %eq3A_551 : vector<16xi1>
        %add3A_553 = arith.constant 400 : i32
        %add3A_554 = arith.addi %mul3A_277, %add3A_553 : i32
        %get3A_555 = arith.constant 1 : i32
        %get3A_556 = arith.index_cast %get3A_555 : i32 to index
        %get3A_557 = arith.index_cast %add3A_554 : i32 to index
        %get3A_558 = tpu.vector_load %arg4[%get3A_556, %get3A_557] {strides = array<i32>} : memref<2x10240xi32, #tpu.memory_space<vmem>>, vector<1x16xi32>,
        %get3A_559 = vector.shape_cast %get3A_558 : vector<1x16xi32> to vector<16xi32>
        %eq3A_560 = arith.constant 0 : i32
        %eq3A_561 = vector.broadcast %eq3A_560 : i32 to vector<16xi32>
        %eq3A_562 = arith.cmpi eq, %get3A_559, %eq3A_561 : vector<16xi32>
        %or3A_563 = arith.ori %or3A_552, %eq3A_562 : vector<16xi1>
        %add3A_564 = arith.constant 416 : i32
        %add3A_565 = arith.addi %mul3A_277, %add3A_564 : i32
        %get3A_566 = arith.constant 1 : i32
        %get3A_567 = arith.index_cast %get3A_566 : i32 to index
        %get3A_568 = arith.index_cast %add3A_565 : i32 to index
        %get3A_569 = tpu.vector_load %arg4[%get3A_567, %get3A_568] {strides = array<i32>} : memref<2x10240xi32, #tpu.memory_space<vmem>>, vector<1x16xi32>,
        %get3A_570 = vector.shape_cast %get3A_569 : vector<1x16xi32> to vector<16xi32>
        %eq3A_571 = arith.constant 0 : i32
        %eq3A_572 = vector.broadcast %eq3A_571 : i32 to vector<16xi32>
        %eq3A_573 = arith.cmpi eq, %get3A_570, %eq3A_572 : vector<16xi32>
        %or3A_574 = arith.ori %or3A_563, %eq3A_573 : vector<16xi1>
        %add3A_575 = arith.constant 432 : i32
        %add3A_576 = arith.addi %mul3A_277, %add3A_575 : i32
        %get3A_577 = arith.constant 1 : i32
        %get3A_578 = arith.index_cast %get3A_577 : i32 to index
        %get3A_579 = arith.index_cast %add3A_576 : i32 to index
        %get3A_580 = tpu.vector_load %arg4[%get3A_578, %get3A_579] {strides = array<i32>} : memref<2x10240xi32, #tpu.memory_space<vmem>>, vector<1x16xi32>,
        %get3A_581 = vector.shape_cast %get3A_580 : vector<1x16xi32> to vector<16xi32>
        %eq3A_582 = arith.constant 0 : i32
        %eq3A_583 = vector.broadcast %eq3A_582 : i32 to vector<16xi32>
        %eq3A_584 = arith.cmpi eq, %get3A_581, %eq3A_583 : vector<16xi32>
        %or3A_585 = arith.ori %or3A_574, %eq3A_584 : vector<16xi1>
        %add3A_586 = arith.constant 448 : i32
        %add3A_587 = arith.addi %mul3A_277, %add3A_586 : i32
        %get3A_588 = arith.constant 1 : i32
        %get3A_589 = arith.index_cast %get3A_588 : i32 to index
        %get3A_590 = arith.index_cast %add3A_587 : i32 to index
        %get3A_591 = tpu.vector_load %arg4[%get3A_589, %get3A_590] {strides = array<i32>} : memref<2x10240xi32, #tpu.memory_space<vmem>>, vector<1x16xi32>,
        %get3A_592 = vector.shape_cast %get3A_591 : vector<1x16xi32> to vector<16xi32>
        %eq3A_593 = arith.constant 0 : i32
        %eq3A_594 = vector.broadcast %eq3A_593 : i32 to vector<16xi32>
        %eq3A_595 = arith.cmpi eq, %get3A_592, %eq3A_594 : vector<16xi32>
        %or3A_596 = arith.ori %or3A_585, %eq3A_595 : vector<16xi1>
        %add3A_597 = arith.constant 464 : i32
        %add3A_598 = arith.addi %mul3A_277, %add3A_597 : i32
        %get3A_599 = arith.constant 1 : i32
        %get3A_600 = arith.index_cast %get3A_599 : i32 to index
        %get3A_601 = arith.index_cast %add3A_598 : i32 to index
        %get3A_602 = tpu.vector_load %arg4[%get3A_600, %get3A_601] {strides = array<i32>} : memref<2x10240xi32, #tpu.memory_space<vmem>>, vector<1x16xi32>,
        %get3A_603 = vector.shape_cast %get3A_602 : vector<1x16xi32> to vector<16xi32>
        %eq3A_604 = arith.constant 0 : i32
        %eq3A_605 = vector.broadcast %eq3A_604 : i32 to vector<16xi32>
        %eq3A_606 = arith.cmpi eq, %get3A_603, %eq3A_605 : vector<16xi32>
        %or3A_607 = arith.ori %or3A_596, %eq3A_606 : vector<16xi1>
        %add3A_608 = arith.constant 480 : i32
        %add3A_609 = arith.addi %mul3A_277, %add3A_608 : i32
        %get3A_610 = arith.constant 1 : i32
        %get3A_611 = arith.index_cast %get3A_610 : i32 to index
        %get3A_612 = arith.index_cast %add3A_609 : i32 to index
        %get3A_613 = tpu.vector_load %arg4[%get3A_611, %get3A_612] {strides = array<i32>} : memref<2x10240xi32, #tpu.memory_space<vmem>>, vector<1x16xi32>,
        %get3A_614 = vector.shape_cast %get3A_613 : vector<1x16xi32> to vector<16xi32>
        %eq3A_615 = arith.constant 0 : i32
        %eq3A_616 = vector.broadcast %eq3A_615 : i32 to vector<16xi32>
        %eq3A_617 = arith.cmpi eq, %get3A_614, %eq3A_616 : vector<16xi32>
        %or3A_618 = arith.ori %or3A_607, %eq3A_617 : vector<16xi1>
        %add3A_619 = arith.constant 496 : i32
        %add3A_620 = arith.addi %mul3A_277, %add3A_619 : i32
        %get3A_621 = arith.constant 1 : i32
        %get3A_622 = arith.index_cast %get3A_621 : i32 to index
        %get3A_623 = arith.index_cast %add3A_620 : i32 to index
        %get3A_624 = tpu.vector_load %arg4[%get3A_622, %get3A_623] {strides = array<i32>} : memref<2x10240xi32, #tpu.memory_space<vmem>>, vector<1x16xi32>,
        %get3A_625 = vector.shape_cast %get3A_624 : vector<1x16xi32> to vector<16xi32>
        %eq3A_626 = arith.constant 0 : i32
        %eq3A_627 = vector.broadcast %eq3A_626 : i32 to vector<16xi32>
        %eq3A_628 = arith.cmpi eq, %get3A_625, %eq3A_627 : vector<16xi32>
        %or3A_629 = arith.ori %or3A_618, %eq3A_628 : vector<16xi1>
        %jit3A = arith.constant 1 : i32
        %jit3A_630 = arith.constant 0 : i32
        %broadcast_in_dim3A_631 = vector.broadcast %jit3A : i32 to vector<16xi32>
        %broadcast_in_dim3A_632 = vector.broadcast %jit3A_630 : i32 to vector<16xi32>
        %select_n3A = arith.select %or3A_629, %broadcast_in_dim3A_631, %broadcast_in_dim3A_632 : vector<16xi1>, vector<16xi32>
        %slice3A = vector.extract_strided_slice %select_n3A {offsets = [0], sizes = [1], strides = [1]} : vector<16xi32> to vector<1xi32>
        %squeeze3A = vector.extract %slice3A[0] : i32 from vector<1xi32>
        %slice3A_633 = vector.extract_strided_slice %select_n3A {offsets = [1], sizes = [1], strides = [1]} : vector<16xi32> to vector<1xi32>
        %squeeze3A_634 = vector.extract %slice3A_633[0] : i32 from vector<1xi32>
        %add3A_635 = arith.addi %squeeze3A, %squeeze3A_634 : i32
        %slice3A_636 = vector.extract_strided_slice %select_n3A {offsets = [2], sizes = [1], strides = [1]} : vector<16xi32> to vector<1xi32>
        %squeeze3A_637 = vector.extract %slice3A_636[0] : i32 from vector<1xi32>
        %add3A_638 = arith.addi %add3A_635, %squeeze3A_637 : i32
        %slice3A_639 = vector.extract_strided_slice %select_n3A {offsets = [3], sizes = [1], strides = [1]} : vector<16xi32> to vector<1xi32>
        %squeeze3A_640 = vector.extract %slice3A_639[0] : i32 from vector<1xi32>
        %add3A_641 = arith.addi %add3A_638, %squeeze3A_640 : i32
        %slice3A_642 = vector.extract_strided_slice %select_n3A {offsets = [4], sizes = [1], strides = [1]} : vector<16xi32> to vector<1xi32>
        %squeeze3A_643 = vector.extract %slice3A_642[0] : i32 from vector<1xi32>
        %add3A_644 = arith.addi %add3A_641, %squeeze3A_643 : i32
        %slice3A_645 = vector.extract_strided_slice %select_n3A {offsets = [5], sizes = [1], strides = [1]} : vector<16xi32> to vector<1xi32>
        %squeeze3A_646 = vector.extract %slice3A_645[0] : i32 from vector<1xi32>
        %add3A_647 = arith.addi %add3A_644, %squeeze3A_646 : i32
        %slice3A_648 = vector.extract_strided_slice %select_n3A {offsets = [6], sizes = [1], strides = [1]} : vector<16xi32> to vector<1xi32>
        %squeeze3A_649 = vector.extract %slice3A_648[0] : i32 from vector<1xi32>
        %add3A_650 = arith.addi %add3A_647, %squeeze3A_649 : i32
        %slice3A_651 = vector.extract_strided_slice %select_n3A {offsets = [7], sizes = [1], strides = [1]} : vector<16xi32> to vector<1xi32>
        %squeeze3A_652 = vector.extract %slice3A_651[0] : i32 from vector<1xi32>
        %add3A_653 = arith.addi %add3A_650, %squeeze3A_652 : i32
        %slice3A_654 = vector.extract_strided_slice %select_n3A {offsets = [8], sizes = [1], strides = [1]} : vector<16xi32> to vector<1xi32>
        %squeeze3A_655 = vector.extract %slice3A_654[0] : i32 from vector<1xi32>
        %add3A_656 = arith.addi %add3A_653, %squeeze3A_655 : i32
        %slice3A_657 = vector.extract_strided_slice %select_n3A {offsets = [9], sizes = [1], strides = [1]} : vector<16xi32> to vector<1xi32>
        %squeeze3A_658 = vector.extract %slice3A_657[0] : i32 from vector<1xi32>
        %add3A_659 = arith.addi %add3A_656, %squeeze3A_658 : i32
        %slice3A_660 = vector.extract_strided_slice %select_n3A {offsets = [10], sizes = [1], strides = [1]} : vector<16xi32> to vector<1xi32>
        %squeeze3A_661 = vector.extract %slice3A_660[0] : i32 from vector<1xi32>
        %add3A_662 = arith.addi %add3A_659, %squeeze3A_661 : i32
        %slice3A_663 = vector.extract_strided_slice %select_n3A {offsets = [11], sizes = [1], strides = [1]} : vector<16xi32> to vector<1xi32>
        %squeeze3A_664 = vector.extract %slice3A_663[0] : i32 from vector<1xi32>
        %add3A_665 = arith.addi %add3A_662, %squeeze3A_664 : i32
        %slice3A_666 = vector.extract_strided_slice %select_n3A {offsets = [12], sizes = [1], strides = [1]} : vector<16xi32> to vector<1xi32>
        %squeeze3A_667 = vector.extract %slice3A_666[0] : i32 from vector<1xi32>
        %add3A_668 = arith.addi %add3A_665, %squeeze3A_667 : i32
        %slice3A_669 = vector.extract_strided_slice %select_n3A {offsets = [13], sizes = [1], strides = [1]} : vector<16xi32> to vector<1xi32>
        %squeeze3A_670 = vector.extract %slice3A_669[0] : i32 from vector<1xi32>
        %add3A_671 = arith.addi %add3A_668, %squeeze3A_670 : i32
        %slice3A_672 = vector.extract_strided_slice %select_n3A {offsets = [14], sizes = [1], strides = [1]} : vector<16xi32> to vector<1xi32>
        %squeeze3A_673 = vector.extract %slice3A_672[0] : i32 from vector<1xi32>
        %add3A_674 = arith.addi %add3A_671, %squeeze3A_673 : i32
        %slice3A_675 = vector.extract_strided_slice %select_n3A {offsets = [15], sizes = [1], strides = [1]} : vector<16xi32> to vector<1xi32>
        %squeeze3A_676 = vector.extract %slice3A_675[0] : i32 from vector<1xi32>
        %add3A_677 = arith.addi %add3A_674, %squeeze3A_676 : i32
        %gt3A = arith.constant 0 : i32
        %gt3A_678 = arith.cmpi sgt, %add3A_677, %gt3A : i32
        %convert_element_type3A_679 = arith.extui %gt3A_678 : i1 to i32
        %cond3A_680 = arith.constant 0 : i32
        %cond3A_681 = arith.cmpi ne, %convert_element_type3A_679, %cond3A_680 : i32
        scf.if %cond3A_681 {
          %scan3A_682 = arith.constant 0 : i32
          %scan3A_683 = arith.constant 0 : i32
          %scan3A_684 = arith.constant 4 : i32
          %scan3A_685 = arith.addi %scan3A_683, %scan3A_684 : i32
          %scan3A_686 = arith.constant 1 : i32
          scf.for %scan3A_688 = %scan3A_683 to %scan3A_685 step %scan3A_686  : i32 {
            %mul3A_689 = arith.constant 128 : i32
            %mul3A_690 = arith.muli %scan3A_688, %mul3A_689 : i32
            %add3A_691 = arith.addi %mul3A_277, %mul3A_690 : i32
            %broadcast_in_dim3A_692 = arith.constant false
            %broadcast_in_dim3A_693 = vector.broadcast %broadcast_in_dim3A_692 : i1 to vector<16xi1>
            %add3A_694 = arith.constant 0 : i32
            %add3A_695 = arith.addi %add3A_691, %add3A_694 : i32
            %get3A_696 = arith.constant 1 : i32
            %get3A_697 = arith.index_cast %get3A_696 : i32 to index
            %get3A_698 = arith.index_cast %add3A_695 : i32 to index
            %get3A_699 = tpu.vector_load %arg4[%get3A_697, %get3A_698] {strides = array<i32>} : memref<2x10240xi32, #tpu.memory_space<vmem>>, vector<1x16xi32>,
            %get3A_700 = vector.shape_cast %get3A_699 : vector<1x16xi32> to vector<16xi32>
            %eq3A_701 = arith.constant 0 : i32
            %eq3A_702 = vector.broadcast %eq3A_701 : i32 to vector<16xi32>
            %eq3A_703 = arith.cmpi eq, %get3A_700, %eq3A_702 : vector<16xi32>
            %or3A_704 = arith.ori %broadcast_in_dim3A_693, %eq3A_703 : vector<16xi1>
            %add3A_705 = arith.constant 16 : i32
            %add3A_706 = arith.addi %add3A_691, %add3A_705 : i32
            %get3A_707 = arith.constant 1 : i32
            %get3A_708 = arith.index_cast %get3A_707 : i32 to index
            %get3A_709 = arith.index_cast %add3A_706 : i32 to index
            %get3A_710 = tpu.vector_load %arg4[%get3A_708, %get3A_709] {strides = array<i32>} : memref<2x10240xi32, #tpu.memory_space<vmem>>, vector<1x16xi32>,
            %get3A_711 = vector.shape_cast %get3A_710 : vector<1x16xi32> to vector<16xi32>
            %eq3A_712 = arith.constant 0 : i32
            %eq3A_713 = vector.broadcast %eq3A_712 : i32 to vector<16xi32>
            %eq3A_714 = arith.cmpi eq, %get3A_711, %eq3A_713 : vector<16xi32>
            %or3A_715 = arith.ori %or3A_704, %eq3A_714 : vector<16xi1>
            %add3A_716 = arith.constant 32 : i32
            %add3A_717 = arith.addi %add3A_691, %add3A_716 : i32
            %get3A_718 = arith.constant 1 : i32
            %get3A_719 = arith.index_cast %get3A_718 : i32 to index
            %get3A_720 = arith.index_cast %add3A_717 : i32 to index
            %get3A_721 = tpu.vector_load %arg4[%get3A_719, %get3A_720] {strides = array<i32>} : memref<2x10240xi32, #tpu.memory_space<vmem>>, vector<1x16xi32>,
            %get3A_722 = vector.shape_cast %get3A_721 : vector<1x16xi32> to vector<16xi32>
            %eq3A_723 = arith.constant 0 : i32
            %eq3A_724 = vector.broadcast %eq3A_723 : i32 to vector<16xi32>
            %eq3A_725 = arith.cmpi eq, %get3A_722, %eq3A_724 : vector<16xi32>
            %or3A_726 = arith.ori %or3A_715, %eq3A_725 : vector<16xi1>
            %add3A_727 = arith.constant 48 : i32
            %add3A_728 = arith.addi %add3A_691, %add3A_727 : i32
            %get3A_729 = arith.constant 1 : i32
            %get3A_730 = arith.index_cast %get3A_729 : i32 to index
            %get3A_731 = arith.index_cast %add3A_728 : i32 to index
            %get3A_732 = tpu.vector_load %arg4[%get3A_730, %get3A_731] {strides = array<i32>} : memref<2x10240xi32, #tpu.memory_space<vmem>>, vector<1x16xi32>,
            %get3A_733 = vector.shape_cast %get3A_732 : vector<1x16xi32> to vector<16xi32>
            %eq3A_734 = arith.constant 0 : i32
            %eq3A_735 = vector.broadcast %eq3A_734 : i32 to vector<16xi32>
            %eq3A_736 = arith.cmpi eq, %get3A_733, %eq3A_735 : vector<16xi32>
            %or3A_737 = arith.ori %or3A_726, %eq3A_736 : vector<16xi1>
            %add3A_738 = arith.constant 64 : i32
            %add3A_739 = arith.addi %add3A_691, %add3A_738 : i32
            %get3A_740 = arith.constant 1 : i32
            %get3A_741 = arith.index_cast %get3A_740 : i32 to index
            %get3A_742 = arith.index_cast %add3A_739 : i32 to index
            %get3A_743 = tpu.vector_load %arg4[%get3A_741, %get3A_742] {strides = array<i32>} : memref<2x10240xi32, #tpu.memory_space<vmem>>, vector<1x16xi32>,
            %get3A_744 = vector.shape_cast %get3A_743 : vector<1x16xi32> to vector<16xi32>
            %eq3A_745 = arith.constant 0 : i32
            %eq3A_746 = vector.broadcast %eq3A_745 : i32 to vector<16xi32>
            %eq3A_747 = arith.cmpi eq, %get3A_744, %eq3A_746 : vector<16xi32>
            %or3A_748 = arith.ori %or3A_737, %eq3A_747 : vector<16xi1>
            %add3A_749 = arith.constant 80 : i32
            %add3A_750 = arith.addi %add3A_691, %add3A_749 : i32
            %get3A_751 = arith.constant 1 : i32
            %get3A_752 = arith.index_cast %get3A_751 : i32 to index
            %get3A_753 = arith.index_cast %add3A_750 : i32 to index
            %get3A_754 = tpu.vector_load %arg4[%get3A_752, %get3A_753] {strides = array<i32>} : memref<2x10240xi32, #tpu.memory_space<vmem>>, vector<1x16xi32>,
            %get3A_755 = vector.shape_cast %get3A_754 : vector<1x16xi32> to vector<16xi32>
            %eq3A_756 = arith.constant 0 : i32
            %eq3A_757 = vector.broadcast %eq3A_756 : i32 to vector<16xi32>
            %eq3A_758 = arith.cmpi eq, %get3A_755, %eq3A_757 : vector<16xi32>
            %or3A_759 = arith.ori %or3A_748, %eq3A_758 : vector<16xi1>
            %add3A_760 = arith.constant 96 : i32
            %add3A_761 = arith.addi %add3A_691, %add3A_760 : i32
            %get3A_762 = arith.constant 1 : i32
            %get3A_763 = arith.index_cast %get3A_762 : i32 to index
            %get3A_764 = arith.index_cast %add3A_761 : i32 to index
            %get3A_765 = tpu.vector_load %arg4[%get3A_763, %get3A_764] {strides = array<i32>} : memref<2x10240xi32, #tpu.memory_space<vmem>>, vector<1x16xi32>,
            %get3A_766 = vector.shape_cast %get3A_765 : vector<1x16xi32> to vector<16xi32>
            %eq3A_767 = arith.constant 0 : i32
            %eq3A_768 = vector.broadcast %eq3A_767 : i32 to vector<16xi32>
            %eq3A_769 = arith.cmpi eq, %get3A_766, %eq3A_768 : vector<16xi32>
            %or3A_770 = arith.ori %or3A_759, %eq3A_769 : vector<16xi1>
            %add3A_771 = arith.constant 112 : i32
            %add3A_772 = arith.addi %add3A_691, %add3A_771 : i32
            %get3A_773 = arith.constant 1 : i32
            %get3A_774 = arith.index_cast %get3A_773 : i32 to index
            %get3A_775 = arith.index_cast %add3A_772 : i32 to index
            %get3A_776 = tpu.vector_load %arg4[%get3A_774, %get3A_775] {strides = array<i32>} : memref<2x10240xi32, #tpu.memory_space<vmem>>, vector<1x16xi32>,
            %get3A_777 = vector.shape_cast %get3A_776 : vector<1x16xi32> to vector<16xi32>
            %eq3A_778 = arith.constant 0 : i32
            %eq3A_779 = vector.broadcast %eq3A_778 : i32 to vector<16xi32>
            %eq3A_780 = arith.cmpi eq, %get3A_777, %eq3A_779 : vector<16xi32>
            %or3A_781 = arith.ori %or3A_770, %eq3A_780 : vector<16xi1>
            %jit3A_782 = arith.constant 1 : i32
            %jit3A_783 = arith.constant 0 : i32
            %broadcast_in_dim3A_784 = vector.broadcast %jit3A_782 : i32 to vector<16xi32>
            %broadcast_in_dim3A_785 = vector.broadcast %jit3A_783 : i32 to vector<16xi32>
            %select_n3A_786 = arith.select %or3A_781, %broadcast_in_dim3A_784, %broadcast_in_dim3A_785 : vector<16xi1>, vector<16xi32>
            %slice3A_787 = vector.extract_strided_slice %select_n3A_786 {offsets = [0], sizes = [1], strides = [1]} : vector<16xi32> to vector<1xi32>
            %squeeze3A_788 = vector.extract %slice3A_787[0] : i32 from vector<1xi32>
            %slice3A_789 = vector.extract_strided_slice %select_n3A_786 {offsets = [1], sizes = [1], strides = [1]} : vector<16xi32> to vector<1xi32>
            %squeeze3A_790 = vector.extract %slice3A_789[0] : i32 from vector<1xi32>
            %add3A_791 = arith.addi %squeeze3A_788, %squeeze3A_790 : i32
            %slice3A_792 = vector.extract_strided_slice %select_n3A_786 {offsets = [2], sizes = [1], strides = [1]} : vector<16xi32> to vector<1xi32>
            %squeeze3A_793 = vector.extract %slice3A_792[0] : i32 from vector<1xi32>
            %add3A_794 = arith.addi %add3A_791, %squeeze3A_793 : i32
            %slice3A_795 = vector.extract_strided_slice %select_n3A_786 {offsets = [3], sizes = [1], strides = [1]} : vector<16xi32> to vector<1xi32>
            %squeeze3A_796 = vector.extract %slice3A_795[0] : i32 from vector<1xi32>
            %add3A_797 = arith.addi %add3A_794, %squeeze3A_796 : i32
            %slice3A_798 = vector.extract_strided_slice %select_n3A_786 {offsets = [4], sizes = [1], strides = [1]} : vector<16xi32> to vector<1xi32>
            %squeeze3A_799 = vector.extract %slice3A_798[0] : i32 from vector<1xi32>
            %add3A_800 = arith.addi %add3A_797, %squeeze3A_799 : i32
            %slice3A_801 = vector.extract_strided_slice %select_n3A_786 {offsets = [5], sizes = [1], strides = [1]} : vector<16xi32> to vector<1xi32>
            %squeeze3A_802 = vector.extract %slice3A_801[0] : i32 from vector<1xi32>
            %add3A_803 = arith.addi %add3A_800, %squeeze3A_802 : i32
            %slice3A_804 = vector.extract_strided_slice %select_n3A_786 {offsets = [6], sizes = [1], strides = [1]} : vector<16xi32> to vector<1xi32>
            %squeeze3A_805 = vector.extract %slice3A_804[0] : i32 from vector<1xi32>
            %add3A_806 = arith.addi %add3A_803, %squeeze3A_805 : i32
            %slice3A_807 = vector.extract_strided_slice %select_n3A_786 {offsets = [7], sizes = [1], strides = [1]} : vector<16xi32> to vector<1xi32>
            %squeeze3A_808 = vector.extract %slice3A_807[0] : i32 from vector<1xi32>
            %add3A_809 = arith.addi %add3A_806, %squeeze3A_808 : i32
            %slice3A_810 = vector.extract_strided_slice %select_n3A_786 {offsets = [8], sizes = [1], strides = [1]} : vector<16xi32> to vector<1xi32>
            %squeeze3A_811 = vector.extract %slice3A_810[0] : i32 from vector<1xi32>
            %add3A_812 = arith.addi %add3A_809, %squeeze3A_811 : i32
            %slice3A_813 = vector.extract_strided_slice %select_n3A_786 {offsets = [9], sizes = [1], strides = [1]} : vector<16xi32> to vector<1xi32>
            %squeeze3A_814 = vector.extract %slice3A_813[0] : i32 from vector<1xi32>
            %add3A_815 = arith.addi %add3A_812, %squeeze3A_814 : i32
            %slice3A_816 = vector.extract_strided_slice %select_n3A_786 {offsets = [10], sizes = [1], strides = [1]} : vector<16xi32> to vector<1xi32>
            %squeeze3A_817 = vector.extract %slice3A_816[0] : i32 from vector<1xi32>
            %add3A_818 = arith.addi %add3A_815, %squeeze3A_817 : i32
            %slice3A_819 = vector.extract_strided_slice %select_n3A_786 {offsets = [11], sizes = [1], strides = [1]} : vector<16xi32> to vector<1xi32>
            %squeeze3A_820 = vector.extract %slice3A_819[0] : i32 from vector<1xi32>
            %add3A_821 = arith.addi %add3A_818, %squeeze3A_820 : i32
            %slice3A_822 = vector.extract_strided_slice %select_n3A_786 {offsets = [12], sizes = [1], strides = [1]} : vector<16xi32> to vector<1xi32>
            %squeeze3A_823 = vector.extract %slice3A_822[0] : i32 from vector<1xi32>
            %add3A_824 = arith.addi %add3A_821, %squeeze3A_823 : i32
            %slice3A_825 = vector.extract_strided_slice %select_n3A_786 {offsets = [13], sizes = [1], strides = [1]} : vector<16xi32> to vector<1xi32>
            %squeeze3A_826 = vector.extract %slice3A_825[0] : i32 from vector<1xi32>
            %add3A_827 = arith.addi %add3A_824, %squeeze3A_826 : i32
            %slice3A_828 = vector.extract_strided_slice %select_n3A_786 {offsets = [14], sizes = [1], strides = [1]} : vector<16xi32> to vector<1xi32>
            %squeeze3A_829 = vector.extract %slice3A_828[0] : i32 from vector<1xi32>
            %add3A_830 = arith.addi %add3A_827, %squeeze3A_829 : i32
            %slice3A_831 = vector.extract_strided_slice %select_n3A_786 {offsets = [15], sizes = [1], strides = [1]} : vector<16xi32> to vector<1xi32>
            %squeeze3A_832 = vector.extract %slice3A_831[0] : i32 from vector<1xi32>
            %add3A_833 = arith.addi %add3A_830, %squeeze3A_832 : i32
            %gt3A_834 = arith.constant 0 : i32
            %gt3A_835 = arith.cmpi sgt, %add3A_833, %gt3A_834 : i32
            %convert_element_type3A_836 = arith.extui %gt3A_835 : i1 to i32
            %cond3A_837 = arith.constant 0 : i32
            %cond3A_838 = arith.cmpi ne, %convert_element_type3A_836, %cond3A_837 : i32
            scf.if %cond3A_838 {
              %add3A_839 = arith.constant 0 : i32
              %add3A_840 = arith.addi %add3A_691, %add3A_839 : i32
              %get3A_841 = arith.constant 0 : i32
              %get3A_842 = arith.index_cast %get3A_841 : i32 to index
              %get3A_843 = arith.index_cast %add3A_840 : i32 to index
              %get3A_844 = tpu.vector_load %arg4[%get3A_842, %get3A_843] {strides = array<i32>} : memref<2x10240xi32, #tpu.memory_space<vmem>>, vector<1x16xi32>,
              %get3A_845 = vector.shape_cast %get3A_844 : vector<1x16xi32> to vector<16xi32>
              %swap3A_846 = arith.constant 0 : i32
              %swap3A_847 = arith.index_cast %swap3A_846 : i32 to index
              %swap3A_848 = arith.constant 0 : index
              %swap3A_849 = tpu.vector_load %arg5[%swap3A_847, %swap3A_848] {strides = array<i32>} : memref<1x128xi32, #tpu.memory_space<vmem>>, vector<1x16xi32>,
              %swap3A_850 = vector.shape_cast %swap3A_849 : vector<1x16xi32> to vector<16xi32>
              %swap3A_851 = vector.shape_cast %get3A_845 : vector<16xi32> to vector<1x16xi32>
              tpu.vector_store %arg5[%swap3A_847, %swap3A_848], %swap3A_851 {strides = array<i32>} : memref<1x128xi32, #tpu.memory_space<vmem>>, vector<1x16xi32>,
              %add3A_852 = arith.constant 0 : i32
              %add3A_853 = arith.addi %add3A_691, %add3A_852 : i32
              %get3A_854 = arith.constant 1 : i32
              %get3A_855 = arith.index_cast %get3A_854 : i32 to index
              %get3A_856 = arith.index_cast %add3A_853 : i32 to index
              %get3A_857 = tpu.vector_load %arg4[%get3A_855, %get3A_856] {strides = array<i32>} : memref<2x10240xi32, #tpu.memory_space<vmem>>, vector<1x16xi32>,
              %get3A_858 = vector.shape_cast %get3A_857 : vector<1x16xi32> to vector<16xi32>
              %eq3A_859 = arith.constant 0 : i32
              %eq3A_860 = vector.broadcast %eq3A_859 : i32 to vector<16xi32>
              %eq3A_861 = arith.cmpi eq, %get3A_858, %eq3A_860 : vector<16xi32>
              %jit3A_862 = arith.constant 1.000000e+00 : f32
              %jit3A_863 = arith.constant 0.000000e+00 : f32
              %broadcast_in_dim3A_864 = vector.broadcast %jit3A_862 : f32 to vector<16xf32>
              %broadcast_in_dim3A_865 = vector.broadcast %jit3A_863 : f32 to vector<16xf32>
              %select_n3A_866 = arith.select %eq3A_861, %broadcast_in_dim3A_864, %broadcast_in_dim3A_865 : vector<16xi1>, vector<16xf32>
              %swap3A_867 = arith.constant 0 : i32
              %swap3A_868 = arith.index_cast %swap3A_867 : i32 to index
              %swap3A_869 = arith.constant 0 : index
              %swap3A_870 = tpu.vector_load %arg6[%swap3A_868, %swap3A_869] {strides = array<i32>} : memref<1x128xf32, #tpu.memory_space<vmem>>, vector<1x16xf32>,
              %swap3A_871 = vector.shape_cast %swap3A_870 : vector<1x16xf32> to vector<16xf32>
              %swap3A_872 = vector.shape_cast %select_n3A_866 : vector<16xf32> to vector<1x16xf32>
              tpu.vector_store %arg6[%swap3A_868, %swap3A_869], %swap3A_872 {strides = array<i32>} : memref<1x128xf32, #tpu.memory_space<vmem>>, vector<1x16xf32>,
              %add3A_873 = arith.constant 16 : i32
              %add3A_874 = arith.addi %add3A_691, %add3A_873 : i32
              %get3A_875 = arith.constant 0 : i32
              %get3A_876 = arith.index_cast %get3A_875 : i32 to index
              %get3A_877 = arith.index_cast %add3A_874 : i32 to index
              %get3A_878 = tpu.vector_load %arg4[%get3A_876, %get3A_877] {strides = array<i32>} : memref<2x10240xi32, #tpu.memory_space<vmem>>, vector<1x16xi32>,
              %get3A_879 = vector.shape_cast %get3A_878 : vector<1x16xi32> to vector<16xi32>
              %swap3A_880 = arith.constant 0 : i32
              %swap3A_881 = arith.index_cast %swap3A_880 : i32 to index
              %swap3A_882 = arith.constant 16 : index
              %swap3A_883 = tpu.vector_load %arg5[%swap3A_881, %swap3A_882] {strides = array<i32>} : memref<1x128xi32, #tpu.memory_space<vmem>>, vector<1x16xi32>,
              %swap3A_884 = vector.shape_cast %swap3A_883 : vector<1x16xi32> to vector<16xi32>
              %swap3A_885 = vector.shape_cast %get3A_879 : vector<16xi32> to vector<1x16xi32>
              tpu.vector_store %arg5[%swap3A_881, %swap3A_882], %swap3A_885 {strides = array<i32>} : memref<1x128xi32, #tpu.memory_space<vmem>>, vector<1x16xi32>,
              %add3A_886 = arith.constant 16 : i32
              %add3A_887 = arith.addi %add3A_691, %add3A_886 : i32
              %get3A_888 = arith.constant 1 : i32
              %get3A_889 = arith.index_cast %get3A_888 : i32 to index
              %get3A_890 = arith.index_cast %add3A_887 : i32 to index
              %get3A_891 = tpu.vector_load %arg4[%get3A_889, %get3A_890] {strides = array<i32>} : memref<2x10240xi32, #tpu.memory_space<vmem>>, vector<1x16xi32>,
              %get3A_892 = vector.shape_cast %get3A_891 : vector<1x16xi32> to vector<16xi32>
              %eq3A_893 = arith.constant 0 : i32
              %eq3A_894 = vector.broadcast %eq3A_893 : i32 to vector<16xi32>
              %eq3A_895 = arith.cmpi eq, %get3A_892, %eq3A_894 : vector<16xi32>
              %jit3A_896 = arith.constant 1.000000e+00 : f32
              %jit3A_897 = arith.constant 0.000000e+00 : f32
              %broadcast_in_dim3A_898 = vector.broadcast %jit3A_896 : f32 to vector<16xf32>
              %broadcast_in_dim3A_899 = vector.broadcast %jit3A_897 : f32 to vector<16xf32>
              %select_n3A_900 = arith.select %eq3A_895, %broadcast_in_dim3A_898, %broadcast_in_dim3A_899 : vector<16xi1>, vector<16xf32>
              %swap3A_901 = arith.constant 0 : i32
              %swap3A_902 = arith.index_cast %swap3A_901 : i32 to index
              %swap3A_903 = arith.constant 16 : index
              %swap3A_904 = tpu.vector_load %arg6[%swap3A_902, %swap3A_903] {strides = array<i32>} : memref<1x128xf32, #tpu.memory_space<vmem>>, vector<1x16xf32>,
              %swap3A_905 = vector.shape_cast %swap3A_904 : vector<1x16xf32> to vector<16xf32>
              %swap3A_906 = vector.shape_cast %select_n3A_900 : vector<16xf32> to vector<1x16xf32>
              tpu.vector_store %arg6[%swap3A_902, %swap3A_903], %swap3A_906 {strides = array<i32>} : memref<1x128xf32, #tpu.memory_space<vmem>>, vector<1x16xf32>,
              %add3A_907 = arith.constant 32 : i32
              %add3A_908 = arith.addi %add3A_691, %add3A_907 : i32
              %get3A_909 = arith.constant 0 : i32
              %get3A_910 = arith.index_cast %get3A_909 : i32 to index
              %get3A_911 = arith.index_cast %add3A_908 : i32 to index
              %get3A_912 = tpu.vector_load %arg4[%get3A_910, %get3A_911] {strides = array<i32>} : memref<2x10240xi32, #tpu.memory_space<vmem>>, vector<1x16xi32>,
              %get3A_913 = vector.shape_cast %get3A_912 : vector<1x16xi32> to vector<16xi32>
              %swap3A_914 = arith.constant 0 : i32
              %swap3A_915 = arith.index_cast %swap3A_914 : i32 to index
              %swap3A_916 = arith.constant 32 : index
              %swap3A_917 = tpu.vector_load %arg5[%swap3A_915, %swap3A_916] {strides = array<i32>} : memref<1x128xi32, #tpu.memory_space<vmem>>, vector<1x16xi32>,
              %swap3A_918 = vector.shape_cast %swap3A_917 : vector<1x16xi32> to vector<16xi32>
              %swap3A_919 = vector.shape_cast %get3A_913 : vector<16xi32> to vector<1x16xi32>
              tpu.vector_store %arg5[%swap3A_915, %swap3A_916], %swap3A_919 {strides = array<i32>} : memref<1x128xi32, #tpu.memory_space<vmem>>, vector<1x16xi32>,
              %add3A_920 = arith.constant 32 : i32
              %add3A_921 = arith.addi %add3A_691, %add3A_920 : i32
              %get3A_922 = arith.constant 1 : i32
              %get3A_923 = arith.index_cast %get3A_922 : i32 to index
              %get3A_924 = arith.index_cast %add3A_921 : i32 to index
              %get3A_925 = tpu.vector_load %arg4[%get3A_923, %get3A_924] {strides = array<i32>} : memref<2x10240xi32, #tpu.memory_space<vmem>>, vector<1x16xi32>,
              %get3A_926 = vector.shape_cast %get3A_925 : vector<1x16xi32> to vector<16xi32>
              %eq3A_927 = arith.constant 0 : i32
              %eq3A_928 = vector.broadcast %eq3A_927 : i32 to vector<16xi32>
              %eq3A_929 = arith.cmpi eq, %get3A_926, %eq3A_928 : vector<16xi32>
              %jit3A_930 = arith.constant 1.000000e+00 : f32
              %jit3A_931 = arith.constant 0.000000e+00 : f32
              %broadcast_in_dim3A_932 = vector.broadcast %jit3A_930 : f32 to vector<16xf32>
              %broadcast_in_dim3A_933 = vector.broadcast %jit3A_931 : f32 to vector<16xf32>
              %select_n3A_934 = arith.select %eq3A_929, %broadcast_in_dim3A_932, %broadcast_in_dim3A_933 : vector<16xi1>, vector<16xf32>
              %swap3A_935 = arith.constant 0 : i32
              %swap3A_936 = arith.index_cast %swap3A_935 : i32 to index
              %swap3A_937 = arith.constant 32 : index
              %swap3A_938 = tpu.vector_load %arg6[%swap3A_936, %swap3A_937] {strides = array<i32>} : memref<1x128xf32, #tpu.memory_space<vmem>>, vector<1x16xf32>,
              %swap3A_939 = vector.shape_cast %swap3A_938 : vector<1x16xf32> to vector<16xf32>
              %swap3A_940 = vector.shape_cast %select_n3A_934 : vector<16xf32> to vector<1x16xf32>
              tpu.vector_store %arg6[%swap3A_936, %swap3A_937], %swap3A_940 {strides = array<i32>} : memref<1x128xf32, #tpu.memory_space<vmem>>, vector<1x16xf32>,
              %add3A_941 = arith.constant 48 : i32
              %add3A_942 = arith.addi %add3A_691, %add3A_941 : i32
              %get3A_943 = arith.constant 0 : i32
              %get3A_944 = arith.index_cast %get3A_943 : i32 to index
              %get3A_945 = arith.index_cast %add3A_942 : i32 to index
              %get3A_946 = tpu.vector_load %arg4[%get3A_944, %get3A_945] {strides = array<i32>} : memref<2x10240xi32, #tpu.memory_space<vmem>>, vector<1x16xi32>,
              %get3A_947 = vector.shape_cast %get3A_946 : vector<1x16xi32> to vector<16xi32>
              %swap3A_948 = arith.constant 0 : i32
              %swap3A_949 = arith.index_cast %swap3A_948 : i32 to index
              %swap3A_950 = arith.constant 48 : index
              %swap3A_951 = tpu.vector_load %arg5[%swap3A_949, %swap3A_950] {strides = array<i32>} : memref<1x128xi32, #tpu.memory_space<vmem>>, vector<1x16xi32>,
              %swap3A_952 = vector.shape_cast %swap3A_951 : vector<1x16xi32> to vector<16xi32>
              %swap3A_953 = vector.shape_cast %get3A_947 : vector<16xi32> to vector<1x16xi32>
              tpu.vector_store %arg5[%swap3A_949, %swap3A_950], %swap3A_953 {strides = array<i32>} : memref<1x128xi32, #tpu.memory_space<vmem>>, vector<1x16xi32>,
              %add3A_954 = arith.constant 48 : i32
              %add3A_955 = arith.addi %add3A_691, %add3A_954 : i32
              %get3A_956 = arith.constant 1 : i32
              %get3A_957 = arith.index_cast %get3A_956 : i32 to index
              %get3A_958 = arith.index_cast %add3A_955 : i32 to index
              %get3A_959 = tpu.vector_load %arg4[%get3A_957, %get3A_958] {strides = array<i32>} : memref<2x10240xi32, #tpu.memory_space<vmem>>, vector<1x16xi32>,
              %get3A_960 = vector.shape_cast %get3A_959 : vector<1x16xi32> to vector<16xi32>
              %eq3A_961 = arith.constant 0 : i32
              %eq3A_962 = vector.broadcast %eq3A_961 : i32 to vector<16xi32>
              %eq3A_963 = arith.cmpi eq, %get3A_960, %eq3A_962 : vector<16xi32>
              %jit3A_964 = arith.constant 1.000000e+00 : f32
              %jit3A_965 = arith.constant 0.000000e+00 : f32
              %broadcast_in_dim3A_966 = vector.broadcast %jit3A_964 : f32 to vector<16xf32>
              %broadcast_in_dim3A_967 = vector.broadcast %jit3A_965 : f32 to vector<16xf32>
              %select_n3A_968 = arith.select %eq3A_963, %broadcast_in_dim3A_966, %broadcast_in_dim3A_967 : vector<16xi1>, vector<16xf32>
              %swap3A_969 = arith.constant 0 : i32
              %swap3A_970 = arith.index_cast %swap3A_969 : i32 to index
              %swap3A_971 = arith.constant 48 : index
              %swap3A_972 = tpu.vector_load %arg6[%swap3A_970, %swap3A_971] {strides = array<i32>} : memref<1x128xf32, #tpu.memory_space<vmem>>, vector<1x16xf32>,
              %swap3A_973 = vector.shape_cast %swap3A_972 : vector<1x16xf32> to vector<16xf32>
              %swap3A_974 = vector.shape_cast %select_n3A_968 : vector<16xf32> to vector<1x16xf32>
              tpu.vector_store %arg6[%swap3A_970, %swap3A_971], %swap3A_974 {strides = array<i32>} : memref<1x128xf32, #tpu.memory_space<vmem>>, vector<1x16xf32>,
              %add3A_975 = arith.constant 64 : i32
              %add3A_976 = arith.addi %add3A_691, %add3A_975 : i32
              %get3A_977 = arith.constant 0 : i32
              %get3A_978 = arith.index_cast %get3A_977 : i32 to index
              %get3A_979 = arith.index_cast %add3A_976 : i32 to index
              %get3A_980 = tpu.vector_load %arg4[%get3A_978, %get3A_979] {strides = array<i32>} : memref<2x10240xi32, #tpu.memory_space<vmem>>, vector<1x16xi32>,
              %get3A_981 = vector.shape_cast %get3A_980 : vector<1x16xi32> to vector<16xi32>
              %swap3A_982 = arith.constant 0 : i32
              %swap3A_983 = arith.index_cast %swap3A_982 : i32 to index
              %swap3A_984 = arith.constant 64 : index
              %swap3A_985 = tpu.vector_load %arg5[%swap3A_983, %swap3A_984] {strides = array<i32>} : memref<1x128xi32, #tpu.memory_space<vmem>>, vector<1x16xi32>,
              %swap3A_986 = vector.shape_cast %swap3A_985 : vector<1x16xi32> to vector<16xi32>
              %swap3A_987 = vector.shape_cast %get3A_981 : vector<16xi32> to vector<1x16xi32>
              tpu.vector_store %arg5[%swap3A_983, %swap3A_984], %swap3A_987 {strides = array<i32>} : memref<1x128xi32, #tpu.memory_space<vmem>>, vector<1x16xi32>,
              %add3A_988 = arith.constant 64 : i32
              %add3A_989 = arith.addi %add3A_691, %add3A_988 : i32
              %get3A_990 = arith.constant 1 : i32
              %get3A_991 = arith.index_cast %get3A_990 : i32 to index
              %get3A_992 = arith.index_cast %add3A_989 : i32 to index
              %get3A_993 = tpu.vector_load %arg4[%get3A_991, %get3A_992] {strides = array<i32>} : memref<2x10240xi32, #tpu.memory_space<vmem>>, vector<1x16xi32>,
              %get3A_994 = vector.shape_cast %get3A_993 : vector<1x16xi32> to vector<16xi32>
              %eq3A_995 = arith.constant 0 : i32
              %eq3A_996 = vector.broadcast %eq3A_995 : i32 to vector<16xi32>
              %eq3A_997 = arith.cmpi eq, %get3A_994, %eq3A_996 : vector<16xi32>
              %jit3A_998 = arith.constant 1.000000e+00 : f32
              %jit3A_999 = arith.constant 0.000000e+00 : f32
              %broadcast_in_dim3A_1000 = vector.broadcast %jit3A_998 : f32 to vector<16xf32>
              %broadcast_in_dim3A_1001 = vector.broadcast %jit3A_999 : f32 to vector<16xf32>
              %select_n3A_1002 = arith.select %eq3A_997, %broadcast_in_dim3A_1000, %broadcast_in_dim3A_1001 : vector<16xi1>, vector<16xf32>
              %swap3A_1003 = arith.constant 0 : i32
              %swap3A_1004 = arith.index_cast %swap3A_1003 : i32 to index
              %swap3A_1005 = arith.constant 64 : index
              %swap3A_1006 = tpu.vector_load %arg6[%swap3A_1004, %swap3A_1005] {strides = array<i32>} : memref<1x128xf32, #tpu.memory_space<vmem>>, vector<1x16xf32>,
              %swap3A_1007 = vector.shape_cast %swap3A_1006 : vector<1x16xf32> to vector<16xf32>
              %swap3A_1008 = vector.shape_cast %select_n3A_1002 : vector<16xf32> to vector<1x16xf32>
              tpu.vector_store %arg6[%swap3A_1004, %swap3A_1005], %swap3A_1008 {strides = array<i32>} : memref<1x128xf32, #tpu.memory_space<vmem>>, vector<1x16xf32>,
              %add3A_1009 = arith.constant 80 : i32
              %add3A_1010 = arith.addi %add3A_691, %add3A_1009 : i32
              %get3A_1011 = arith.constant 0 : i32
              %get3A_1012 = arith.index_cast %get3A_1011 : i32 to index
              %get3A_1013 = arith.index_cast %add3A_1010 : i32 to index
              %get3A_1014 = tpu.vector_load %arg4[%get3A_1012, %get3A_1013] {strides = array<i32>} : memref<2x10240xi32, #tpu.memory_space<vmem>>, vector<1x16xi32>,
              %get3A_1015 = vector.shape_cast %get3A_1014 : vector<1x16xi32> to vector<16xi32>
              %swap3A_1016 = arith.constant 0 : i32
              %swap3A_1017 = arith.index_cast %swap3A_1016 : i32 to index
              %swap3A_1018 = arith.constant 80 : index
              %swap3A_1019 = tpu.vector_load %arg5[%swap3A_1017, %swap3A_1018] {strides = array<i32>} : memref<1x128xi32, #tpu.memory_space<vmem>>, vector<1x16xi32>,
              %swap3A_1020 = vector.shape_cast %swap3A_1019 : vector<1x16xi32> to vector<16xi32>
              %swap3A_1021 = vector.shape_cast %get3A_1015 : vector<16xi32> to vector<1x16xi32>
              tpu.vector_store %arg5[%swap3A_1017, %swap3A_1018], %swap3A_1021 {strides = array<i32>} : memref<1x128xi32, #tpu.memory_space<vmem>>, vector<1x16xi32>,
              %add3A_1022 = arith.constant 80 : i32
              %add3A_1023 = arith.addi %add3A_691, %add3A_1022 : i32
              %get3A_1024 = arith.constant 1 : i32
              %get3A_1025 = arith.index_cast %get3A_1024 : i32 to index
              %get3A_1026 = arith.index_cast %add3A_1023 : i32 to index
              %get3A_1027 = tpu.vector_load %arg4[%get3A_1025, %get3A_1026] {strides = array<i32>} : memref<2x10240xi32, #tpu.memory_space<vmem>>, vector<1x16xi32>,
              %get3A_1028 = vector.shape_cast %get3A_1027 : vector<1x16xi32> to vector<16xi32>
              %eq3A_1029 = arith.constant 0 : i32
              %eq3A_1030 = vector.broadcast %eq3A_1029 : i32 to vector<16xi32>
              %eq3A_1031 = arith.cmpi eq, %get3A_1028, %eq3A_1030 : vector<16xi32>
              %jit3A_1032 = arith.constant 1.000000e+00 : f32
              %jit3A_1033 = arith.constant 0.000000e+00 : f32
              %broadcast_in_dim3A_1034 = vector.broadcast %jit3A_1032 : f32 to vector<16xf32>
              %broadcast_in_dim3A_1035 = vector.broadcast %jit3A_1033 : f32 to vector<16xf32>
              %select_n3A_1036 = arith.select %eq3A_1031, %broadcast_in_dim3A_1034, %broadcast_in_dim3A_1035 : vector<16xi1>, vector<16xf32>
              %swap3A_1037 = arith.constant 0 : i32
              %swap3A_1038 = arith.index_cast %swap3A_1037 : i32 to index
              %swap3A_1039 = arith.constant 80 : index
              %swap3A_1040 = tpu.vector_load %arg6[%swap3A_1038, %swap3A_1039] {strides = array<i32>} : memref<1x128xf32, #tpu.memory_space<vmem>>, vector<1x16xf32>,
              %swap3A_1041 = vector.shape_cast %swap3A_1040 : vector<1x16xf32> to vector<16xf32>
              %swap3A_1042 = vector.shape_cast %select_n3A_1036 : vector<16xf32> to vector<1x16xf32>
              tpu.vector_store %arg6[%swap3A_1038, %swap3A_1039], %swap3A_1042 {strides = array<i32>} : memref<1x128xf32, #tpu.memory_space<vmem>>, vector<1x16xf32>,
              %add3A_1043 = arith.constant 96 : i32
              %add3A_1044 = arith.addi %add3A_691, %add3A_1043 : i32
              %get3A_1045 = arith.constant 0 : i32
              %get3A_1046 = arith.index_cast %get3A_1045 : i32 to index
              %get3A_1047 = arith.index_cast %add3A_1044 : i32 to index
              %get3A_1048 = tpu.vector_load %arg4[%get3A_1046, %get3A_1047] {strides = array<i32>} : memref<2x10240xi32, #tpu.memory_space<vmem>>, vector<1x16xi32>,
              %get3A_1049 = vector.shape_cast %get3A_1048 : vector<1x16xi32> to vector<16xi32>
              %swap3A_1050 = arith.constant 0 : i32
              %swap3A_1051 = arith.index_cast %swap3A_1050 : i32 to index
              %swap3A_1052 = arith.constant 96 : index
              %swap3A_1053 = tpu.vector_load %arg5[%swap3A_1051, %swap3A_1052] {strides = array<i32>} : memref<1x128xi32, #tpu.memory_space<vmem>>, vector<1x16xi32>,
              %swap3A_1054 = vector.shape_cast %swap3A_1053 : vector<1x16xi32> to vector<16xi32>
              %swap3A_1055 = vector.shape_cast %get3A_1049 : vector<16xi32> to vector<1x16xi32>
              tpu.vector_store %arg5[%swap3A_1051, %swap3A_1052], %swap3A_1055 {strides = array<i32>} : memref<1x128xi32, #tpu.memory_space<vmem>>, vector<1x16xi32>,
              %add3A_1056 = arith.constant 96 : i32
              %add3A_1057 = arith.addi %add3A_691, %add3A_1056 : i32
              %get3A_1058 = arith.constant 1 : i32
              %get3A_1059 = arith.index_cast %get3A_1058 : i32 to index
              %get3A_1060 = arith.index_cast %add3A_1057 : i32 to index
              %get3A_1061 = tpu.vector_load %arg4[%get3A_1059, %get3A_1060] {strides = array<i32>} : memref<2x10240xi32, #tpu.memory_space<vmem>>, vector<1x16xi32>,
              %get3A_1062 = vector.shape_cast %get3A_1061 : vector<1x16xi32> to vector<16xi32>
              %eq3A_1063 = arith.constant 0 : i32
              %eq3A_1064 = vector.broadcast %eq3A_1063 : i32 to vector<16xi32>
              %eq3A_1065 = arith.cmpi eq, %get3A_1062, %eq3A_1064 : vector<16xi32>
              %jit3A_1066 = arith.constant 1.000000e+00 : f32
              %jit3A_1067 = arith.constant 0.000000e+00 : f32
              %broadcast_in_dim3A_1068 = vector.broadcast %jit3A_1066 : f32 to vector<16xf32>
              %broadcast_in_dim3A_1069 = vector.broadcast %jit3A_1067 : f32 to vector<16xf32>
              %select_n3A_1070 = arith.select %eq3A_1065, %broadcast_in_dim3A_1068, %broadcast_in_dim3A_1069 : vector<16xi1>, vector<16xf32>
              %swap3A_1071 = arith.constant 0 : i32
              %swap3A_1072 = arith.index_cast %swap3A_1071 : i32 to index
              %swap3A_1073 = arith.constant 96 : index
              %swap3A_1074 = tpu.vector_load %arg6[%swap3A_1072, %swap3A_1073] {strides = array<i32>} : memref<1x128xf32, #tpu.memory_space<vmem>>, vector<1x16xf32>,
              %swap3A_1075 = vector.shape_cast %swap3A_1074 : vector<1x16xf32> to vector<16xf32>
              %swap3A_1076 = vector.shape_cast %select_n3A_1070 : vector<16xf32> to vector<1x16xf32>
              tpu.vector_store %arg6[%swap3A_1072, %swap3A_1073], %swap3A_1076 {strides = array<i32>} : memref<1x128xf32, #tpu.memory_space<vmem>>, vector<1x16xf32>,
              %add3A_1077 = arith.constant 112 : i32
              %add3A_1078 = arith.addi %add3A_691, %add3A_1077 : i32
              %get3A_1079 = arith.constant 0 : i32
              %get3A_1080 = arith.index_cast %get3A_1079 : i32 to index
              %get3A_1081 = arith.index_cast %add3A_1078 : i32 to index
              %get3A_1082 = tpu.vector_load %arg4[%get3A_1080, %get3A_1081] {strides = array<i32>} : memref<2x10240xi32, #tpu.memory_space<vmem>>, vector<1x16xi32>,
              %get3A_1083 = vector.shape_cast %get3A_1082 : vector<1x16xi32> to vector<16xi32>
              %swap3A_1084 = arith.constant 0 : i32
              %swap3A_1085 = arith.index_cast %swap3A_1084 : i32 to index
              %swap3A_1086 = arith.constant 112 : index
              %swap3A_1087 = tpu.vector_load %arg5[%swap3A_1085, %swap3A_1086] {strides = array<i32>} : memref<1x128xi32, #tpu.memory_space<vmem>>, vector<1x16xi32>,
              %swap3A_1088 = vector.shape_cast %swap3A_1087 : vector<1x16xi32> to vector<16xi32>
              %swap3A_1089 = vector.shape_cast %get3A_1083 : vector<16xi32> to vector<1x16xi32>
              tpu.vector_store %arg5[%swap3A_1085, %swap3A_1086], %swap3A_1089 {strides = array<i32>} : memref<1x128xi32, #tpu.memory_space<vmem>>, vector<1x16xi32>,
              %add3A_1090 = arith.constant 112 : i32
              %add3A_1091 = arith.addi %add3A_691, %add3A_1090 : i32
              %get3A_1092 = arith.constant 1 : i32
              %get3A_1093 = arith.index_cast %get3A_1092 : i32 to index
              %get3A_1094 = arith.index_cast %add3A_1091 : i32 to index
              %get3A_1095 = tpu.vector_load %arg4[%get3A_1093, %get3A_1094] {strides = array<i32>} : memref<2x10240xi32, #tpu.memory_space<vmem>>, vector<1x16xi32>,
              %get3A_1096 = vector.shape_cast %get3A_1095 : vector<1x16xi32> to vector<16xi32>
              %eq3A_1097 = arith.constant 0 : i32
              %eq3A_1098 = vector.broadcast %eq3A_1097 : i32 to vector<16xi32>
              %eq3A_1099 = arith.cmpi eq, %get3A_1096, %eq3A_1098 : vector<16xi32>
              %jit3A_1100 = arith.constant 1.000000e+00 : f32
              %jit3A_1101 = arith.constant 0.000000e+00 : f32
              %broadcast_in_dim3A_1102 = vector.broadcast %jit3A_1100 : f32 to vector<16xf32>
              %broadcast_in_dim3A_1103 = vector.broadcast %jit3A_1101 : f32 to vector<16xf32>
              %select_n3A_1104 = arith.select %eq3A_1099, %broadcast_in_dim3A_1102, %broadcast_in_dim3A_1103 : vector<16xi1>, vector<16xf32>
              %swap3A_1105 = arith.constant 0 : i32
              %swap3A_1106 = arith.index_cast %swap3A_1105 : i32 to index
              %swap3A_1107 = arith.constant 112 : index
              %swap3A_1108 = tpu.vector_load %arg6[%swap3A_1106, %swap3A_1107] {strides = array<i32>} : memref<1x128xf32, #tpu.memory_space<vmem>>, vector<1x16xf32>,
              %swap3A_1109 = vector.shape_cast %swap3A_1108 : vector<1x16xf32> to vector<16xf32>
              %swap3A_1110 = vector.shape_cast %select_n3A_1104 : vector<16xf32> to vector<1x16xf32>
              tpu.vector_store %arg6[%swap3A_1106, %swap3A_1107], %swap3A_1110 {strides = array<i32>} : memref<1x128xf32, #tpu.memory_space<vmem>>, vector<1x16xf32>,
              %run_scoped3A_1111 = arith.constant 0 : i32
              %run_scoped3A_1112 = arith.constant 0 : i32
              "tpu.region"() ({
                %run_scoped3A_1113 = tpu.sem_alloc : memref<!tpu.dma_semaphore, #tpu.memory_space<semaphore_mem>>
                %dma_start3A = arith.constant 0 : i32
                %dma_start3A_1114 = tpu.memref_slice %arg6[%run_scoped3A_1111, %dma_start3A] : memref<1x128xf32, #tpu.memory_space<vmem>> -> memref<1x128xf32, #tpu.memory_space<vmem>>
                %dma_start3A_1115 = tpu.memref_squeeze %dma_start3A_1114 : memref<1x128xf32, #tpu.memory_space<vmem>> -> memref<128xf32, #tpu.memory_space<vmem>>
                %dma_start3A_1116 = arith.constant 0 : i32
                %dma_start3A_1117 = tpu.memref_slice %arg5[%run_scoped3A_1112, %dma_start3A_1116] : memref<1x128xi32, #tpu.memory_space<vmem>> -> memref<1x128xi32, #tpu.memory_space<vmem>>
                %dma_start3A_1118 = tpu.memref_squeeze %dma_start3A_1117 : memref<1x128xi32, #tpu.memory_space<vmem>> -> memref<128xi32, #tpu.memory_space<vmem>>
                %dma_start3A_1119 = arith.constant 0 : i32
                %dma_start3A_1120 = tpu.memref_slice %arg8[%dma_start3A_1119] : memref<10240xf32, #tpu.memory_space<vmem_shared>> -> memref<10240xf32, #tpu.memory_space<vmem_shared>>
                tpu.enqueue_indirect_dma source(%dma_start3A_1115 : memref<128xf32, #tpu.memory_space<vmem>>) target(%dma_start3A_1120 : memref<10240xf32, #tpu.memory_space<vmem_shared>>) offsets(%dma_start3A_1118 : memref<128xi32, #tpu.memory_space<vmem>>) semaphore(%run_scoped3A_1113 : memref<!tpu.dma_semaphore, #tpu.memory_space<semaphore_mem>>) {add = true}
                %dma_wait3A_1121 = arith.constant 0 : i32
                %dma_wait3A_1122 = tpu.memref_slice %arg6[%run_scoped3A_1111, %dma_wait3A_1121] : memref<1x128xf32, #tpu.memory_space<vmem>> -> memref<1x128xf32, #tpu.memory_space<vmem>>
                %dma_wait3A_1123 = tpu.memref_squeeze %dma_wait3A_1122 : memref<1x128xf32, #tpu.memory_space<vmem>> -> memref<128xf32, #tpu.memory_space<vmem>>
                %dma_wait3A_1124 = arith.constant 0 : i32
                %dma_wait3A_1125 = tpu.memref_slice %arg5[%run_scoped3A_1112, %dma_wait3A_1124] : memref<1x128xi32, #tpu.memory_space<vmem>> -> memref<1x128xi32, #tpu.memory_space<vmem>>
                %dma_wait3A_1126 = tpu.memref_squeeze %dma_wait3A_1125 : memref<1x128xi32, #tpu.memory_space<vmem>> -> memref<128xi32, #tpu.memory_space<vmem>>
                %dma_wait3A_1127 = arith.constant 0 : i32
                %dma_wait3A_1128 = tpu.memref_slice %arg8[%dma_wait3A_1127] : memref<10240xf32, #tpu.memory_space<vmem_shared>> -> memref<10240xf32, #tpu.memory_space<vmem_shared>>
                tpu.wait_indirect_dma semaphore(%run_scoped3A_1113 : memref<!tpu.dma_semaphore, #tpu.memory_space<semaphore_mem>>) src(%dma_wait3A_1123 : memref<128xf32, #tpu.memory_space<vmem>>) dst(%dma_wait3A_1128 : memref<10240xf32, #tpu.memory_space<vmem_shared>>)
                tpu.yield
              }) : () -> ()
            } else {
            }
          }
          %scan3A_687 = arith.constant 4 : i32
        } else {
        }
      }
      %scan3A_274 = arith.constant 20 : i32
    } else {
    }
    %eq3A_254 = arith.constant 31 : i32
    %eq3A_255 = arith.cmpi eq, %add3A, %eq3A_254 : i32
    %convert_element_type3A_256 = arith.extui %eq3A_255 : i1 to i32
    %cond3A_257 = arith.constant 0 : i32
    %cond3A_258 = arith.cmpi ne, %convert_element_type3A_256, %cond3A_257 : i32
    scf.if %cond3A_258 {
      %dma_wait3A = arith.constant 0 : i32
      %dma_wait3A_267 = arith.constant 0 : i32
      %dma_wait3A_268 = tpu.memref_slice %arg4[%dma_wait3A, %dma_wait3A_267] : memref<2x10240xi32, #tpu.memory_space<vmem>> -> memref<2x2560xi32, #tpu.memory_space<vmem>>
      %dma_wait3A_269 = arith.constant 0 : i32
      %dma_wait3A_270 = tpu.memref_slice %arg2[%dma_wait3A_269, %mul3A_2] : memref<2x320000xi32, #tpu.memory_space<hbm>> -> memref<2x2560xi32, #tpu.memory_space<hbm>>
      %dma_wait3A_271 = arith.constant 0 : i32
      %dma_wait3A_272 = arith.constant 0 : i32
      %dma_wait3A_273 = tpu.memref_slice %arg4[%dma_wait3A_271, %dma_wait3A_272] : memref<2x10240xi32, #tpu.memory_space<vmem>> -> memref<2x2560xi32, #tpu.memory_space<vmem>>
      %dma_wait3A_274 = arith.constant 0 : i32
      %dma_wait3A_275 = tpu.memref_slice %arg2[%dma_wait3A_274, %mul3A_2] : memref<2x320000xi32, #tpu.memory_space<hbm>> -> memref<2x2560xi32, #tpu.memory_space<hbm>>
      tpu.wait_dma2 semaphore(%arg9 : memref<!tpu.dma_semaphore, #tpu.memory_space<semaphore_mem>>) src(%dma_wait3A_275 : memref<2x2560xi32, #tpu.memory_space<hbm>>) dst(%dma_wait3A_273 : memref<2x2560xi32, #tpu.memory_space<vmem>>)
      %scan3A = arith.constant 0 : i32
      %scan3A_276 = arith.constant 0 : i32
      %scan3A_277 = arith.constant 5 : i32
      %scan3A_278 = arith.addi %scan3A_276, %scan3A_277 : i32
      %scan3A_279 = arith.constant 1 : i32
      scf.for %scan3A_281 = %scan3A_276 to %scan3A_278 step %scan3A_279  : i32 {
        %mul3A_282 = arith.constant 512 : i32
        %mul3A_283 = arith.muli %scan3A_281, %mul3A_282 : i32
        %broadcast_in_dim3A_284 = arith.constant false
        %broadcast_in_dim3A_285 = vector.broadcast %broadcast_in_dim3A_284 : i1 to vector<16xi1>
        %add3A_286 = arith.constant 0 : i32
        %add3A_287 = arith.addi %mul3A_283, %add3A_286 : i32
        %get3A = arith.constant 1 : i32
        %get3A_288 = arith.index_cast %get3A : i32 to index
        %get3A_289 = arith.index_cast %add3A_287 : i32 to index
        %get3A_290 = tpu.vector_load %arg4[%get3A_288, %get3A_289] {strides = array<i32>} : memref<2x10240xi32, #tpu.memory_space<vmem>>, vector<1x16xi32>,
        %get3A_291 = vector.shape_cast %get3A_290 : vector<1x16xi32> to vector<16xi32>
        %eq3A_292 = arith.constant 0 : i32
        %eq3A_293 = vector.broadcast %eq3A_292 : i32 to vector<16xi32>
        %eq3A_294 = arith.cmpi eq, %get3A_291, %eq3A_293 : vector<16xi32>
        %or3A = arith.ori %broadcast_in_dim3A_285, %eq3A_294 : vector<16xi1>
        %add3A_295 = arith.constant 16 : i32
        %add3A_296 = arith.addi %mul3A_283, %add3A_295 : i32
        %get3A_297 = arith.constant 1 : i32
        %get3A_298 = arith.index_cast %get3A_297 : i32 to index
        %get3A_299 = arith.index_cast %add3A_296 : i32 to index
        %get3A_300 = tpu.vector_load %arg4[%get3A_298, %get3A_299] {strides = array<i32>} : memref<2x10240xi32, #tpu.memory_space<vmem>>, vector<1x16xi32>,
        %get3A_301 = vector.shape_cast %get3A_300 : vector<1x16xi32> to vector<16xi32>
        %eq3A_302 = arith.constant 0 : i32
        %eq3A_303 = vector.broadcast %eq3A_302 : i32 to vector<16xi32>
        %eq3A_304 = arith.cmpi eq, %get3A_301, %eq3A_303 : vector<16xi32>
        %or3A_305 = arith.ori %or3A, %eq3A_304 : vector<16xi1>
        %add3A_306 = arith.constant 32 : i32
        %add3A_307 = arith.addi %mul3A_283, %add3A_306 : i32
        %get3A_308 = arith.constant 1 : i32
        %get3A_309 = arith.index_cast %get3A_308 : i32 to index
        %get3A_310 = arith.index_cast %add3A_307 : i32 to index
        %get3A_311 = tpu.vector_load %arg4[%get3A_309, %get3A_310] {strides = array<i32>} : memref<2x10240xi32, #tpu.memory_space<vmem>>, vector<1x16xi32>,
        %get3A_312 = vector.shape_cast %get3A_311 : vector<1x16xi32> to vector<16xi32>
        %eq3A_313 = arith.constant 0 : i32
        %eq3A_314 = vector.broadcast %eq3A_313 : i32 to vector<16xi32>
        %eq3A_315 = arith.cmpi eq, %get3A_312, %eq3A_314 : vector<16xi32>
        %or3A_316 = arith.ori %or3A_305, %eq3A_315 : vector<16xi1>
        %add3A_317 = arith.constant 48 : i32
        %add3A_318 = arith.addi %mul3A_283, %add3A_317 : i32
        %get3A_319 = arith.constant 1 : i32
        %get3A_320 = arith.index_cast %get3A_319 : i32 to index
        %get3A_321 = arith.index_cast %add3A_318 : i32 to index
        %get3A_322 = tpu.vector_load %arg4[%get3A_320, %get3A_321] {strides = array<i32>} : memref<2x10240xi32, #tpu.memory_space<vmem>>, vector<1x16xi32>,
        %get3A_323 = vector.shape_cast %get3A_322 : vector<1x16xi32> to vector<16xi32>
        %eq3A_324 = arith.constant 0 : i32
        %eq3A_325 = vector.broadcast %eq3A_324 : i32 to vector<16xi32>
        %eq3A_326 = arith.cmpi eq, %get3A_323, %eq3A_325 : vector<16xi32>
        %or3A_327 = arith.ori %or3A_316, %eq3A_326 : vector<16xi1>
        %add3A_328 = arith.constant 64 : i32
        %add3A_329 = arith.addi %mul3A_283, %add3A_328 : i32
        %get3A_330 = arith.constant 1 : i32
        %get3A_331 = arith.index_cast %get3A_330 : i32 to index
        %get3A_332 = arith.index_cast %add3A_329 : i32 to index
        %get3A_333 = tpu.vector_load %arg4[%get3A_331, %get3A_332] {strides = array<i32>} : memref<2x10240xi32, #tpu.memory_space<vmem>>, vector<1x16xi32>,
        %get3A_334 = vector.shape_cast %get3A_333 : vector<1x16xi32> to vector<16xi32>
        %eq3A_335 = arith.constant 0 : i32
        %eq3A_336 = vector.broadcast %eq3A_335 : i32 to vector<16xi32>
        %eq3A_337 = arith.cmpi eq, %get3A_334, %eq3A_336 : vector<16xi32>
        %or3A_338 = arith.ori %or3A_327, %eq3A_337 : vector<16xi1>
        %add3A_339 = arith.constant 80 : i32
        %add3A_340 = arith.addi %mul3A_283, %add3A_339 : i32
        %get3A_341 = arith.constant 1 : i32
        %get3A_342 = arith.index_cast %get3A_341 : i32 to index
        %get3A_343 = arith.index_cast %add3A_340 : i32 to index
        %get3A_344 = tpu.vector_load %arg4[%get3A_342, %get3A_343] {strides = array<i32>} : memref<2x10240xi32, #tpu.memory_space<vmem>>, vector<1x16xi32>,
        %get3A_345 = vector.shape_cast %get3A_344 : vector<1x16xi32> to vector<16xi32>
        %eq3A_346 = arith.constant 0 : i32
        %eq3A_347 = vector.broadcast %eq3A_346 : i32 to vector<16xi32>
        %eq3A_348 = arith.cmpi eq, %get3A_345, %eq3A_347 : vector<16xi32>
        %or3A_349 = arith.ori %or3A_338, %eq3A_348 : vector<16xi1>
        %add3A_350 = arith.constant 96 : i32
        %add3A_351 = arith.addi %mul3A_283, %add3A_350 : i32
        %get3A_352 = arith.constant 1 : i32
        %get3A_353 = arith.index_cast %get3A_352 : i32 to index
        %get3A_354 = arith.index_cast %add3A_351 : i32 to index
        %get3A_355 = tpu.vector_load %arg4[%get3A_353, %get3A_354] {strides = array<i32>} : memref<2x10240xi32, #tpu.memory_space<vmem>>, vector<1x16xi32>,
        %get3A_356 = vector.shape_cast %get3A_355 : vector<1x16xi32> to vector<16xi32>
        %eq3A_357 = arith.constant 0 : i32
        %eq3A_358 = vector.broadcast %eq3A_357 : i32 to vector<16xi32>
        %eq3A_359 = arith.cmpi eq, %get3A_356, %eq3A_358 : vector<16xi32>
        %or3A_360 = arith.ori %or3A_349, %eq3A_359 : vector<16xi1>
        %add3A_361 = arith.constant 112 : i32
        %add3A_362 = arith.addi %mul3A_283, %add3A_361 : i32
        %get3A_363 = arith.constant 1 : i32
        %get3A_364 = arith.index_cast %get3A_363 : i32 to index
        %get3A_365 = arith.index_cast %add3A_362 : i32 to index
        %get3A_366 = tpu.vector_load %arg4[%get3A_364, %get3A_365] {strides = array<i32>} : memref<2x10240xi32, #tpu.memory_space<vmem>>, vector<1x16xi32>,
        %get3A_367 = vector.shape_cast %get3A_366 : vector<1x16xi32> to vector<16xi32>
        %eq3A_368 = arith.constant 0 : i32
        %eq3A_369 = vector.broadcast %eq3A_368 : i32 to vector<16xi32>
        %eq3A_370 = arith.cmpi eq, %get3A_367, %eq3A_369 : vector<16xi32>
        %or3A_371 = arith.ori %or3A_360, %eq3A_370 : vector<16xi1>
        %add3A_372 = arith.constant 128 : i32
        %add3A_373 = arith.addi %mul3A_283, %add3A_372 : i32
        %get3A_374 = arith.constant 1 : i32
        %get3A_375 = arith.index_cast %get3A_374 : i32 to index
        %get3A_376 = arith.index_cast %add3A_373 : i32 to index
        %get3A_377 = tpu.vector_load %arg4[%get3A_375, %get3A_376] {strides = array<i32>} : memref<2x10240xi32, #tpu.memory_space<vmem>>, vector<1x16xi32>,
        %get3A_378 = vector.shape_cast %get3A_377 : vector<1x16xi32> to vector<16xi32>
        %eq3A_379 = arith.constant 0 : i32
        %eq3A_380 = vector.broadcast %eq3A_379 : i32 to vector<16xi32>
        %eq3A_381 = arith.cmpi eq, %get3A_378, %eq3A_380 : vector<16xi32>
        %or3A_382 = arith.ori %or3A_371, %eq3A_381 : vector<16xi1>
        %add3A_383 = arith.constant 144 : i32
        %add3A_384 = arith.addi %mul3A_283, %add3A_383 : i32
        %get3A_385 = arith.constant 1 : i32
        %get3A_386 = arith.index_cast %get3A_385 : i32 to index
        %get3A_387 = arith.index_cast %add3A_384 : i32 to index
        %get3A_388 = tpu.vector_load %arg4[%get3A_386, %get3A_387] {strides = array<i32>} : memref<2x10240xi32, #tpu.memory_space<vmem>>, vector<1x16xi32>,
        %get3A_389 = vector.shape_cast %get3A_388 : vector<1x16xi32> to vector<16xi32>
        %eq3A_390 = arith.constant 0 : i32
        %eq3A_391 = vector.broadcast %eq3A_390 : i32 to vector<16xi32>
        %eq3A_392 = arith.cmpi eq, %get3A_389, %eq3A_391 : vector<16xi32>
        %or3A_393 = arith.ori %or3A_382, %eq3A_392 : vector<16xi1>
        %add3A_394 = arith.constant 160 : i32
        %add3A_395 = arith.addi %mul3A_283, %add3A_394 : i32
        %get3A_396 = arith.constant 1 : i32
        %get3A_397 = arith.index_cast %get3A_396 : i32 to index
        %get3A_398 = arith.index_cast %add3A_395 : i32 to index
        %get3A_399 = tpu.vector_load %arg4[%get3A_397, %get3A_398] {strides = array<i32>} : memref<2x10240xi32, #tpu.memory_space<vmem>>, vector<1x16xi32>,
        %get3A_400 = vector.shape_cast %get3A_399 : vector<1x16xi32> to vector<16xi32>
        %eq3A_401 = arith.constant 0 : i32
        %eq3A_402 = vector.broadcast %eq3A_401 : i32 to vector<16xi32>
        %eq3A_403 = arith.cmpi eq, %get3A_400, %eq3A_402 : vector<16xi32>
        %or3A_404 = arith.ori %or3A_393, %eq3A_403 : vector<16xi1>
        %add3A_405 = arith.constant 176 : i32
        %add3A_406 = arith.addi %mul3A_283, %add3A_405 : i32
        %get3A_407 = arith.constant 1 : i32
        %get3A_408 = arith.index_cast %get3A_407 : i32 to index
        %get3A_409 = arith.index_cast %add3A_406 : i32 to index
        %get3A_410 = tpu.vector_load %arg4[%get3A_408, %get3A_409] {strides = array<i32>} : memref<2x10240xi32, #tpu.memory_space<vmem>>, vector<1x16xi32>,
        %get3A_411 = vector.shape_cast %get3A_410 : vector<1x16xi32> to vector<16xi32>
        %eq3A_412 = arith.constant 0 : i32
        %eq3A_413 = vector.broadcast %eq3A_412 : i32 to vector<16xi32>
        %eq3A_414 = arith.cmpi eq, %get3A_411, %eq3A_413 : vector<16xi32>
        %or3A_415 = arith.ori %or3A_404, %eq3A_414 : vector<16xi1>
        %add3A_416 = arith.constant 192 : i32
        %add3A_417 = arith.addi %mul3A_283, %add3A_416 : i32
        %get3A_418 = arith.constant 1 : i32
        %get3A_419 = arith.index_cast %get3A_418 : i32 to index
        %get3A_420 = arith.index_cast %add3A_417 : i32 to index
        %get3A_421 = tpu.vector_load %arg4[%get3A_419, %get3A_420] {strides = array<i32>} : memref<2x10240xi32, #tpu.memory_space<vmem>>, vector<1x16xi32>,
        %get3A_422 = vector.shape_cast %get3A_421 : vector<1x16xi32> to vector<16xi32>
        %eq3A_423 = arith.constant 0 : i32
        %eq3A_424 = vector.broadcast %eq3A_423 : i32 to vector<16xi32>
        %eq3A_425 = arith.cmpi eq, %get3A_422, %eq3A_424 : vector<16xi32>
        %or3A_426 = arith.ori %or3A_415, %eq3A_425 : vector<16xi1>
        %add3A_427 = arith.constant 208 : i32
        %add3A_428 = arith.addi %mul3A_283, %add3A_427 : i32
        %get3A_429 = arith.constant 1 : i32
        %get3A_430 = arith.index_cast %get3A_429 : i32 to index
        %get3A_431 = arith.index_cast %add3A_428 : i32 to index
        %get3A_432 = tpu.vector_load %arg4[%get3A_430, %get3A_431] {strides = array<i32>} : memref<2x10240xi32, #tpu.memory_space<vmem>>, vector<1x16xi32>,
        %get3A_433 = vector.shape_cast %get3A_432 : vector<1x16xi32> to vector<16xi32>
        %eq3A_434 = arith.constant 0 : i32
        %eq3A_435 = vector.broadcast %eq3A_434 : i32 to vector<16xi32>
        %eq3A_436 = arith.cmpi eq, %get3A_433, %eq3A_435 : vector<16xi32>
        %or3A_437 = arith.ori %or3A_426, %eq3A_436 : vector<16xi1>
        %add3A_438 = arith.constant 224 : i32
        %add3A_439 = arith.addi %mul3A_283, %add3A_438 : i32
        %get3A_440 = arith.constant 1 : i32
        %get3A_441 = arith.index_cast %get3A_440 : i32 to index
        %get3A_442 = arith.index_cast %add3A_439 : i32 to index
        %get3A_443 = tpu.vector_load %arg4[%get3A_441, %get3A_442] {strides = array<i32>} : memref<2x10240xi32, #tpu.memory_space<vmem>>, vector<1x16xi32>,
        %get3A_444 = vector.shape_cast %get3A_443 : vector<1x16xi32> to vector<16xi32>
        %eq3A_445 = arith.constant 0 : i32
        %eq3A_446 = vector.broadcast %eq3A_445 : i32 to vector<16xi32>
        %eq3A_447 = arith.cmpi eq, %get3A_444, %eq3A_446 : vector<16xi32>
        %or3A_448 = arith.ori %or3A_437, %eq3A_447 : vector<16xi1>
        %add3A_449 = arith.constant 240 : i32
        %add3A_450 = arith.addi %mul3A_283, %add3A_449 : i32
        %get3A_451 = arith.constant 1 : i32
        %get3A_452 = arith.index_cast %get3A_451 : i32 to index
        %get3A_453 = arith.index_cast %add3A_450 : i32 to index
        %get3A_454 = tpu.vector_load %arg4[%get3A_452, %get3A_453] {strides = array<i32>} : memref<2x10240xi32, #tpu.memory_space<vmem>>, vector<1x16xi32>,
        %get3A_455 = vector.shape_cast %get3A_454 : vector<1x16xi32> to vector<16xi32>
        %eq3A_456 = arith.constant 0 : i32
        %eq3A_457 = vector.broadcast %eq3A_456 : i32 to vector<16xi32>
        %eq3A_458 = arith.cmpi eq, %get3A_455, %eq3A_457 : vector<16xi32>
        %or3A_459 = arith.ori %or3A_448, %eq3A_458 : vector<16xi1>
        %add3A_460 = arith.constant 256 : i32
        %add3A_461 = arith.addi %mul3A_283, %add3A_460 : i32
        %get3A_462 = arith.constant 1 : i32
        %get3A_463 = arith.index_cast %get3A_462 : i32 to index
        %get3A_464 = arith.index_cast %add3A_461 : i32 to index
        %get3A_465 = tpu.vector_load %arg4[%get3A_463, %get3A_464] {strides = array<i32>} : memref<2x10240xi32, #tpu.memory_space<vmem>>, vector<1x16xi32>,
        %get3A_466 = vector.shape_cast %get3A_465 : vector<1x16xi32> to vector<16xi32>
        %eq3A_467 = arith.constant 0 : i32
        %eq3A_468 = vector.broadcast %eq3A_467 : i32 to vector<16xi32>
        %eq3A_469 = arith.cmpi eq, %get3A_466, %eq3A_468 : vector<16xi32>
        %or3A_470 = arith.ori %or3A_459, %eq3A_469 : vector<16xi1>
        %add3A_471 = arith.constant 272 : i32
        %add3A_472 = arith.addi %mul3A_283, %add3A_471 : i32
        %get3A_473 = arith.constant 1 : i32
        %get3A_474 = arith.index_cast %get3A_473 : i32 to index
        %get3A_475 = arith.index_cast %add3A_472 : i32 to index
        %get3A_476 = tpu.vector_load %arg4[%get3A_474, %get3A_475] {strides = array<i32>} : memref<2x10240xi32, #tpu.memory_space<vmem>>, vector<1x16xi32>,
        %get3A_477 = vector.shape_cast %get3A_476 : vector<1x16xi32> to vector<16xi32>
        %eq3A_478 = arith.constant 0 : i32
        %eq3A_479 = vector.broadcast %eq3A_478 : i32 to vector<16xi32>
        %eq3A_480 = arith.cmpi eq, %get3A_477, %eq3A_479 : vector<16xi32>
        %or3A_481 = arith.ori %or3A_470, %eq3A_480 : vector<16xi1>
        %add3A_482 = arith.constant 288 : i32
        %add3A_483 = arith.addi %mul3A_283, %add3A_482 : i32
        %get3A_484 = arith.constant 1 : i32
        %get3A_485 = arith.index_cast %get3A_484 : i32 to index
        %get3A_486 = arith.index_cast %add3A_483 : i32 to index
        %get3A_487 = tpu.vector_load %arg4[%get3A_485, %get3A_486] {strides = array<i32>} : memref<2x10240xi32, #tpu.memory_space<vmem>>, vector<1x16xi32>,
        %get3A_488 = vector.shape_cast %get3A_487 : vector<1x16xi32> to vector<16xi32>
        %eq3A_489 = arith.constant 0 : i32
        %eq3A_490 = vector.broadcast %eq3A_489 : i32 to vector<16xi32>
        %eq3A_491 = arith.cmpi eq, %get3A_488, %eq3A_490 : vector<16xi32>
        %or3A_492 = arith.ori %or3A_481, %eq3A_491 : vector<16xi1>
        %add3A_493 = arith.constant 304 : i32
        %add3A_494 = arith.addi %mul3A_283, %add3A_493 : i32
        %get3A_495 = arith.constant 1 : i32
        %get3A_496 = arith.index_cast %get3A_495 : i32 to index
        %get3A_497 = arith.index_cast %add3A_494 : i32 to index
        %get3A_498 = tpu.vector_load %arg4[%get3A_496, %get3A_497] {strides = array<i32>} : memref<2x10240xi32, #tpu.memory_space<vmem>>, vector<1x16xi32>,
        %get3A_499 = vector.shape_cast %get3A_498 : vector<1x16xi32> to vector<16xi32>
        %eq3A_500 = arith.constant 0 : i32
        %eq3A_501 = vector.broadcast %eq3A_500 : i32 to vector<16xi32>
        %eq3A_502 = arith.cmpi eq, %get3A_499, %eq3A_501 : vector<16xi32>
        %or3A_503 = arith.ori %or3A_492, %eq3A_502 : vector<16xi1>
        %add3A_504 = arith.constant 320 : i32
        %add3A_505 = arith.addi %mul3A_283, %add3A_504 : i32
        %get3A_506 = arith.constant 1 : i32
        %get3A_507 = arith.index_cast %get3A_506 : i32 to index
        %get3A_508 = arith.index_cast %add3A_505 : i32 to index
        %get3A_509 = tpu.vector_load %arg4[%get3A_507, %get3A_508] {strides = array<i32>} : memref<2x10240xi32, #tpu.memory_space<vmem>>, vector<1x16xi32>,
        %get3A_510 = vector.shape_cast %get3A_509 : vector<1x16xi32> to vector<16xi32>
        %eq3A_511 = arith.constant 0 : i32
        %eq3A_512 = vector.broadcast %eq3A_511 : i32 to vector<16xi32>
        %eq3A_513 = arith.cmpi eq, %get3A_510, %eq3A_512 : vector<16xi32>
        %or3A_514 = arith.ori %or3A_503, %eq3A_513 : vector<16xi1>
        %add3A_515 = arith.constant 336 : i32
        %add3A_516 = arith.addi %mul3A_283, %add3A_515 : i32
        %get3A_517 = arith.constant 1 : i32
        %get3A_518 = arith.index_cast %get3A_517 : i32 to index
        %get3A_519 = arith.index_cast %add3A_516 : i32 to index
        %get3A_520 = tpu.vector_load %arg4[%get3A_518, %get3A_519] {strides = array<i32>} : memref<2x10240xi32, #tpu.memory_space<vmem>>, vector<1x16xi32>,
        %get3A_521 = vector.shape_cast %get3A_520 : vector<1x16xi32> to vector<16xi32>
        %eq3A_522 = arith.constant 0 : i32
        %eq3A_523 = vector.broadcast %eq3A_522 : i32 to vector<16xi32>
        %eq3A_524 = arith.cmpi eq, %get3A_521, %eq3A_523 : vector<16xi32>
        %or3A_525 = arith.ori %or3A_514, %eq3A_524 : vector<16xi1>
        %add3A_526 = arith.constant 352 : i32
        %add3A_527 = arith.addi %mul3A_283, %add3A_526 : i32
        %get3A_528 = arith.constant 1 : i32
        %get3A_529 = arith.index_cast %get3A_528 : i32 to index
        %get3A_530 = arith.index_cast %add3A_527 : i32 to index
        %get3A_531 = tpu.vector_load %arg4[%get3A_529, %get3A_530] {strides = array<i32>} : memref<2x10240xi32, #tpu.memory_space<vmem>>, vector<1x16xi32>,
        %get3A_532 = vector.shape_cast %get3A_531 : vector<1x16xi32> to vector<16xi32>
        %eq3A_533 = arith.constant 0 : i32
        %eq3A_534 = vector.broadcast %eq3A_533 : i32 to vector<16xi32>
        %eq3A_535 = arith.cmpi eq, %get3A_532, %eq3A_534 : vector<16xi32>
        %or3A_536 = arith.ori %or3A_525, %eq3A_535 : vector<16xi1>
        %add3A_537 = arith.constant 368 : i32
        %add3A_538 = arith.addi %mul3A_283, %add3A_537 : i32
        %get3A_539 = arith.constant 1 : i32
        %get3A_540 = arith.index_cast %get3A_539 : i32 to index
        %get3A_541 = arith.index_cast %add3A_538 : i32 to index
        %get3A_542 = tpu.vector_load %arg4[%get3A_540, %get3A_541] {strides = array<i32>} : memref<2x10240xi32, #tpu.memory_space<vmem>>, vector<1x16xi32>,
        %get3A_543 = vector.shape_cast %get3A_542 : vector<1x16xi32> to vector<16xi32>
        %eq3A_544 = arith.constant 0 : i32
        %eq3A_545 = vector.broadcast %eq3A_544 : i32 to vector<16xi32>
        %eq3A_546 = arith.cmpi eq, %get3A_543, %eq3A_545 : vector<16xi32>
        %or3A_547 = arith.ori %or3A_536, %eq3A_546 : vector<16xi1>
        %add3A_548 = arith.constant 384 : i32
        %add3A_549 = arith.addi %mul3A_283, %add3A_548 : i32
        %get3A_550 = arith.constant 1 : i32
        %get3A_551 = arith.index_cast %get3A_550 : i32 to index
        %get3A_552 = arith.index_cast %add3A_549 : i32 to index
        %get3A_553 = tpu.vector_load %arg4[%get3A_551, %get3A_552] {strides = array<i32>} : memref<2x10240xi32, #tpu.memory_space<vmem>>, vector<1x16xi32>,
        %get3A_554 = vector.shape_cast %get3A_553 : vector<1x16xi32> to vector<16xi32>
        %eq3A_555 = arith.constant 0 : i32
        %eq3A_556 = vector.broadcast %eq3A_555 : i32 to vector<16xi32>
        %eq3A_557 = arith.cmpi eq, %get3A_554, %eq3A_556 : vector<16xi32>
        %or3A_558 = arith.ori %or3A_547, %eq3A_557 : vector<16xi1>
        %add3A_559 = arith.constant 400 : i32
        %add3A_560 = arith.addi %mul3A_283, %add3A_559 : i32
        %get3A_561 = arith.constant 1 : i32
        %get3A_562 = arith.index_cast %get3A_561 : i32 to index
        %get3A_563 = arith.index_cast %add3A_560 : i32 to index
        %get3A_564 = tpu.vector_load %arg4[%get3A_562, %get3A_563] {strides = array<i32>} : memref<2x10240xi32, #tpu.memory_space<vmem>>, vector<1x16xi32>,
        %get3A_565 = vector.shape_cast %get3A_564 : vector<1x16xi32> to vector<16xi32>
        %eq3A_566 = arith.constant 0 : i32
        %eq3A_567 = vector.broadcast %eq3A_566 : i32 to vector<16xi32>
        %eq3A_568 = arith.cmpi eq, %get3A_565, %eq3A_567 : vector<16xi32>
        %or3A_569 = arith.ori %or3A_558, %eq3A_568 : vector<16xi1>
        %add3A_570 = arith.constant 416 : i32
        %add3A_571 = arith.addi %mul3A_283, %add3A_570 : i32
        %get3A_572 = arith.constant 1 : i32
        %get3A_573 = arith.index_cast %get3A_572 : i32 to index
        %get3A_574 = arith.index_cast %add3A_571 : i32 to index
        %get3A_575 = tpu.vector_load %arg4[%get3A_573, %get3A_574] {strides = array<i32>} : memref<2x10240xi32, #tpu.memory_space<vmem>>, vector<1x16xi32>,
        %get3A_576 = vector.shape_cast %get3A_575 : vector<1x16xi32> to vector<16xi32>
        %eq3A_577 = arith.constant 0 : i32
        %eq3A_578 = vector.broadcast %eq3A_577 : i32 to vector<16xi32>
        %eq3A_579 = arith.cmpi eq, %get3A_576, %eq3A_578 : vector<16xi32>
        %or3A_580 = arith.ori %or3A_569, %eq3A_579 : vector<16xi1>
        %add3A_581 = arith.constant 432 : i32
        %add3A_582 = arith.addi %mul3A_283, %add3A_581 : i32
        %get3A_583 = arith.constant 1 : i32
        %get3A_584 = arith.index_cast %get3A_583 : i32 to index
        %get3A_585 = arith.index_cast %add3A_582 : i32 to index
        %get3A_586 = tpu.vector_load %arg4[%get3A_584, %get3A_585] {strides = array<i32>} : memref<2x10240xi32, #tpu.memory_space<vmem>>, vector<1x16xi32>,
        %get3A_587 = vector.shape_cast %get3A_586 : vector<1x16xi32> to vector<16xi32>
        %eq3A_588 = arith.constant 0 : i32
        %eq3A_589 = vector.broadcast %eq3A_588 : i32 to vector<16xi32>
        %eq3A_590 = arith.cmpi eq, %get3A_587, %eq3A_589 : vector<16xi32>
        %or3A_591 = arith.ori %or3A_580, %eq3A_590 : vector<16xi1>
        %add3A_592 = arith.constant 448 : i32
        %add3A_593 = arith.addi %mul3A_283, %add3A_592 : i32
        %get3A_594 = arith.constant 1 : i32
        %get3A_595 = arith.index_cast %get3A_594 : i32 to index
        %get3A_596 = arith.index_cast %add3A_593 : i32 to index
        %get3A_597 = tpu.vector_load %arg4[%get3A_595, %get3A_596] {strides = array<i32>} : memref<2x10240xi32, #tpu.memory_space<vmem>>, vector<1x16xi32>,
        %get3A_598 = vector.shape_cast %get3A_597 : vector<1x16xi32> to vector<16xi32>
        %eq3A_599 = arith.constant 0 : i32
        %eq3A_600 = vector.broadcast %eq3A_599 : i32 to vector<16xi32>
        %eq3A_601 = arith.cmpi eq, %get3A_598, %eq3A_600 : vector<16xi32>
        %or3A_602 = arith.ori %or3A_591, %eq3A_601 : vector<16xi1>
        %add3A_603 = arith.constant 464 : i32
        %add3A_604 = arith.addi %mul3A_283, %add3A_603 : i32
        %get3A_605 = arith.constant 1 : i32
        %get3A_606 = arith.index_cast %get3A_605 : i32 to index
        %get3A_607 = arith.index_cast %add3A_604 : i32 to index
        %get3A_608 = tpu.vector_load %arg4[%get3A_606, %get3A_607] {strides = array<i32>} : memref<2x10240xi32, #tpu.memory_space<vmem>>, vector<1x16xi32>,
        %get3A_609 = vector.shape_cast %get3A_608 : vector<1x16xi32> to vector<16xi32>
        %eq3A_610 = arith.constant 0 : i32
        %eq3A_611 = vector.broadcast %eq3A_610 : i32 to vector<16xi32>
        %eq3A_612 = arith.cmpi eq, %get3A_609, %eq3A_611 : vector<16xi32>
        %or3A_613 = arith.ori %or3A_602, %eq3A_612 : vector<16xi1>
        %add3A_614 = arith.constant 480 : i32
        %add3A_615 = arith.addi %mul3A_283, %add3A_614 : i32
        %get3A_616 = arith.constant 1 : i32
        %get3A_617 = arith.index_cast %get3A_616 : i32 to index
        %get3A_618 = arith.index_cast %add3A_615 : i32 to index
        %get3A_619 = tpu.vector_load %arg4[%get3A_617, %get3A_618] {strides = array<i32>} : memref<2x10240xi32, #tpu.memory_space<vmem>>, vector<1x16xi32>,
        %get3A_620 = vector.shape_cast %get3A_619 : vector<1x16xi32> to vector<16xi32>
        %eq3A_621 = arith.constant 0 : i32
        %eq3A_622 = vector.broadcast %eq3A_621 : i32 to vector<16xi32>
        %eq3A_623 = arith.cmpi eq, %get3A_620, %eq3A_622 : vector<16xi32>
        %or3A_624 = arith.ori %or3A_613, %eq3A_623 : vector<16xi1>
        %add3A_625 = arith.constant 496 : i32
        %add3A_626 = arith.addi %mul3A_283, %add3A_625 : i32
        %get3A_627 = arith.constant 1 : i32
        %get3A_628 = arith.index_cast %get3A_627 : i32 to index
        %get3A_629 = arith.index_cast %add3A_626 : i32 to index
        %get3A_630 = tpu.vector_load %arg4[%get3A_628, %get3A_629] {strides = array<i32>} : memref<2x10240xi32, #tpu.memory_space<vmem>>, vector<1x16xi32>,
        %get3A_631 = vector.shape_cast %get3A_630 : vector<1x16xi32> to vector<16xi32>
        %eq3A_632 = arith.constant 0 : i32
        %eq3A_633 = vector.broadcast %eq3A_632 : i32 to vector<16xi32>
        %eq3A_634 = arith.cmpi eq, %get3A_631, %eq3A_633 : vector<16xi32>
        %or3A_635 = arith.ori %or3A_624, %eq3A_634 : vector<16xi1>
        %jit3A = arith.constant 1 : i32
        %jit3A_636 = arith.constant 0 : i32
        %broadcast_in_dim3A_637 = vector.broadcast %jit3A : i32 to vector<16xi32>
        %broadcast_in_dim3A_638 = vector.broadcast %jit3A_636 : i32 to vector<16xi32>
        %select_n3A = arith.select %or3A_635, %broadcast_in_dim3A_637, %broadcast_in_dim3A_638 : vector<16xi1>, vector<16xi32>
        %slice3A = vector.extract_strided_slice %select_n3A {offsets = [0], sizes = [1], strides = [1]} : vector<16xi32> to vector<1xi32>
        %squeeze3A = vector.extract %slice3A[0] : i32 from vector<1xi32>
        %slice3A_639 = vector.extract_strided_slice %select_n3A {offsets = [1], sizes = [1], strides = [1]} : vector<16xi32> to vector<1xi32>
        %squeeze3A_640 = vector.extract %slice3A_639[0] : i32 from vector<1xi32>
        %add3A_641 = arith.addi %squeeze3A, %squeeze3A_640 : i32
        %slice3A_642 = vector.extract_strided_slice %select_n3A {offsets = [2], sizes = [1], strides = [1]} : vector<16xi32> to vector<1xi32>
        %squeeze3A_643 = vector.extract %slice3A_642[0] : i32 from vector<1xi32>
        %add3A_644 = arith.addi %add3A_641, %squeeze3A_643 : i32
        %slice3A_645 = vector.extract_strided_slice %select_n3A {offsets = [3], sizes = [1], strides = [1]} : vector<16xi32> to vector<1xi32>
        %squeeze3A_646 = vector.extract %slice3A_645[0] : i32 from vector<1xi32>
        %add3A_647 = arith.addi %add3A_644, %squeeze3A_646 : i32
        %slice3A_648 = vector.extract_strided_slice %select_n3A {offsets = [4], sizes = [1], strides = [1]} : vector<16xi32> to vector<1xi32>
        %squeeze3A_649 = vector.extract %slice3A_648[0] : i32 from vector<1xi32>
        %add3A_650 = arith.addi %add3A_647, %squeeze3A_649 : i32
        %slice3A_651 = vector.extract_strided_slice %select_n3A {offsets = [5], sizes = [1], strides = [1]} : vector<16xi32> to vector<1xi32>
        %squeeze3A_652 = vector.extract %slice3A_651[0] : i32 from vector<1xi32>
        %add3A_653 = arith.addi %add3A_650, %squeeze3A_652 : i32
        %slice3A_654 = vector.extract_strided_slice %select_n3A {offsets = [6], sizes = [1], strides = [1]} : vector<16xi32> to vector<1xi32>
        %squeeze3A_655 = vector.extract %slice3A_654[0] : i32 from vector<1xi32>
        %add3A_656 = arith.addi %add3A_653, %squeeze3A_655 : i32
        %slice3A_657 = vector.extract_strided_slice %select_n3A {offsets = [7], sizes = [1], strides = [1]} : vector<16xi32> to vector<1xi32>
        %squeeze3A_658 = vector.extract %slice3A_657[0] : i32 from vector<1xi32>
        %add3A_659 = arith.addi %add3A_656, %squeeze3A_658 : i32
        %slice3A_660 = vector.extract_strided_slice %select_n3A {offsets = [8], sizes = [1], strides = [1]} : vector<16xi32> to vector<1xi32>
        %squeeze3A_661 = vector.extract %slice3A_660[0] : i32 from vector<1xi32>
        %add3A_662 = arith.addi %add3A_659, %squeeze3A_661 : i32
        %slice3A_663 = vector.extract_strided_slice %select_n3A {offsets = [9], sizes = [1], strides = [1]} : vector<16xi32> to vector<1xi32>
        %squeeze3A_664 = vector.extract %slice3A_663[0] : i32 from vector<1xi32>
        %add3A_665 = arith.addi %add3A_662, %squeeze3A_664 : i32
        %slice3A_666 = vector.extract_strided_slice %select_n3A {offsets = [10], sizes = [1], strides = [1]} : vector<16xi32> to vector<1xi32>
        %squeeze3A_667 = vector.extract %slice3A_666[0] : i32 from vector<1xi32>
        %add3A_668 = arith.addi %add3A_665, %squeeze3A_667 : i32
        %slice3A_669 = vector.extract_strided_slice %select_n3A {offsets = [11], sizes = [1], strides = [1]} : vector<16xi32> to vector<1xi32>
        %squeeze3A_670 = vector.extract %slice3A_669[0] : i32 from vector<1xi32>
        %add3A_671 = arith.addi %add3A_668, %squeeze3A_670 : i32
        %slice3A_672 = vector.extract_strided_slice %select_n3A {offsets = [12], sizes = [1], strides = [1]} : vector<16xi32> to vector<1xi32>
        %squeeze3A_673 = vector.extract %slice3A_672[0] : i32 from vector<1xi32>
        %add3A_674 = arith.addi %add3A_671, %squeeze3A_673 : i32
        %slice3A_675 = vector.extract_strided_slice %select_n3A {offsets = [13], sizes = [1], strides = [1]} : vector<16xi32> to vector<1xi32>
        %squeeze3A_676 = vector.extract %slice3A_675[0] : i32 from vector<1xi32>
        %add3A_677 = arith.addi %add3A_674, %squeeze3A_676 : i32
        %slice3A_678 = vector.extract_strided_slice %select_n3A {offsets = [14], sizes = [1], strides = [1]} : vector<16xi32> to vector<1xi32>
        %squeeze3A_679 = vector.extract %slice3A_678[0] : i32 from vector<1xi32>
        %add3A_680 = arith.addi %add3A_677, %squeeze3A_679 : i32
        %slice3A_681 = vector.extract_strided_slice %select_n3A {offsets = [15], sizes = [1], strides = [1]} : vector<16xi32> to vector<1xi32>
        %squeeze3A_682 = vector.extract %slice3A_681[0] : i32 from vector<1xi32>
        %add3A_683 = arith.addi %add3A_680, %squeeze3A_682 : i32
        %gt3A = arith.constant 0 : i32
        %gt3A_684 = arith.cmpi sgt, %add3A_683, %gt3A : i32
        %convert_element_type3A_685 = arith.extui %gt3A_684 : i1 to i32
        %cond3A_686 = arith.constant 0 : i32
        %cond3A_687 = arith.cmpi ne, %convert_element_type3A_685, %cond3A_686 : i32
        scf.if %cond3A_687 {
          %scan3A_688 = arith.constant 0 : i32
          %scan3A_689 = arith.constant 0 : i32
          %scan3A_690 = arith.constant 4 : i32
          %scan3A_691 = arith.addi %scan3A_689, %scan3A_690 : i32
          %scan3A_692 = arith.constant 1 : i32
          scf.for %scan3A_694 = %scan3A_689 to %scan3A_691 step %scan3A_692  : i32 {
            %mul3A_695 = arith.constant 128 : i32
            %mul3A_696 = arith.muli %scan3A_694, %mul3A_695 : i32
            %add3A_697 = arith.addi %mul3A_283, %mul3A_696 : i32
            %broadcast_in_dim3A_698 = arith.constant false
            %broadcast_in_dim3A_699 = vector.broadcast %broadcast_in_dim3A_698 : i1 to vector<16xi1>
            %add3A_700 = arith.constant 0 : i32
            %add3A_701 = arith.addi %add3A_697, %add3A_700 : i32
            %get3A_702 = arith.constant 1 : i32
            %get3A_703 = arith.index_cast %get3A_702 : i32 to index
            %get3A_704 = arith.index_cast %add3A_701 : i32 to index
            %get3A_705 = tpu.vector_load %arg4[%get3A_703, %get3A_704] {strides = array<i32>} : memref<2x10240xi32, #tpu.memory_space<vmem>>, vector<1x16xi32>,
            %get3A_706 = vector.shape_cast %get3A_705 : vector<1x16xi32> to vector<16xi32>
            %eq3A_707 = arith.constant 0 : i32
            %eq3A_708 = vector.broadcast %eq3A_707 : i32 to vector<16xi32>
            %eq3A_709 = arith.cmpi eq, %get3A_706, %eq3A_708 : vector<16xi32>
            %or3A_710 = arith.ori %broadcast_in_dim3A_699, %eq3A_709 : vector<16xi1>
            %add3A_711 = arith.constant 16 : i32
            %add3A_712 = arith.addi %add3A_697, %add3A_711 : i32
            %get3A_713 = arith.constant 1 : i32
            %get3A_714 = arith.index_cast %get3A_713 : i32 to index
            %get3A_715 = arith.index_cast %add3A_712 : i32 to index
            %get3A_716 = tpu.vector_load %arg4[%get3A_714, %get3A_715] {strides = array<i32>} : memref<2x10240xi32, #tpu.memory_space<vmem>>, vector<1x16xi32>,
            %get3A_717 = vector.shape_cast %get3A_716 : vector<1x16xi32> to vector<16xi32>
            %eq3A_718 = arith.constant 0 : i32
            %eq3A_719 = vector.broadcast %eq3A_718 : i32 to vector<16xi32>
            %eq3A_720 = arith.cmpi eq, %get3A_717, %eq3A_719 : vector<16xi32>
            %or3A_721 = arith.ori %or3A_710, %eq3A_720 : vector<16xi1>
            %add3A_722 = arith.constant 32 : i32
            %add3A_723 = arith.addi %add3A_697, %add3A_722 : i32
            %get3A_724 = arith.constant 1 : i32
            %get3A_725 = arith.index_cast %get3A_724 : i32 to index
            %get3A_726 = arith.index_cast %add3A_723 : i32 to index
            %get3A_727 = tpu.vector_load %arg4[%get3A_725, %get3A_726] {strides = array<i32>} : memref<2x10240xi32, #tpu.memory_space<vmem>>, vector<1x16xi32>,
            %get3A_728 = vector.shape_cast %get3A_727 : vector<1x16xi32> to vector<16xi32>
            %eq3A_729 = arith.constant 0 : i32
            %eq3A_730 = vector.broadcast %eq3A_729 : i32 to vector<16xi32>
            %eq3A_731 = arith.cmpi eq, %get3A_728, %eq3A_730 : vector<16xi32>
            %or3A_732 = arith.ori %or3A_721, %eq3A_731 : vector<16xi1>
            %add3A_733 = arith.constant 48 : i32
            %add3A_734 = arith.addi %add3A_697, %add3A_733 : i32
            %get3A_735 = arith.constant 1 : i32
            %get3A_736 = arith.index_cast %get3A_735 : i32 to index
            %get3A_737 = arith.index_cast %add3A_734 : i32 to index
            %get3A_738 = tpu.vector_load %arg4[%get3A_736, %get3A_737] {strides = array<i32>} : memref<2x10240xi32, #tpu.memory_space<vmem>>, vector<1x16xi32>,
            %get3A_739 = vector.shape_cast %get3A_738 : vector<1x16xi32> to vector<16xi32>
            %eq3A_740 = arith.constant 0 : i32
            %eq3A_741 = vector.broadcast %eq3A_740 : i32 to vector<16xi32>
            %eq3A_742 = arith.cmpi eq, %get3A_739, %eq3A_741 : vector<16xi32>
            %or3A_743 = arith.ori %or3A_732, %eq3A_742 : vector<16xi1>
            %add3A_744 = arith.constant 64 : i32
            %add3A_745 = arith.addi %add3A_697, %add3A_744 : i32
            %get3A_746 = arith.constant 1 : i32
            %get3A_747 = arith.index_cast %get3A_746 : i32 to index
            %get3A_748 = arith.index_cast %add3A_745 : i32 to index
            %get3A_749 = tpu.vector_load %arg4[%get3A_747, %get3A_748] {strides = array<i32>} : memref<2x10240xi32, #tpu.memory_space<vmem>>, vector<1x16xi32>,
            %get3A_750 = vector.shape_cast %get3A_749 : vector<1x16xi32> to vector<16xi32>
            %eq3A_751 = arith.constant 0 : i32
            %eq3A_752 = vector.broadcast %eq3A_751 : i32 to vector<16xi32>
            %eq3A_753 = arith.cmpi eq, %get3A_750, %eq3A_752 : vector<16xi32>
            %or3A_754 = arith.ori %or3A_743, %eq3A_753 : vector<16xi1>
            %add3A_755 = arith.constant 80 : i32
            %add3A_756 = arith.addi %add3A_697, %add3A_755 : i32
            %get3A_757 = arith.constant 1 : i32
            %get3A_758 = arith.index_cast %get3A_757 : i32 to index
            %get3A_759 = arith.index_cast %add3A_756 : i32 to index
            %get3A_760 = tpu.vector_load %arg4[%get3A_758, %get3A_759] {strides = array<i32>} : memref<2x10240xi32, #tpu.memory_space<vmem>>, vector<1x16xi32>,
            %get3A_761 = vector.shape_cast %get3A_760 : vector<1x16xi32> to vector<16xi32>
            %eq3A_762 = arith.constant 0 : i32
            %eq3A_763 = vector.broadcast %eq3A_762 : i32 to vector<16xi32>
            %eq3A_764 = arith.cmpi eq, %get3A_761, %eq3A_763 : vector<16xi32>
            %or3A_765 = arith.ori %or3A_754, %eq3A_764 : vector<16xi1>
            %add3A_766 = arith.constant 96 : i32
            %add3A_767 = arith.addi %add3A_697, %add3A_766 : i32
            %get3A_768 = arith.constant 1 : i32
            %get3A_769 = arith.index_cast %get3A_768 : i32 to index
            %get3A_770 = arith.index_cast %add3A_767 : i32 to index
            %get3A_771 = tpu.vector_load %arg4[%get3A_769, %get3A_770] {strides = array<i32>} : memref<2x10240xi32, #tpu.memory_space<vmem>>, vector<1x16xi32>,
            %get3A_772 = vector.shape_cast %get3A_771 : vector<1x16xi32> to vector<16xi32>
            %eq3A_773 = arith.constant 0 : i32
            %eq3A_774 = vector.broadcast %eq3A_773 : i32 to vector<16xi32>
            %eq3A_775 = arith.cmpi eq, %get3A_772, %eq3A_774 : vector<16xi32>
            %or3A_776 = arith.ori %or3A_765, %eq3A_775 : vector<16xi1>
            %add3A_777 = arith.constant 112 : i32
            %add3A_778 = arith.addi %add3A_697, %add3A_777 : i32
            %get3A_779 = arith.constant 1 : i32
            %get3A_780 = arith.index_cast %get3A_779 : i32 to index
            %get3A_781 = arith.index_cast %add3A_778 : i32 to index
            %get3A_782 = tpu.vector_load %arg4[%get3A_780, %get3A_781] {strides = array<i32>} : memref<2x10240xi32, #tpu.memory_space<vmem>>, vector<1x16xi32>,
            %get3A_783 = vector.shape_cast %get3A_782 : vector<1x16xi32> to vector<16xi32>
            %eq3A_784 = arith.constant 0 : i32
            %eq3A_785 = vector.broadcast %eq3A_784 : i32 to vector<16xi32>
            %eq3A_786 = arith.cmpi eq, %get3A_783, %eq3A_785 : vector<16xi32>
            %or3A_787 = arith.ori %or3A_776, %eq3A_786 : vector<16xi1>
            %jit3A_788 = arith.constant 1 : i32
            %jit3A_789 = arith.constant 0 : i32
            %broadcast_in_dim3A_790 = vector.broadcast %jit3A_788 : i32 to vector<16xi32>
            %broadcast_in_dim3A_791 = vector.broadcast %jit3A_789 : i32 to vector<16xi32>
            %select_n3A_792 = arith.select %or3A_787, %broadcast_in_dim3A_790, %broadcast_in_dim3A_791 : vector<16xi1>, vector<16xi32>
            %slice3A_793 = vector.extract_strided_slice %select_n3A_792 {offsets = [0], sizes = [1], strides = [1]} : vector<16xi32> to vector<1xi32>
            %squeeze3A_794 = vector.extract %slice3A_793[0] : i32 from vector<1xi32>
            %slice3A_795 = vector.extract_strided_slice %select_n3A_792 {offsets = [1], sizes = [1], strides = [1]} : vector<16xi32> to vector<1xi32>
            %squeeze3A_796 = vector.extract %slice3A_795[0] : i32 from vector<1xi32>
            %add3A_797 = arith.addi %squeeze3A_794, %squeeze3A_796 : i32
            %slice3A_798 = vector.extract_strided_slice %select_n3A_792 {offsets = [2], sizes = [1], strides = [1]} : vector<16xi32> to vector<1xi32>
            %squeeze3A_799 = vector.extract %slice3A_798[0] : i32 from vector<1xi32>
            %add3A_800 = arith.addi %add3A_797, %squeeze3A_799 : i32
            %slice3A_801 = vector.extract_strided_slice %select_n3A_792 {offsets = [3], sizes = [1], strides = [1]} : vector<16xi32> to vector<1xi32>
            %squeeze3A_802 = vector.extract %slice3A_801[0] : i32 from vector<1xi32>
            %add3A_803 = arith.addi %add3A_800, %squeeze3A_802 : i32
            %slice3A_804 = vector.extract_strided_slice %select_n3A_792 {offsets = [4], sizes = [1], strides = [1]} : vector<16xi32> to vector<1xi32>
            %squeeze3A_805 = vector.extract %slice3A_804[0] : i32 from vector<1xi32>
            %add3A_806 = arith.addi %add3A_803, %squeeze3A_805 : i32
            %slice3A_807 = vector.extract_strided_slice %select_n3A_792 {offsets = [5], sizes = [1], strides = [1]} : vector<16xi32> to vector<1xi32>
            %squeeze3A_808 = vector.extract %slice3A_807[0] : i32 from vector<1xi32>
            %add3A_809 = arith.addi %add3A_806, %squeeze3A_808 : i32
            %slice3A_810 = vector.extract_strided_slice %select_n3A_792 {offsets = [6], sizes = [1], strides = [1]} : vector<16xi32> to vector<1xi32>
            %squeeze3A_811 = vector.extract %slice3A_810[0] : i32 from vector<1xi32>
            %add3A_812 = arith.addi %add3A_809, %squeeze3A_811 : i32
            %slice3A_813 = vector.extract_strided_slice %select_n3A_792 {offsets = [7], sizes = [1], strides = [1]} : vector<16xi32> to vector<1xi32>
            %squeeze3A_814 = vector.extract %slice3A_813[0] : i32 from vector<1xi32>
            %add3A_815 = arith.addi %add3A_812, %squeeze3A_814 : i32
            %slice3A_816 = vector.extract_strided_slice %select_n3A_792 {offsets = [8], sizes = [1], strides = [1]} : vector<16xi32> to vector<1xi32>
            %squeeze3A_817 = vector.extract %slice3A_816[0] : i32 from vector<1xi32>
            %add3A_818 = arith.addi %add3A_815, %squeeze3A_817 : i32
            %slice3A_819 = vector.extract_strided_slice %select_n3A_792 {offsets = [9], sizes = [1], strides = [1]} : vector<16xi32> to vector<1xi32>
            %squeeze3A_820 = vector.extract %slice3A_819[0] : i32 from vector<1xi32>
            %add3A_821 = arith.addi %add3A_818, %squeeze3A_820 : i32
            %slice3A_822 = vector.extract_strided_slice %select_n3A_792 {offsets = [10], sizes = [1], strides = [1]} : vector<16xi32> to vector<1xi32>
            %squeeze3A_823 = vector.extract %slice3A_822[0] : i32 from vector<1xi32>
            %add3A_824 = arith.addi %add3A_821, %squeeze3A_823 : i32
            %slice3A_825 = vector.extract_strided_slice %select_n3A_792 {offsets = [11], sizes = [1], strides = [1]} : vector<16xi32> to vector<1xi32>
            %squeeze3A_826 = vector.extract %slice3A_825[0] : i32 from vector<1xi32>
            %add3A_827 = arith.addi %add3A_824, %squeeze3A_826 : i32
            %slice3A_828 = vector.extract_strided_slice %select_n3A_792 {offsets = [12], sizes = [1], strides = [1]} : vector<16xi32> to vector<1xi32>
            %squeeze3A_829 = vector.extract %slice3A_828[0] : i32 from vector<1xi32>
            %add3A_830 = arith.addi %add3A_827, %squeeze3A_829 : i32
            %slice3A_831 = vector.extract_strided_slice %select_n3A_792 {offsets = [13], sizes = [1], strides = [1]} : vector<16xi32> to vector<1xi32>
            %squeeze3A_832 = vector.extract %slice3A_831[0] : i32 from vector<1xi32>
            %add3A_833 = arith.addi %add3A_830, %squeeze3A_832 : i32
            %slice3A_834 = vector.extract_strided_slice %select_n3A_792 {offsets = [14], sizes = [1], strides = [1]} : vector<16xi32> to vector<1xi32>
            %squeeze3A_835 = vector.extract %slice3A_834[0] : i32 from vector<1xi32>
            %add3A_836 = arith.addi %add3A_833, %squeeze3A_835 : i32
            %slice3A_837 = vector.extract_strided_slice %select_n3A_792 {offsets = [15], sizes = [1], strides = [1]} : vector<16xi32> to vector<1xi32>
            %squeeze3A_838 = vector.extract %slice3A_837[0] : i32 from vector<1xi32>
            %add3A_839 = arith.addi %add3A_836, %squeeze3A_838 : i32
            %gt3A_840 = arith.constant 0 : i32
            %gt3A_841 = arith.cmpi sgt, %add3A_839, %gt3A_840 : i32
            %convert_element_type3A_842 = arith.extui %gt3A_841 : i1 to i32
            %cond3A_843 = arith.constant 0 : i32
            %cond3A_844 = arith.cmpi ne, %convert_element_type3A_842, %cond3A_843 : i32
            scf.if %cond3A_844 {
              %add3A_845 = arith.constant 0 : i32
              %add3A_846 = arith.addi %add3A_697, %add3A_845 : i32
              %get3A_847 = arith.constant 0 : i32
              %get3A_848 = arith.index_cast %get3A_847 : i32 to index
              %get3A_849 = arith.index_cast %add3A_846 : i32 to index
              %get3A_850 = tpu.vector_load %arg4[%get3A_848, %get3A_849] {strides = array<i32>} : memref<2x10240xi32, #tpu.memory_space<vmem>>, vector<1x16xi32>,
              %get3A_851 = vector.shape_cast %get3A_850 : vector<1x16xi32> to vector<16xi32>
              %swap3A_852 = arith.constant 0 : i32
              %swap3A_853 = arith.index_cast %swap3A_852 : i32 to index
              %swap3A_854 = arith.constant 0 : index
              %swap3A_855 = tpu.vector_load %arg5[%swap3A_853, %swap3A_854] {strides = array<i32>} : memref<1x128xi32, #tpu.memory_space<vmem>>, vector<1x16xi32>,
              %swap3A_856 = vector.shape_cast %swap3A_855 : vector<1x16xi32> to vector<16xi32>
              %swap3A_857 = vector.shape_cast %get3A_851 : vector<16xi32> to vector<1x16xi32>
              tpu.vector_store %arg5[%swap3A_853, %swap3A_854], %swap3A_857 {strides = array<i32>} : memref<1x128xi32, #tpu.memory_space<vmem>>, vector<1x16xi32>,
              %add3A_858 = arith.constant 0 : i32
              %add3A_859 = arith.addi %add3A_697, %add3A_858 : i32
              %get3A_860 = arith.constant 1 : i32
              %get3A_861 = arith.index_cast %get3A_860 : i32 to index
              %get3A_862 = arith.index_cast %add3A_859 : i32 to index
              %get3A_863 = tpu.vector_load %arg4[%get3A_861, %get3A_862] {strides = array<i32>} : memref<2x10240xi32, #tpu.memory_space<vmem>>, vector<1x16xi32>,
              %get3A_864 = vector.shape_cast %get3A_863 : vector<1x16xi32> to vector<16xi32>
              %eq3A_865 = arith.constant 0 : i32
              %eq3A_866 = vector.broadcast %eq3A_865 : i32 to vector<16xi32>
              %eq3A_867 = arith.cmpi eq, %get3A_864, %eq3A_866 : vector<16xi32>
              %jit3A_868 = arith.constant 1.000000e+00 : f32
              %jit3A_869 = arith.constant 0.000000e+00 : f32
              %broadcast_in_dim3A_870 = vector.broadcast %jit3A_868 : f32 to vector<16xf32>
              %broadcast_in_dim3A_871 = vector.broadcast %jit3A_869 : f32 to vector<16xf32>
              %select_n3A_872 = arith.select %eq3A_867, %broadcast_in_dim3A_870, %broadcast_in_dim3A_871 : vector<16xi1>, vector<16xf32>
              %swap3A_873 = arith.constant 0 : i32
              %swap3A_874 = arith.index_cast %swap3A_873 : i32 to index
              %swap3A_875 = arith.constant 0 : index
              %swap3A_876 = tpu.vector_load %arg6[%swap3A_874, %swap3A_875] {strides = array<i32>} : memref<1x128xf32, #tpu.memory_space<vmem>>, vector<1x16xf32>,
              %swap3A_877 = vector.shape_cast %swap3A_876 : vector<1x16xf32> to vector<16xf32>
              %swap3A_878 = vector.shape_cast %select_n3A_872 : vector<16xf32> to vector<1x16xf32>
              tpu.vector_store %arg6[%swap3A_874, %swap3A_875], %swap3A_878 {strides = array<i32>} : memref<1x128xf32, #tpu.memory_space<vmem>>, vector<1x16xf32>,
              %add3A_879 = arith.constant 16 : i32
              %add3A_880 = arith.addi %add3A_697, %add3A_879 : i32
              %get3A_881 = arith.constant 0 : i32
              %get3A_882 = arith.index_cast %get3A_881 : i32 to index
              %get3A_883 = arith.index_cast %add3A_880 : i32 to index
              %get3A_884 = tpu.vector_load %arg4[%get3A_882, %get3A_883] {strides = array<i32>} : memref<2x10240xi32, #tpu.memory_space<vmem>>, vector<1x16xi32>,
              %get3A_885 = vector.shape_cast %get3A_884 : vector<1x16xi32> to vector<16xi32>
              %swap3A_886 = arith.constant 0 : i32
              %swap3A_887 = arith.index_cast %swap3A_886 : i32 to index
              %swap3A_888 = arith.constant 16 : index
              %swap3A_889 = tpu.vector_load %arg5[%swap3A_887, %swap3A_888] {strides = array<i32>} : memref<1x128xi32, #tpu.memory_space<vmem>>, vector<1x16xi32>,
              %swap3A_890 = vector.shape_cast %swap3A_889 : vector<1x16xi32> to vector<16xi32>
              %swap3A_891 = vector.shape_cast %get3A_885 : vector<16xi32> to vector<1x16xi32>
              tpu.vector_store %arg5[%swap3A_887, %swap3A_888], %swap3A_891 {strides = array<i32>} : memref<1x128xi32, #tpu.memory_space<vmem>>, vector<1x16xi32>,
              %add3A_892 = arith.constant 16 : i32
              %add3A_893 = arith.addi %add3A_697, %add3A_892 : i32
              %get3A_894 = arith.constant 1 : i32
              %get3A_895 = arith.index_cast %get3A_894 : i32 to index
              %get3A_896 = arith.index_cast %add3A_893 : i32 to index
              %get3A_897 = tpu.vector_load %arg4[%get3A_895, %get3A_896] {strides = array<i32>} : memref<2x10240xi32, #tpu.memory_space<vmem>>, vector<1x16xi32>,
              %get3A_898 = vector.shape_cast %get3A_897 : vector<1x16xi32> to vector<16xi32>
              %eq3A_899 = arith.constant 0 : i32
              %eq3A_900 = vector.broadcast %eq3A_899 : i32 to vector<16xi32>
              %eq3A_901 = arith.cmpi eq, %get3A_898, %eq3A_900 : vector<16xi32>
              %jit3A_902 = arith.constant 1.000000e+00 : f32
              %jit3A_903 = arith.constant 0.000000e+00 : f32
              %broadcast_in_dim3A_904 = vector.broadcast %jit3A_902 : f32 to vector<16xf32>
              %broadcast_in_dim3A_905 = vector.broadcast %jit3A_903 : f32 to vector<16xf32>
              %select_n3A_906 = arith.select %eq3A_901, %broadcast_in_dim3A_904, %broadcast_in_dim3A_905 : vector<16xi1>, vector<16xf32>
              %swap3A_907 = arith.constant 0 : i32
              %swap3A_908 = arith.index_cast %swap3A_907 : i32 to index
              %swap3A_909 = arith.constant 16 : index
              %swap3A_910 = tpu.vector_load %arg6[%swap3A_908, %swap3A_909] {strides = array<i32>} : memref<1x128xf32, #tpu.memory_space<vmem>>, vector<1x16xf32>,
              %swap3A_911 = vector.shape_cast %swap3A_910 : vector<1x16xf32> to vector<16xf32>
              %swap3A_912 = vector.shape_cast %select_n3A_906 : vector<16xf32> to vector<1x16xf32>
              tpu.vector_store %arg6[%swap3A_908, %swap3A_909], %swap3A_912 {strides = array<i32>} : memref<1x128xf32, #tpu.memory_space<vmem>>, vector<1x16xf32>,
              %add3A_913 = arith.constant 32 : i32
              %add3A_914 = arith.addi %add3A_697, %add3A_913 : i32
              %get3A_915 = arith.constant 0 : i32
              %get3A_916 = arith.index_cast %get3A_915 : i32 to index
              %get3A_917 = arith.index_cast %add3A_914 : i32 to index
              %get3A_918 = tpu.vector_load %arg4[%get3A_916, %get3A_917] {strides = array<i32>} : memref<2x10240xi32, #tpu.memory_space<vmem>>, vector<1x16xi32>,
              %get3A_919 = vector.shape_cast %get3A_918 : vector<1x16xi32> to vector<16xi32>
              %swap3A_920 = arith.constant 0 : i32
              %swap3A_921 = arith.index_cast %swap3A_920 : i32 to index
              %swap3A_922 = arith.constant 32 : index
              %swap3A_923 = tpu.vector_load %arg5[%swap3A_921, %swap3A_922] {strides = array<i32>} : memref<1x128xi32, #tpu.memory_space<vmem>>, vector<1x16xi32>,
              %swap3A_924 = vector.shape_cast %swap3A_923 : vector<1x16xi32> to vector<16xi32>
              %swap3A_925 = vector.shape_cast %get3A_919 : vector<16xi32> to vector<1x16xi32>
              tpu.vector_store %arg5[%swap3A_921, %swap3A_922], %swap3A_925 {strides = array<i32>} : memref<1x128xi32, #tpu.memory_space<vmem>>, vector<1x16xi32>,
              %add3A_926 = arith.constant 32 : i32
              %add3A_927 = arith.addi %add3A_697, %add3A_926 : i32
              %get3A_928 = arith.constant 1 : i32
              %get3A_929 = arith.index_cast %get3A_928 : i32 to index
              %get3A_930 = arith.index_cast %add3A_927 : i32 to index
              %get3A_931 = tpu.vector_load %arg4[%get3A_929, %get3A_930] {strides = array<i32>} : memref<2x10240xi32, #tpu.memory_space<vmem>>, vector<1x16xi32>,
              %get3A_932 = vector.shape_cast %get3A_931 : vector<1x16xi32> to vector<16xi32>
              %eq3A_933 = arith.constant 0 : i32
              %eq3A_934 = vector.broadcast %eq3A_933 : i32 to vector<16xi32>
              %eq3A_935 = arith.cmpi eq, %get3A_932, %eq3A_934 : vector<16xi32>
              %jit3A_936 = arith.constant 1.000000e+00 : f32
              %jit3A_937 = arith.constant 0.000000e+00 : f32
              %broadcast_in_dim3A_938 = vector.broadcast %jit3A_936 : f32 to vector<16xf32>
              %broadcast_in_dim3A_939 = vector.broadcast %jit3A_937 : f32 to vector<16xf32>
              %select_n3A_940 = arith.select %eq3A_935, %broadcast_in_dim3A_938, %broadcast_in_dim3A_939 : vector<16xi1>, vector<16xf32>
              %swap3A_941 = arith.constant 0 : i32
              %swap3A_942 = arith.index_cast %swap3A_941 : i32 to index
              %swap3A_943 = arith.constant 32 : index
              %swap3A_944 = tpu.vector_load %arg6[%swap3A_942, %swap3A_943] {strides = array<i32>} : memref<1x128xf32, #tpu.memory_space<vmem>>, vector<1x16xf32>,
              %swap3A_945 = vector.shape_cast %swap3A_944 : vector<1x16xf32> to vector<16xf32>
              %swap3A_946 = vector.shape_cast %select_n3A_940 : vector<16xf32> to vector<1x16xf32>
              tpu.vector_store %arg6[%swap3A_942, %swap3A_943], %swap3A_946 {strides = array<i32>} : memref<1x128xf32, #tpu.memory_space<vmem>>, vector<1x16xf32>,
              %add3A_947 = arith.constant 48 : i32
              %add3A_948 = arith.addi %add3A_697, %add3A_947 : i32
              %get3A_949 = arith.constant 0 : i32
              %get3A_950 = arith.index_cast %get3A_949 : i32 to index
              %get3A_951 = arith.index_cast %add3A_948 : i32 to index
              %get3A_952 = tpu.vector_load %arg4[%get3A_950, %get3A_951] {strides = array<i32>} : memref<2x10240xi32, #tpu.memory_space<vmem>>, vector<1x16xi32>,
              %get3A_953 = vector.shape_cast %get3A_952 : vector<1x16xi32> to vector<16xi32>
              %swap3A_954 = arith.constant 0 : i32
              %swap3A_955 = arith.index_cast %swap3A_954 : i32 to index
              %swap3A_956 = arith.constant 48 : index
              %swap3A_957 = tpu.vector_load %arg5[%swap3A_955, %swap3A_956] {strides = array<i32>} : memref<1x128xi32, #tpu.memory_space<vmem>>, vector<1x16xi32>,
              %swap3A_958 = vector.shape_cast %swap3A_957 : vector<1x16xi32> to vector<16xi32>
              %swap3A_959 = vector.shape_cast %get3A_953 : vector<16xi32> to vector<1x16xi32>
              tpu.vector_store %arg5[%swap3A_955, %swap3A_956], %swap3A_959 {strides = array<i32>} : memref<1x128xi32, #tpu.memory_space<vmem>>, vector<1x16xi32>,
              %add3A_960 = arith.constant 48 : i32
              %add3A_961 = arith.addi %add3A_697, %add3A_960 : i32
              %get3A_962 = arith.constant 1 : i32
              %get3A_963 = arith.index_cast %get3A_962 : i32 to index
              %get3A_964 = arith.index_cast %add3A_961 : i32 to index
              %get3A_965 = tpu.vector_load %arg4[%get3A_963, %get3A_964] {strides = array<i32>} : memref<2x10240xi32, #tpu.memory_space<vmem>>, vector<1x16xi32>,
              %get3A_966 = vector.shape_cast %get3A_965 : vector<1x16xi32> to vector<16xi32>
              %eq3A_967 = arith.constant 0 : i32
              %eq3A_968 = vector.broadcast %eq3A_967 : i32 to vector<16xi32>
              %eq3A_969 = arith.cmpi eq, %get3A_966, %eq3A_968 : vector<16xi32>
              %jit3A_970 = arith.constant 1.000000e+00 : f32
              %jit3A_971 = arith.constant 0.000000e+00 : f32
              %broadcast_in_dim3A_972 = vector.broadcast %jit3A_970 : f32 to vector<16xf32>
              %broadcast_in_dim3A_973 = vector.broadcast %jit3A_971 : f32 to vector<16xf32>
              %select_n3A_974 = arith.select %eq3A_969, %broadcast_in_dim3A_972, %broadcast_in_dim3A_973 : vector<16xi1>, vector<16xf32>
              %swap3A_975 = arith.constant 0 : i32
              %swap3A_976 = arith.index_cast %swap3A_975 : i32 to index
              %swap3A_977 = arith.constant 48 : index
              %swap3A_978 = tpu.vector_load %arg6[%swap3A_976, %swap3A_977] {strides = array<i32>} : memref<1x128xf32, #tpu.memory_space<vmem>>, vector<1x16xf32>,
              %swap3A_979 = vector.shape_cast %swap3A_978 : vector<1x16xf32> to vector<16xf32>
              %swap3A_980 = vector.shape_cast %select_n3A_974 : vector<16xf32> to vector<1x16xf32>
              tpu.vector_store %arg6[%swap3A_976, %swap3A_977], %swap3A_980 {strides = array<i32>} : memref<1x128xf32, #tpu.memory_space<vmem>>, vector<1x16xf32>,
              %add3A_981 = arith.constant 64 : i32
              %add3A_982 = arith.addi %add3A_697, %add3A_981 : i32
              %get3A_983 = arith.constant 0 : i32
              %get3A_984 = arith.index_cast %get3A_983 : i32 to index
              %get3A_985 = arith.index_cast %add3A_982 : i32 to index
              %get3A_986 = tpu.vector_load %arg4[%get3A_984, %get3A_985] {strides = array<i32>} : memref<2x10240xi32, #tpu.memory_space<vmem>>, vector<1x16xi32>,
              %get3A_987 = vector.shape_cast %get3A_986 : vector<1x16xi32> to vector<16xi32>
              %swap3A_988 = arith.constant 0 : i32
              %swap3A_989 = arith.index_cast %swap3A_988 : i32 to index
              %swap3A_990 = arith.constant 64 : index
              %swap3A_991 = tpu.vector_load %arg5[%swap3A_989, %swap3A_990] {strides = array<i32>} : memref<1x128xi32, #tpu.memory_space<vmem>>, vector<1x16xi32>,
              %swap3A_992 = vector.shape_cast %swap3A_991 : vector<1x16xi32> to vector<16xi32>
              %swap3A_993 = vector.shape_cast %get3A_987 : vector<16xi32> to vector<1x16xi32>
              tpu.vector_store %arg5[%swap3A_989, %swap3A_990], %swap3A_993 {strides = array<i32>} : memref<1x128xi32, #tpu.memory_space<vmem>>, vector<1x16xi32>,
              %add3A_994 = arith.constant 64 : i32
              %add3A_995 = arith.addi %add3A_697, %add3A_994 : i32
              %get3A_996 = arith.constant 1 : i32
              %get3A_997 = arith.index_cast %get3A_996 : i32 to index
              %get3A_998 = arith.index_cast %add3A_995 : i32 to index
              %get3A_999 = tpu.vector_load %arg4[%get3A_997, %get3A_998] {strides = array<i32>} : memref<2x10240xi32, #tpu.memory_space<vmem>>, vector<1x16xi32>,
              %get3A_1000 = vector.shape_cast %get3A_999 : vector<1x16xi32> to vector<16xi32>
              %eq3A_1001 = arith.constant 0 : i32
              %eq3A_1002 = vector.broadcast %eq3A_1001 : i32 to vector<16xi32>
              %eq3A_1003 = arith.cmpi eq, %get3A_1000, %eq3A_1002 : vector<16xi32>
              %jit3A_1004 = arith.constant 1.000000e+00 : f32
              %jit3A_1005 = arith.constant 0.000000e+00 : f32
              %broadcast_in_dim3A_1006 = vector.broadcast %jit3A_1004 : f32 to vector<16xf32>
              %broadcast_in_dim3A_1007 = vector.broadcast %jit3A_1005 : f32 to vector<16xf32>
              %select_n3A_1008 = arith.select %eq3A_1003, %broadcast_in_dim3A_1006, %broadcast_in_dim3A_1007 : vector<16xi1>, vector<16xf32>
              %swap3A_1009 = arith.constant 0 : i32
              %swap3A_1010 = arith.index_cast %swap3A_1009 : i32 to index
              %swap3A_1011 = arith.constant 64 : index
              %swap3A_1012 = tpu.vector_load %arg6[%swap3A_1010, %swap3A_1011] {strides = array<i32>} : memref<1x128xf32, #tpu.memory_space<vmem>>, vector<1x16xf32>,
              %swap3A_1013 = vector.shape_cast %swap3A_1012 : vector<1x16xf32> to vector<16xf32>
              %swap3A_1014 = vector.shape_cast %select_n3A_1008 : vector<16xf32> to vector<1x16xf32>
              tpu.vector_store %arg6[%swap3A_1010, %swap3A_1011], %swap3A_1014 {strides = array<i32>} : memref<1x128xf32, #tpu.memory_space<vmem>>, vector<1x16xf32>,
              %add3A_1015 = arith.constant 80 : i32
              %add3A_1016 = arith.addi %add3A_697, %add3A_1015 : i32
              %get3A_1017 = arith.constant 0 : i32
              %get3A_1018 = arith.index_cast %get3A_1017 : i32 to index
              %get3A_1019 = arith.index_cast %add3A_1016 : i32 to index
              %get3A_1020 = tpu.vector_load %arg4[%get3A_1018, %get3A_1019] {strides = array<i32>} : memref<2x10240xi32, #tpu.memory_space<vmem>>, vector<1x16xi32>,
              %get3A_1021 = vector.shape_cast %get3A_1020 : vector<1x16xi32> to vector<16xi32>
              %swap3A_1022 = arith.constant 0 : i32
              %swap3A_1023 = arith.index_cast %swap3A_1022 : i32 to index
              %swap3A_1024 = arith.constant 80 : index
              %swap3A_1025 = tpu.vector_load %arg5[%swap3A_1023, %swap3A_1024] {strides = array<i32>} : memref<1x128xi32, #tpu.memory_space<vmem>>, vector<1x16xi32>,
              %swap3A_1026 = vector.shape_cast %swap3A_1025 : vector<1x16xi32> to vector<16xi32>
              %swap3A_1027 = vector.shape_cast %get3A_1021 : vector<16xi32> to vector<1x16xi32>
              tpu.vector_store %arg5[%swap3A_1023, %swap3A_1024], %swap3A_1027 {strides = array<i32>} : memref<1x128xi32, #tpu.memory_space<vmem>>, vector<1x16xi32>,
              %add3A_1028 = arith.constant 80 : i32
              %add3A_1029 = arith.addi %add3A_697, %add3A_1028 : i32
              %get3A_1030 = arith.constant 1 : i32
              %get3A_1031 = arith.index_cast %get3A_1030 : i32 to index
              %get3A_1032 = arith.index_cast %add3A_1029 : i32 to index
              %get3A_1033 = tpu.vector_load %arg4[%get3A_1031, %get3A_1032] {strides = array<i32>} : memref<2x10240xi32, #tpu.memory_space<vmem>>, vector<1x16xi32>,
              %get3A_1034 = vector.shape_cast %get3A_1033 : vector<1x16xi32> to vector<16xi32>
              %eq3A_1035 = arith.constant 0 : i32
              %eq3A_1036 = vector.broadcast %eq3A_1035 : i32 to vector<16xi32>
              %eq3A_1037 = arith.cmpi eq, %get3A_1034, %eq3A_1036 : vector<16xi32>
              %jit3A_1038 = arith.constant 1.000000e+00 : f32
              %jit3A_1039 = arith.constant 0.000000e+00 : f32
              %broadcast_in_dim3A_1040 = vector.broadcast %jit3A_1038 : f32 to vector<16xf32>
              %broadcast_in_dim3A_1041 = vector.broadcast %jit3A_1039 : f32 to vector<16xf32>
              %select_n3A_1042 = arith.select %eq3A_1037, %broadcast_in_dim3A_1040, %broadcast_in_dim3A_1041 : vector<16xi1>, vector<16xf32>
              %swap3A_1043 = arith.constant 0 : i32
              %swap3A_1044 = arith.index_cast %swap3A_1043 : i32 to index
              %swap3A_1045 = arith.constant 80 : index
              %swap3A_1046 = tpu.vector_load %arg6[%swap3A_1044, %swap3A_1045] {strides = array<i32>} : memref<1x128xf32, #tpu.memory_space<vmem>>, vector<1x16xf32>,
              %swap3A_1047 = vector.shape_cast %swap3A_1046 : vector<1x16xf32> to vector<16xf32>
              %swap3A_1048 = vector.shape_cast %select_n3A_1042 : vector<16xf32> to vector<1x16xf32>
              tpu.vector_store %arg6[%swap3A_1044, %swap3A_1045], %swap3A_1048 {strides = array<i32>} : memref<1x128xf32, #tpu.memory_space<vmem>>, vector<1x16xf32>,
              %add3A_1049 = arith.constant 96 : i32
              %add3A_1050 = arith.addi %add3A_697, %add3A_1049 : i32
              %get3A_1051 = arith.constant 0 : i32
              %get3A_1052 = arith.index_cast %get3A_1051 : i32 to index
              %get3A_1053 = arith.index_cast %add3A_1050 : i32 to index
              %get3A_1054 = tpu.vector_load %arg4[%get3A_1052, %get3A_1053] {strides = array<i32>} : memref<2x10240xi32, #tpu.memory_space<vmem>>, vector<1x16xi32>,
              %get3A_1055 = vector.shape_cast %get3A_1054 : vector<1x16xi32> to vector<16xi32>
              %swap3A_1056 = arith.constant 0 : i32
              %swap3A_1057 = arith.index_cast %swap3A_1056 : i32 to index
              %swap3A_1058 = arith.constant 96 : index
              %swap3A_1059 = tpu.vector_load %arg5[%swap3A_1057, %swap3A_1058] {strides = array<i32>} : memref<1x128xi32, #tpu.memory_space<vmem>>, vector<1x16xi32>,
              %swap3A_1060 = vector.shape_cast %swap3A_1059 : vector<1x16xi32> to vector<16xi32>
              %swap3A_1061 = vector.shape_cast %get3A_1055 : vector<16xi32> to vector<1x16xi32>
              tpu.vector_store %arg5[%swap3A_1057, %swap3A_1058], %swap3A_1061 {strides = array<i32>} : memref<1x128xi32, #tpu.memory_space<vmem>>, vector<1x16xi32>,
              %add3A_1062 = arith.constant 96 : i32
              %add3A_1063 = arith.addi %add3A_697, %add3A_1062 : i32
              %get3A_1064 = arith.constant 1 : i32
              %get3A_1065 = arith.index_cast %get3A_1064 : i32 to index
              %get3A_1066 = arith.index_cast %add3A_1063 : i32 to index
              %get3A_1067 = tpu.vector_load %arg4[%get3A_1065, %get3A_1066] {strides = array<i32>} : memref<2x10240xi32, #tpu.memory_space<vmem>>, vector<1x16xi32>,
              %get3A_1068 = vector.shape_cast %get3A_1067 : vector<1x16xi32> to vector<16xi32>
              %eq3A_1069 = arith.constant 0 : i32
              %eq3A_1070 = vector.broadcast %eq3A_1069 : i32 to vector<16xi32>
              %eq3A_1071 = arith.cmpi eq, %get3A_1068, %eq3A_1070 : vector<16xi32>
              %jit3A_1072 = arith.constant 1.000000e+00 : f32
              %jit3A_1073 = arith.constant 0.000000e+00 : f32
              %broadcast_in_dim3A_1074 = vector.broadcast %jit3A_1072 : f32 to vector<16xf32>
              %broadcast_in_dim3A_1075 = vector.broadcast %jit3A_1073 : f32 to vector<16xf32>
              %select_n3A_1076 = arith.select %eq3A_1071, %broadcast_in_dim3A_1074, %broadcast_in_dim3A_1075 : vector<16xi1>, vector<16xf32>
              %swap3A_1077 = arith.constant 0 : i32
              %swap3A_1078 = arith.index_cast %swap3A_1077 : i32 to index
              %swap3A_1079 = arith.constant 96 : index
              %swap3A_1080 = tpu.vector_load %arg6[%swap3A_1078, %swap3A_1079] {strides = array<i32>} : memref<1x128xf32, #tpu.memory_space<vmem>>, vector<1x16xf32>,
              %swap3A_1081 = vector.shape_cast %swap3A_1080 : vector<1x16xf32> to vector<16xf32>
              %swap3A_1082 = vector.shape_cast %select_n3A_1076 : vector<16xf32> to vector<1x16xf32>
              tpu.vector_store %arg6[%swap3A_1078, %swap3A_1079], %swap3A_1082 {strides = array<i32>} : memref<1x128xf32, #tpu.memory_space<vmem>>, vector<1x16xf32>,
              %add3A_1083 = arith.constant 112 : i32
              %add3A_1084 = arith.addi %add3A_697, %add3A_1083 : i32
              %get3A_1085 = arith.constant 0 : i32
              %get3A_1086 = arith.index_cast %get3A_1085 : i32 to index
              %get3A_1087 = arith.index_cast %add3A_1084 : i32 to index
              %get3A_1088 = tpu.vector_load %arg4[%get3A_1086, %get3A_1087] {strides = array<i32>} : memref<2x10240xi32, #tpu.memory_space<vmem>>, vector<1x16xi32>,
              %get3A_1089 = vector.shape_cast %get3A_1088 : vector<1x16xi32> to vector<16xi32>
              %swap3A_1090 = arith.constant 0 : i32
              %swap3A_1091 = arith.index_cast %swap3A_1090 : i32 to index
              %swap3A_1092 = arith.constant 112 : index
              %swap3A_1093 = tpu.vector_load %arg5[%swap3A_1091, %swap3A_1092] {strides = array<i32>} : memref<1x128xi32, #tpu.memory_space<vmem>>, vector<1x16xi32>,
              %swap3A_1094 = vector.shape_cast %swap3A_1093 : vector<1x16xi32> to vector<16xi32>
              %swap3A_1095 = vector.shape_cast %get3A_1089 : vector<16xi32> to vector<1x16xi32>
              tpu.vector_store %arg5[%swap3A_1091, %swap3A_1092], %swap3A_1095 {strides = array<i32>} : memref<1x128xi32, #tpu.memory_space<vmem>>, vector<1x16xi32>,
              %add3A_1096 = arith.constant 112 : i32
              %add3A_1097 = arith.addi %add3A_697, %add3A_1096 : i32
              %get3A_1098 = arith.constant 1 : i32
              %get3A_1099 = arith.index_cast %get3A_1098 : i32 to index
              %get3A_1100 = arith.index_cast %add3A_1097 : i32 to index
              %get3A_1101 = tpu.vector_load %arg4[%get3A_1099, %get3A_1100] {strides = array<i32>} : memref<2x10240xi32, #tpu.memory_space<vmem>>, vector<1x16xi32>,
              %get3A_1102 = vector.shape_cast %get3A_1101 : vector<1x16xi32> to vector<16xi32>
              %eq3A_1103 = arith.constant 0 : i32
              %eq3A_1104 = vector.broadcast %eq3A_1103 : i32 to vector<16xi32>
              %eq3A_1105 = arith.cmpi eq, %get3A_1102, %eq3A_1104 : vector<16xi32>
              %jit3A_1106 = arith.constant 1.000000e+00 : f32
              %jit3A_1107 = arith.constant 0.000000e+00 : f32
              %broadcast_in_dim3A_1108 = vector.broadcast %jit3A_1106 : f32 to vector<16xf32>
              %broadcast_in_dim3A_1109 = vector.broadcast %jit3A_1107 : f32 to vector<16xf32>
              %select_n3A_1110 = arith.select %eq3A_1105, %broadcast_in_dim3A_1108, %broadcast_in_dim3A_1109 : vector<16xi1>, vector<16xf32>
              %swap3A_1111 = arith.constant 0 : i32
              %swap3A_1112 = arith.index_cast %swap3A_1111 : i32 to index
              %swap3A_1113 = arith.constant 112 : index
              %swap3A_1114 = tpu.vector_load %arg6[%swap3A_1112, %swap3A_1113] {strides = array<i32>} : memref<1x128xf32, #tpu.memory_space<vmem>>, vector<1x16xf32>,
              %swap3A_1115 = vector.shape_cast %swap3A_1114 : vector<1x16xf32> to vector<16xf32>
              %swap3A_1116 = vector.shape_cast %select_n3A_1110 : vector<16xf32> to vector<1x16xf32>
              tpu.vector_store %arg6[%swap3A_1112, %swap3A_1113], %swap3A_1116 {strides = array<i32>} : memref<1x128xf32, #tpu.memory_space<vmem>>, vector<1x16xf32>,
              %run_scoped3A_1117 = arith.constant 0 : i32
              %run_scoped3A_1118 = arith.constant 0 : i32
              "tpu.region"() ({
                %run_scoped3A_1119 = tpu.sem_alloc : memref<!tpu.dma_semaphore, #tpu.memory_space<semaphore_mem>>
                %dma_start3A = arith.constant 0 : i32
                %dma_start3A_1120 = tpu.memref_slice %arg6[%run_scoped3A_1117, %dma_start3A] : memref<1x128xf32, #tpu.memory_space<vmem>> -> memref<1x128xf32, #tpu.memory_space<vmem>>
                %dma_start3A_1121 = tpu.memref_squeeze %dma_start3A_1120 : memref<1x128xf32, #tpu.memory_space<vmem>> -> memref<128xf32, #tpu.memory_space<vmem>>
                %dma_start3A_1122 = arith.constant 0 : i32
                %dma_start3A_1123 = tpu.memref_slice %arg5[%run_scoped3A_1118, %dma_start3A_1122] : memref<1x128xi32, #tpu.memory_space<vmem>> -> memref<1x128xi32, #tpu.memory_space<vmem>>
                %dma_start3A_1124 = tpu.memref_squeeze %dma_start3A_1123 : memref<1x128xi32, #tpu.memory_space<vmem>> -> memref<128xi32, #tpu.memory_space<vmem>>
                %dma_start3A_1125 = arith.constant 0 : i32
                %dma_start3A_1126 = tpu.memref_slice %arg8[%dma_start3A_1125] : memref<10240xf32, #tpu.memory_space<vmem_shared>> -> memref<10240xf32, #tpu.memory_space<vmem_shared>>
                tpu.enqueue_indirect_dma source(%dma_start3A_1121 : memref<128xf32, #tpu.memory_space<vmem>>) target(%dma_start3A_1126 : memref<10240xf32, #tpu.memory_space<vmem_shared>>) offsets(%dma_start3A_1124 : memref<128xi32, #tpu.memory_space<vmem>>) semaphore(%run_scoped3A_1119 : memref<!tpu.dma_semaphore, #tpu.memory_space<semaphore_mem>>) {add = true}
                %dma_wait3A_1127 = arith.constant 0 : i32
                %dma_wait3A_1128 = tpu.memref_slice %arg6[%run_scoped3A_1117, %dma_wait3A_1127] : memref<1x128xf32, #tpu.memory_space<vmem>> -> memref<1x128xf32, #tpu.memory_space<vmem>>
                %dma_wait3A_1129 = tpu.memref_squeeze %dma_wait3A_1128 : memref<1x128xf32, #tpu.memory_space<vmem>> -> memref<128xf32, #tpu.memory_space<vmem>>
                %dma_wait3A_1130 = arith.constant 0 : i32
                %dma_wait3A_1131 = tpu.memref_slice %arg5[%run_scoped3A_1118, %dma_wait3A_1130] : memref<1x128xi32, #tpu.memory_space<vmem>> -> memref<1x128xi32, #tpu.memory_space<vmem>>
                %dma_wait3A_1132 = tpu.memref_squeeze %dma_wait3A_1131 : memref<1x128xi32, #tpu.memory_space<vmem>> -> memref<128xi32, #tpu.memory_space<vmem>>
                %dma_wait3A_1133 = arith.constant 0 : i32
                %dma_wait3A_1134 = tpu.memref_slice %arg8[%dma_wait3A_1133] : memref<10240xf32, #tpu.memory_space<vmem_shared>> -> memref<10240xf32, #tpu.memory_space<vmem_shared>>
                tpu.wait_indirect_dma semaphore(%run_scoped3A_1119 : memref<!tpu.dma_semaphore, #tpu.memory_space<semaphore_mem>>) src(%dma_wait3A_1129 : memref<128xf32, #tpu.memory_space<vmem>>) dst(%dma_wait3A_1134 : memref<10240xf32, #tpu.memory_space<vmem_shared>>)
                tpu.yield
              }) : () -> ()
            } else {
            }
          }
          %scan3A_693 = arith.constant 4 : i32
        } else {
        }
      }
      %scan3A_280 = arith.constant 5 : i32
    } else {
    }
    %barrier3A_259 = arith.constant 0 : index
    tpu.barrier barrier_id(%barrier3A_259)
    %mul3A_260 = arith.constant 640 : i32
    %mul3A_261 = arith.muli %arg1, %mul3A_260 : i32
    %mul3A_262 = arith.constant 10240 : i32
    %mul3A_263 = arith.muli %arg0, %mul3A_262 : i32
    %mul3A_264 = arith.constant 640 : i32
    %mul3A_265 = arith.muli %arg1, %mul3A_264 : i32
    %add3A_266 = arith.addi %mul3A_263, %mul3A_265 : i32
    %run_scoped3A = arith.constant 0 : i32
    "tpu.region"() ({
      %run_scoped3A_267 = tpu.sem_alloc : memref<!tpu.dma_semaphore, #tpu.memory_space<semaphore_mem>>
      %dma_start3A = tpu.memref_slice %arg3[%run_scoped3A, %add3A_266] : memref<1x20480xf32, #tpu.memory_space<hbm>> -> memref<1x640xf32, #tpu.memory_space<hbm>>
      %dma_start3A_268 = tpu.memref_squeeze %dma_start3A : memref<1x640xf32, #tpu.memory_space<hbm>> -> memref<640xf32, #tpu.memory_space<hbm>>
      %dma_start3A_269 = tpu.memref_slice %arg8[%mul3A_261] : memref<10240xf32, #tpu.memory_space<vmem_shared>> -> memref<640xf32, #tpu.memory_space<vmem_shared>>
      tpu.enqueue_dma source(%dma_start3A_269 : memref<640xf32, #tpu.memory_space<vmem_shared>>) target(%dma_start3A_268 : memref<640xf32, #tpu.memory_space<hbm>>) target_semaphore(%run_scoped3A_267 : memref<!tpu.dma_semaphore, #tpu.memory_space<semaphore_mem>>)
      %dma_wait3A = tpu.memref_slice %arg3[%run_scoped3A, %add3A_266] : memref<1x20480xf32, #tpu.memory_space<hbm>> -> memref<1x640xf32, #tpu.memory_space<hbm>>
      %dma_wait3A_270 = tpu.memref_squeeze %dma_wait3A : memref<1x640xf32, #tpu.memory_space<hbm>> -> memref<640xf32, #tpu.memory_space<hbm>>
      %dma_wait3A_271 = tpu.memref_slice %arg8[%mul3A_261] : memref<10240xf32, #tpu.memory_space<vmem_shared>> -> memref<640xf32, #tpu.memory_space<vmem_shared>>
      tpu.wait_dma2 semaphore(%run_scoped3A_267 : memref<!tpu.dma_semaphore, #tpu.memory_space<semaphore_mem>>) src(%dma_wait3A_271 : memref<640xf32, #tpu.memory_space<vmem_shared>>) dst(%dma_wait3A_270 : memref<640xf32, #tpu.memory_space<hbm>>)
      tpu.yield
    }) : () -> ()
    return
  }
}

module attributes {stable_mosaic.version = 14 : i64} {
  func.func @body(%arg0: i32, %arg1: memref<1x20480xf32, #tpu.memory_space<vmem>>, %arg2: memref<10000x128xf32, #tpu.memory_space<vmem>>, %arg3: memref<10000x128xf32, #tpu.memory_space<vmem>>, %arg4: memref<128x128xf32, #tpu.memory_space<vmem>>, %arg5: memref<1x128xf32, #tpu.memory_space<vmem>>, %arg6: memref<8x128xf32, #tpu.memory_space<vmem>>, %arg7: memref<1x128xf32, #tpu.memory_space<vmem>>, %arg8: memref<384x128xf32, #tpu.memory_space<vmem>>, %arg9: memref<384x128xf32, #tpu.memory_space<vmem>>, %arg10: memref<1x384xf32, #tpu.memory_space<vmem>>, %arg11: memref<256x128xf32, #tpu.memory_space<vmem>>, %arg12: memref<1x256xf32, #tpu.memory_space<vmem>>, %arg13: memref<128x128xf32, #tpu.memory_space<vmem>>, %arg14: memref<1x128xf32, #tpu.memory_space<vmem>>, %arg15: memref<256x128xf32, #tpu.memory_space<vmem>>, %arg16: memref<1x256xf32, #tpu.memory_space<vmem>>, %arg17: memref<256x256xf32, #tpu.memory_space<vmem>>, %arg18: memref<1x256xf32, #tpu.memory_space<vmem>>, %arg19: memref<128x256xf32, #tpu.memory_space<vmem>>, %arg20: memref<1x128xf32, #tpu.memory_space<vmem>>, %arg21: memref<128x256xf32, #tpu.memory_space<vmem>>, %arg22: memref<1x128xf32, #tpu.memory_space<vmem>>, %arg23: memref<1x128xf32, #tpu.memory_space<vmem>>, %arg24: memref<1x128xf32, #tpu.memory_space<vmem>>, %arg25: memref<1x128xf32, #tpu.memory_space<vmem>>, %arg26: memref<1x128xf32, #tpu.memory_space<vmem>>) attributes {dimension_semantics = [#tpu.dimension_semantics<arbitrary>], iteration_bounds = array<i64: 1>, scalar_prefetch = 0 : i64, scratch_operands = 0 : i64, tpu.core_type = #tpu.core_type<tc>, window_params = [{pipeline_mode = #tpu.pipeline_mode<synchronous>, transform_indices = @transform_0, window_bounds = array<i64: 1, 20480>}, {pipeline_mode = #tpu.pipeline_mode<synchronous>, transform_indices = @transform_1, window_bounds = array<i64: 10000, 128>}, {pipeline_mode = #tpu.pipeline_mode<synchronous>, transform_indices = @transform_2, window_bounds = array<i64: 10000, 128>}, {pipeline_mode = #tpu.pipeline_mode<synchronous>, transform_indices = @transform_3, window_bounds = array<i64: 128, 128>}, {pipeline_mode = #tpu.pipeline_mode<synchronous>, transform_indices = @transform_4, window_bounds = array<i64: 1, 128>}, {transform_indices = @transform_5, window_bounds = array<i64: 8, 128>}, {pipeline_mode = #tpu.pipeline_mode<synchronous>, transform_indices = @transform_6, window_bounds = array<i64: 1, 128>}, {pipeline_mode = #tpu.pipeline_mode<synchronous>, transform_indices = @transform_7, window_bounds = array<i64: 384, 128>}, {pipeline_mode = #tpu.pipeline_mode<synchronous>, transform_indices = @transform_8, window_bounds = array<i64: 384, 128>}, {pipeline_mode = #tpu.pipeline_mode<synchronous>, transform_indices = @transform_9, window_bounds = array<i64: 1, 384>}, {pipeline_mode = #tpu.pipeline_mode<synchronous>, transform_indices = @transform_10, window_bounds = array<i64: 256, 128>}, {pipeline_mode = #tpu.pipeline_mode<synchronous>, transform_indices = @transform_11, window_bounds = array<i64: 1, 256>}, {pipeline_mode = #tpu.pipeline_mode<synchronous>, transform_indices = @transform_12, window_bounds = array<i64: 128, 128>}, {pipeline_mode = #tpu.pipeline_mode<synchronous>, transform_indices = @transform_13, window_bounds = array<i64: 1, 128>}, {pipeline_mode = #tpu.pipeline_mode<synchronous>, transform_indices = @transform_14, window_bounds = array<i64: 256, 128>}, {pipeline_mode = #tpu.pipeline_mode<synchronous>, transform_indices = @transform_15, window_bounds = array<i64: 1, 256>}, {pipeline_mode = #tpu.pipeline_mode<synchronous>, transform_indices = @transform_16, window_bounds = array<i64: 256, 256>}, {pipeline_mode = #tpu.pipeline_mode<synchronous>, transform_indices = @transform_17, window_bounds = array<i64: 1, 256>}, {pipeline_mode = #tpu.pipeline_mode<synchronous>, transform_indices = @transform_18, window_bounds = array<i64: 128, 256>}, {pipeline_mode = #tpu.pipeline_mode<synchronous>, transform_indices = @transform_19, window_bounds = array<i64: 1, 128>}, {pipeline_mode = #tpu.pipeline_mode<synchronous>, transform_indices = @transform_20, window_bounds = array<i64: 128, 256>}, {pipeline_mode = #tpu.pipeline_mode<synchronous>, transform_indices = @transform_21, window_bounds = array<i64: 1, 128>}, {pipeline_mode = #tpu.pipeline_mode<synchronous>, transform_indices = @transform_22, window_bounds = array<i64: 1, 128>}, {pipeline_mode = #tpu.pipeline_mode<synchronous>, transform_indices = @transform_23, window_bounds = array<i64: 1, 128>}, {pipeline_mode = #tpu.pipeline_mode<synchronous>, transform_indices = @transform_24, window_bounds = array<i64: 1, 128>}, {pipeline_mode = #tpu.pipeline_mode<synchronous>, transform_indices = @transform_25, window_bounds = array<i64: 1, 128>}]} {
    %get3A = arith.constant 0 : index
    %get3A_0 = arith.constant 0 : index
    %get3A_1 = vector.load %arg1[%get3A, %get3A_0] : memref<1x20480xf32, #tpu.memory_space<vmem>>, vector<1x20480xf32>
    %slice3A = vector.extract_strided_slice %get3A_1 {offsets = [0, 0], sizes = [1, 10000], strides = [1, 1]} : vector<1x20480xf32> to vector<1x10000xf32>
    %slice3A_2 = vector.extract_strided_slice %get3A_1 {offsets = [0, 10240], sizes = [1, 10000], strides = [1, 1]} : vector<1x20480xf32> to vector<1x10000xf32>
    %add3A = arith.addf %slice3A, %slice3A_2 : vector<1x10000xf32>
    %reduce_sum3A = vector.shape_cast %add3A : vector<1x10000xf32> to vector<1x1x10000xf32>
    %reduce_sum3A_3 = arith.constant dense<0.000000e+00> : vector<1xf32>
    %reduce_sum3A_4 = vector.multi_reduction <add>, %reduce_sum3A, %reduce_sum3A_3 [1, 2] : vector<1x1x10000xf32> to vector<1xf32>
    %reduce_sum3A_5 = vector.shape_cast %reduce_sum3A_4 : vector<1xf32> to vector<1x1x1xf32>
    %reduce_sum3A_6 = vector.extract %reduce_sum3A_5[0, 0, 0] : f32 from vector<1x1x1xf32>
    %get3A_7 = arith.constant 0 : index
    %get3A_8 = arith.constant 0 : index
    %get3A_9 = vector.load %arg2[%get3A_7, %get3A_8] : memref<10000x128xf32, #tpu.memory_space<vmem>>, vector<10000x128xf32>
    %dot_general3A = arith.constant dense<0.000000e+00> : vector<1x128xf32>
    %dot_general3A_10 = tpu.matmul %add3A, %get3A_9, %dot_general3A {dimension_numbers = #tpu.dot_dimension_numbers<[1], [0], [0], [1], [0, 0, 1, 1], [], []>, transpose_lhs_hint = false} : vector<1x10000xf32>, vector<10000x128xf32>, vector<1x128xf32> -> vector<1x128xf32>
    %get3A_11 = arith.constant 0 : index
    %get3A_12 = arith.constant 0 : index
    %get3A_13 = vector.load %arg2[%get3A_11, %get3A_12] : memref<10000x128xf32, #tpu.memory_space<vmem>>, vector<10000x128xf32>
    %get3A_14 = arith.constant 0 : index
    %get3A_15 = arith.constant 0 : index
    %get3A_16 = vector.load %arg4[%get3A_14, %get3A_15] : memref<128x128xf32, #tpu.memory_space<vmem>>, vector<128x128xf32>
    %dot_general3A_17 = arith.constant dense<0.000000e+00> : vector<10000x128xf32>
    %dot_general3A_18 = tpu.matmul %get3A_13, %get3A_16, %dot_general3A_17 {dimension_numbers = #tpu.dot_dimension_numbers<[1], [1], [0], [0], [0, 0, 1, 0], [], []>, transpose_lhs_hint = false} : vector<10000x128xf32>, vector<128x128xf32>, vector<10000x128xf32> -> vector<10000x128xf32>
    %get3A_19 = arith.constant 0 : index
    %get3A_20 = arith.constant 0 : index
    %get3A_21 = vector.load %arg5[%get3A_19, %get3A_20] : memref<1x128xf32, #tpu.memory_space<vmem>>, vector<1x128xf32>
    %add3A_22 = vector.broadcast %get3A_21 : vector<1x128xf32> to vector<10000x128xf32>
    %add3A_23 = arith.addf %dot_general3A_18, %add3A_22 : vector<10000x128xf32>
    %neg3A = arith.constant 0.000000e+00 : f32
    %neg3A_24 = vector.broadcast %neg3A : f32 to vector<10000x128xf32>
    %neg3A_25 = arith.subf %neg3A_24, %add3A_23 : vector<10000x128xf32>
    %exp3A = math.exp %neg3A_25 : vector<10000x128xf32>
    %add3A_26 = arith.constant 1.000000e+00 : f32
    %add3A_27 = vector.broadcast %add3A_26 : f32 to vector<10000x128xf32>
    %add3A_28 = arith.addf %add3A_27, %exp3A : vector<10000x128xf32>
    %div3A = arith.constant 1.000000e+00 : f32
    %div3A_29 = vector.broadcast %div3A : f32 to vector<10000x128xf32>
    %div3A_30 = arith.divf %div3A_29, %add3A_28 : vector<10000x128xf32>
    %get3A_31 = arith.constant 0 : index
    %get3A_32 = arith.constant 0 : index
    %get3A_33 = vector.load %arg3[%get3A_31, %get3A_32] : memref<10000x128xf32, #tpu.memory_space<vmem>>, vector<10000x128xf32>
    %mul3A = arith.mulf %div3A_30, %get3A_33 : vector<10000x128xf32>
    %dot_general3A_34 = arith.constant dense<0.000000e+00> : vector<1x128xf32>
    %dot_general3A_35 = tpu.matmul %add3A, %mul3A, %dot_general3A_34 {dimension_numbers = #tpu.dot_dimension_numbers<[1], [0], [0], [1], [0, 0, 1, 1], [], []>, transpose_lhs_hint = false} : vector<1x10000xf32>, vector<10000x128xf32>, vector<1x128xf32> -> vector<1x128xf32>
    %gt3A = arith.constant 0.000000e+00 : f32
    %gt3A_36 = arith.cmpf ogt, %reduce_sum3A_6, %gt3A : f32
    %get3A_37 = arith.constant 0 : index
    %get3A_38 = arith.constant 0 : index
    %get3A_39 = vector.load %arg9[%get3A_37, %get3A_38] : memref<384x128xf32, #tpu.memory_space<vmem>>, vector<384x128xf32>
    %dot_general3A_40 = arith.constant dense<0.000000e+00> : vector<1x384xf32>
    %dot_general3A_41 = tpu.matmul %dot_general3A_10, %get3A_39, %dot_general3A_40 {dimension_numbers = #tpu.dot_dimension_numbers<[1], [1], [0], [0], [0, 0, 1, 0], [], []>, transpose_lhs_hint = false} : vector<1x128xf32>, vector<384x128xf32>, vector<1x384xf32> -> vector<1x384xf32>
    %get3A_42 = arith.constant 0 : index
    %get3A_43 = arith.constant 0 : index
    %get3A_44 = vector.load %arg6[%get3A_42, %get3A_43] : memref<8x128xf32, #tpu.memory_space<vmem>>, vector<1x128xf32>
    %get3A_45 = arith.constant 0 : index
    %get3A_46 = arith.constant 0 : index
    %get3A_47 = vector.load %arg8[%get3A_45, %get3A_46] : memref<384x128xf32, #tpu.memory_space<vmem>>, vector<384x128xf32>
    %dot_general3A_48 = arith.constant dense<0.000000e+00> : vector<1x384xf32>
    %dot_general3A_49 = tpu.matmul %get3A_44, %get3A_47, %dot_general3A_48 {dimension_numbers = #tpu.dot_dimension_numbers<[1], [1], [0], [0], [0, 0, 1, 0], [], []>, transpose_lhs_hint = false} : vector<1x128xf32>, vector<384x128xf32>, vector<1x384xf32> -> vector<1x384xf32>
    %select_n3A = arith.select %gt3A_36, %dot_general3A_41, %dot_general3A_49 : vector<1x384xf32>
    %get3A_50 = arith.constant 0 : index
    %get3A_51 = arith.constant 0 : index
    %get3A_52 = vector.load %arg10[%get3A_50, %get3A_51] : memref<1x384xf32, #tpu.memory_space<vmem>>, vector<1x384xf32>
    %add3A_53 = arith.addf %select_n3A, %get3A_52 : vector<1x384xf32>
    %slice3A_54 = vector.extract_strided_slice %add3A_53 {offsets = [0, 0], sizes = [1, 128], strides = [1, 1]} : vector<1x384xf32> to vector<1x128xf32>
    %neg3A_55 = arith.constant 0.000000e+00 : f32
    %neg3A_56 = vector.broadcast %neg3A_55 : f32 to vector<1x128xf32>
    %neg3A_57 = arith.subf %neg3A_56, %slice3A_54 : vector<1x128xf32>
    %exp3A_58 = math.exp %neg3A_57 : vector<1x128xf32>
    %add3A_59 = arith.constant 1.000000e+00 : f32
    %add3A_60 = vector.broadcast %add3A_59 : f32 to vector<1x128xf32>
    %add3A_61 = arith.addf %add3A_60, %exp3A_58 : vector<1x128xf32>
    %div3A_62 = arith.constant 1.000000e+00 : f32
    %div3A_63 = vector.broadcast %div3A_62 : f32 to vector<1x128xf32>
    %div3A_64 = arith.divf %div3A_63, %add3A_61 : vector<1x128xf32>
    %slice3A_65 = vector.extract_strided_slice %add3A_53 {offsets = [0, 128], sizes = [1, 128], strides = [1, 1]} : vector<1x384xf32> to vector<1x128xf32>
    %neg3A_66 = arith.constant 0.000000e+00 : f32
    %neg3A_67 = vector.broadcast %neg3A_66 : f32 to vector<1x128xf32>
    %neg3A_68 = arith.subf %neg3A_67, %slice3A_65 : vector<1x128xf32>
    %exp3A_69 = math.exp %neg3A_68 : vector<1x128xf32>
    %add3A_70 = arith.constant 1.000000e+00 : f32
    %add3A_71 = vector.broadcast %add3A_70 : f32 to vector<1x128xf32>
    %add3A_72 = arith.addf %add3A_71, %exp3A_69 : vector<1x128xf32>
    %div3A_73 = arith.constant 1.000000e+00 : f32
    %div3A_74 = vector.broadcast %div3A_73 : f32 to vector<1x128xf32>
    %div3A_75 = arith.divf %div3A_74, %add3A_72 : vector<1x128xf32>
    %slice3A_76 = vector.extract_strided_slice %add3A_53 {offsets = [0, 256], sizes = [1, 128], strides = [1, 1]} : vector<1x384xf32> to vector<1x128xf32>
    %tanh3A = math.tanh %slice3A_76 : vector<1x128xf32>
    %get3A_77 = arith.constant 0 : index
    %get3A_78 = arith.constant 0 : index
    %get3A_79 = vector.load %arg3[%get3A_77, %get3A_78] : memref<10000x128xf32, #tpu.memory_space<vmem>>, vector<1x128xf32>
    %select_n3A_80 = arith.select %gt3A_36, %dot_general3A_35, %get3A_79 : vector<1x128xf32>
    %mul3A_81 = arith.mulf %div3A_64, %tanh3A : vector<1x128xf32>
    %add3A_82 = arith.addf %mul3A_81, %select_n3A_80 : vector<1x128xf32>
    %tanh3A_83 = math.tanh %add3A_82 : vector<1x128xf32>
    %mul3A_84 = arith.mulf %div3A_75, %tanh3A_83 : vector<1x128xf32>
    %get3A_85 = arith.constant 0 : index
    %get3A_86 = arith.constant 0 : index
    %get3A_87 = vector.load %arg11[%get3A_85, %get3A_86] : memref<256x128xf32, #tpu.memory_space<vmem>>, vector<256x128xf32>
    %dot_general3A_88 = arith.constant dense<0.000000e+00> : vector<1x256xf32>
    %dot_general3A_89 = tpu.matmul %mul3A_84, %get3A_87, %dot_general3A_88 {dimension_numbers = #tpu.dot_dimension_numbers<[1], [1], [0], [0], [0, 0, 1, 0], [], []>, transpose_lhs_hint = false} : vector<1x128xf32>, vector<256x128xf32>, vector<1x256xf32> -> vector<1x256xf32>
    %get3A_90 = arith.constant 0 : index
    %get3A_91 = arith.constant 0 : index
    %get3A_92 = vector.load %arg12[%get3A_90, %get3A_91] : memref<1x256xf32, #tpu.memory_space<vmem>>, vector<1x256xf32>
    %add3A_93 = arith.addf %dot_general3A_89, %get3A_92 : vector<1x256xf32>
    %tanh3A_94 = math.tanh %add3A_93 : vector<1x256xf32>
    %get3A_95 = arith.constant 0 : index
    %get3A_96 = arith.constant 0 : index
    %get3A_97 = vector.load %arg7[%get3A_95, %get3A_96] : memref<1x128xf32, #tpu.memory_space<vmem>>, vector<1x128xf32>
    %get3A_98 = arith.constant 0 : index
    %get3A_99 = arith.constant 0 : index
    %get3A_100 = vector.load %arg13[%get3A_98, %get3A_99] : memref<128x128xf32, #tpu.memory_space<vmem>>, vector<128x128xf32>
    %dot_general3A_101 = arith.constant dense<0.000000e+00> : vector<1x128xf32>
    %dot_general3A_102 = tpu.matmul %get3A_97, %get3A_100, %dot_general3A_101 {dimension_numbers = #tpu.dot_dimension_numbers<[1], [1], [0], [0], [0, 0, 1, 0], [], []>, transpose_lhs_hint = false} : vector<1x128xf32>, vector<128x128xf32>, vector<1x128xf32> -> vector<1x128xf32>
    %get3A_103 = arith.constant 0 : index
    %get3A_104 = arith.constant 0 : index
    %get3A_105 = vector.load %arg14[%get3A_103, %get3A_104] : memref<1x128xf32, #tpu.memory_space<vmem>>, vector<1x128xf32>
    %add3A_106 = arith.addf %dot_general3A_102, %get3A_105 : vector<1x128xf32>
    %get3A_107 = arith.constant 0 : index
    %get3A_108 = arith.constant 0 : index
    %get3A_109 = vector.load %arg15[%get3A_107, %get3A_108] : memref<256x128xf32, #tpu.memory_space<vmem>>, vector<256x128xf32>
    %dot_general3A_110 = arith.constant dense<0.000000e+00> : vector<1x256xf32>
    %dot_general3A_111 = tpu.matmul %add3A_106, %get3A_109, %dot_general3A_110 {dimension_numbers = #tpu.dot_dimension_numbers<[1], [1], [0], [0], [0, 0, 1, 0], [], []>, transpose_lhs_hint = false} : vector<1x128xf32>, vector<256x128xf32>, vector<1x256xf32> -> vector<1x256xf32>
    %get3A_112 = arith.constant 0 : index
    %get3A_113 = arith.constant 0 : index
    %get3A_114 = vector.load %arg16[%get3A_112, %get3A_113] : memref<1x256xf32, #tpu.memory_space<vmem>>, vector<1x256xf32>
    %add3A_115 = arith.addf %dot_general3A_111, %get3A_114 : vector<1x256xf32>
    %add3A_116 = arith.addf %tanh3A_94, %add3A_115 : vector<1x256xf32>
    %get3A_117 = arith.constant 0 : index
    %get3A_118 = arith.constant 0 : index
    %get3A_119 = vector.load %arg17[%get3A_117, %get3A_118] : memref<256x256xf32, #tpu.memory_space<vmem>>, vector<256x256xf32>
    %dot_general3A_120 = arith.constant dense<0.000000e+00> : vector<1x256xf32>
    %dot_general3A_121 = tpu.matmul %add3A_116, %get3A_119, %dot_general3A_120 {dimension_numbers = #tpu.dot_dimension_numbers<[1], [1], [0], [0], [0, 0, 1, 0], [], []>, transpose_lhs_hint = false} : vector<1x256xf32>, vector<256x256xf32>, vector<1x256xf32> -> vector<1x256xf32>
    %get3A_122 = arith.constant 0 : index
    %get3A_123 = arith.constant 0 : index
    %get3A_124 = vector.load %arg18[%get3A_122, %get3A_123] : memref<1x256xf32, #tpu.memory_space<vmem>>, vector<1x256xf32>
    %add3A_125 = arith.addf %dot_general3A_121, %get3A_124 : vector<1x256xf32>
    %get3A_126 = arith.constant 0 : index
    %get3A_127 = arith.constant 0 : index
    %get3A_128 = vector.load %arg19[%get3A_126, %get3A_127] : memref<128x256xf32, #tpu.memory_space<vmem>>, vector<128x256xf32>
    %dot_general3A_129 = arith.constant dense<0.000000e+00> : vector<1x128xf32>
    %dot_general3A_130 = tpu.matmul %add3A_125, %get3A_128, %dot_general3A_129 {dimension_numbers = #tpu.dot_dimension_numbers<[1], [1], [0], [0], [0, 0, 1, 0], [], []>, transpose_lhs_hint = false} : vector<1x256xf32>, vector<128x256xf32>, vector<1x128xf32> -> vector<1x128xf32>
    %get3A_131 = arith.constant 0 : index
    %get3A_132 = arith.constant 0 : index
    %get3A_133 = vector.load %arg20[%get3A_131, %get3A_132] : memref<1x128xf32, #tpu.memory_space<vmem>>, vector<1x128xf32>
    %add3A_134 = arith.addf %dot_general3A_130, %get3A_133 : vector<1x128xf32>
    %get3A_135 = arith.constant 0 : index
    %get3A_136 = arith.constant 0 : index
    %get3A_137 = vector.load %arg21[%get3A_135, %get3A_136] : memref<128x256xf32, #tpu.memory_space<vmem>>, vector<128x256xf32>
    %dot_general3A_138 = arith.constant dense<0.000000e+00> : vector<1x128xf32>
    %dot_general3A_139 = tpu.matmul %add3A_125, %get3A_137, %dot_general3A_138 {dimension_numbers = #tpu.dot_dimension_numbers<[1], [1], [0], [0], [0, 0, 1, 0], [], []>, transpose_lhs_hint = false} : vector<1x256xf32>, vector<128x256xf32>, vector<1x128xf32> -> vector<1x128xf32>
    %get3A_140 = arith.constant 0 : index
    %get3A_141 = arith.constant 0 : index
    %get3A_142 = vector.load %arg22[%get3A_140, %get3A_141] : memref<1x128xf32, #tpu.memory_space<vmem>>, vector<1x128xf32>
    %add3A_143 = arith.addf %dot_general3A_139, %get3A_142 : vector<1x128xf32>
    %mul3A_144 = arith.constant 5.000000e-01 : f32
    %mul3A_145 = vector.broadcast %mul3A_144 : f32 to vector<1x128xf32>
    %mul3A_146 = arith.mulf %mul3A_145, %add3A_143 : vector<1x128xf32>
    %exp3A_147 = math.exp %mul3A_146 : vector<1x128xf32>
    %get3A_148 = arith.constant 0 : index
    %get3A_149 = arith.constant 0 : index
    %get3A_150 = vector.load %arg23[%get3A_148, %get3A_149] : memref<1x128xf32, #tpu.memory_space<vmem>>, vector<1x128xf32>
    %mul3A_151 = arith.mulf %exp3A_147, %get3A_150 : vector<1x128xf32>
    %add3A_152 = arith.addf %add3A_134, %mul3A_151 : vector<1x128xf32>
    %swap3A = arith.constant 0 : index
    %swap3A_153 = arith.constant 0 : index
    %swap3A_154 = vector.load %arg24[%swap3A, %swap3A_153] : memref<1x128xf32, #tpu.memory_space<vmem>>, vector<1x128xf32>
    tpu.vector_store %arg24[%swap3A, %swap3A_153], %add3A_152 {strides = array<i32>} : memref<1x128xf32, #tpu.memory_space<vmem>>, vector<1x128xf32>,
    %swap3A_155 = arith.constant 0 : index
    %swap3A_156 = arith.constant 0 : index
    %swap3A_157 = vector.load %arg25[%swap3A_155, %swap3A_156] : memref<1x128xf32, #tpu.memory_space<vmem>>, vector<1x128xf32>
    tpu.vector_store %arg25[%swap3A_155, %swap3A_156], %add3A_134 {strides = array<i32>} : memref<1x128xf32, #tpu.memory_space<vmem>>, vector<1x128xf32>,
    %swap3A_158 = arith.constant 0 : index
    %swap3A_159 = arith.constant 0 : index
    %swap3A_160 = vector.load %arg26[%swap3A_158, %swap3A_159] : memref<1x128xf32, #tpu.memory_space<vmem>>, vector<1x128xf32>
    tpu.vector_store %arg26[%swap3A_158, %swap3A_159], %add3A_143 {strides = array<i32>} : memref<1x128xf32, #tpu.memory_space<vmem>>, vector<1x128xf32>,
    return
  }
  func.func @transform_0(%arg0: i32) -> (i32, i32) {
    %c0_i32 = arith.constant 0 : i32
    %c0_i32_0 = arith.constant 0 : i32
    %c0_i32_1 = arith.constant 0 : i32
    return %c0_i32, %c0_i32_0 : i32, i32
  }
  func.func @transform_1(%arg0: i32) -> (i32, i32) {
    %c0_i32 = arith.constant 0 : i32
    %c0_i32_0 = arith.constant 0 : i32
    %c0_i32_1 = arith.constant 0 : i32
    return %c0_i32, %c0_i32_0 : i32, i32
  }
  func.func @transform_2(%arg0: i32) -> (i32, i32) {
    %c0_i32 = arith.constant 0 : i32
    %c0_i32_0 = arith.constant 0 : i32
    %c0_i32_1 = arith.constant 0 : i32
    return %c0_i32, %c0_i32_0 : i32, i32
  }
  func.func @transform_3(%arg0: i32) -> (i32, i32) {
    %c0_i32 = arith.constant 0 : i32
    %c0_i32_0 = arith.constant 0 : i32
    %c0_i32_1 = arith.constant 0 : i32
    return %c0_i32, %c0_i32_0 : i32, i32
  }
  func.func @transform_4(%arg0: i32) -> (i32, i32) {
    %c0_i32 = arith.constant 0 : i32
    %c0_i32_0 = arith.constant 0 : i32
    %c0_i32_1 = arith.constant 0 : i32
    return %c0_i32, %c0_i32_0 : i32, i32
  }
  func.func @transform_5(%arg0: i32) -> (i32, i32) {
    %c0_i32 = arith.constant 0 : i32
    %c0_i32_0 = arith.constant 0 : i32
    %c0_i32_1 = arith.constant 0 : i32
    return %c0_i32, %c0_i32_0 : i32, i32
  }
  func.func @transform_6(%arg0: i32) -> (i32, i32) {
    %c0_i32 = arith.constant 0 : i32
    %c0_i32_0 = arith.constant 0 : i32
    %c0_i32_1 = arith.constant 0 : i32
    return %c0_i32, %c0_i32_0 : i32, i32
  }
  func.func @transform_7(%arg0: i32) -> (i32, i32) {
    %c0_i32 = arith.constant 0 : i32
    %c0_i32_0 = arith.constant 0 : i32
    %c0_i32_1 = arith.constant 0 : i32
    return %c0_i32, %c0_i32_0 : i32, i32
  }
  func.func @transform_8(%arg0: i32) -> (i32, i32) {
    %c0_i32 = arith.constant 0 : i32
    %c0_i32_0 = arith.constant 0 : i32
    %c0_i32_1 = arith.constant 0 : i32
    return %c0_i32, %c0_i32_0 : i32, i32
  }
  func.func @transform_9(%arg0: i32) -> (i32, i32) {
    %c0_i32 = arith.constant 0 : i32
    %c0_i32_0 = arith.constant 0 : i32
    %c0_i32_1 = arith.constant 0 : i32
    return %c0_i32, %c0_i32_0 : i32, i32
  }
  func.func @transform_10(%arg0: i32) -> (i32, i32) {
    %c0_i32 = arith.constant 0 : i32
    %c0_i32_0 = arith.constant 0 : i32
    %c0_i32_1 = arith.constant 0 : i32
    return %c0_i32, %c0_i32_0 : i32, i32
  }
  func.func @transform_11(%arg0: i32) -> (i32, i32) {
    %c0_i32 = arith.constant 0 : i32
    %c0_i32_0 = arith.constant 0 : i32
    %c0_i32_1 = arith.constant 0 : i32
    return %c0_i32, %c0_i32_0 : i32, i32
  }
  func.func @transform_12(%arg0: i32) -> (i32, i32) {
    %c0_i32 = arith.constant 0 : i32
    %c0_i32_0 = arith.constant 0 : i32
    %c0_i32_1 = arith.constant 0 : i32
    return %c0_i32, %c0_i32_0 : i32, i32
  }
  func.func @transform_13(%arg0: i32) -> (i32, i32) {
    %c0_i32 = arith.constant 0 : i32
    %c0_i32_0 = arith.constant 0 : i32
    %c0_i32_1 = arith.constant 0 : i32
    return %c0_i32, %c0_i32_0 : i32, i32
  }
  func.func @transform_14(%arg0: i32) -> (i32, i32) {
    %c0_i32 = arith.constant 0 : i32
    %c0_i32_0 = arith.constant 0 : i32
    %c0_i32_1 = arith.constant 0 : i32
    return %c0_i32, %c0_i32_0 : i32, i32
  }
  func.func @transform_15(%arg0: i32) -> (i32, i32) {
    %c0_i32 = arith.constant 0 : i32
    %c0_i32_0 = arith.constant 0 : i32
    %c0_i32_1 = arith.constant 0 : i32
    return %c0_i32, %c0_i32_0 : i32, i32
  }
  func.func @transform_16(%arg0: i32) -> (i32, i32) {
    %c0_i32 = arith.constant 0 : i32
    %c0_i32_0 = arith.constant 0 : i32
    %c0_i32_1 = arith.constant 0 : i32
    return %c0_i32, %c0_i32_0 : i32, i32
  }
  func.func @transform_17(%arg0: i32) -> (i32, i32) {
    %c0_i32 = arith.constant 0 : i32
    %c0_i32_0 = arith.constant 0 : i32
    %c0_i32_1 = arith.constant 0 : i32
    return %c0_i32, %c0_i32_0 : i32, i32
  }
  func.func @transform_18(%arg0: i32) -> (i32, i32) {
    %c0_i32 = arith.constant 0 : i32
    %c0_i32_0 = arith.constant 0 : i32
    %c0_i32_1 = arith.constant 0 : i32
    return %c0_i32, %c0_i32_0 : i32, i32
  }
  func.func @transform_19(%arg0: i32) -> (i32, i32) {
    %c0_i32 = arith.constant 0 : i32
    %c0_i32_0 = arith.constant 0 : i32
    %c0_i32_1 = arith.constant 0 : i32
    return %c0_i32, %c0_i32_0 : i32, i32
  }
  func.func @transform_20(%arg0: i32) -> (i32, i32) {
    %c0_i32 = arith.constant 0 : i32
    %c0_i32_0 = arith.constant 0 : i32
    %c0_i32_1 = arith.constant 0 : i32
    return %c0_i32, %c0_i32_0 : i32, i32
  }
  func.func @transform_21(%arg0: i32) -> (i32, i32) {
    %c0_i32 = arith.constant 0 : i32
    %c0_i32_0 = arith.constant 0 : i32
    %c0_i32_1 = arith.constant 0 : i32
    return %c0_i32, %c0_i32_0 : i32, i32
  }
  func.func @transform_22(%arg0: i32) -> (i32, i32) {
    %c0_i32 = arith.constant 0 : i32
    %c0_i32_0 = arith.constant 0 : i32
    %c0_i32_1 = arith.constant 0 : i32
    return %c0_i32, %c0_i32_0 : i32, i32
  }
  func.func @transform_23(%arg0: i32) -> (i32, i32) {
    %c0_i32 = arith.constant 0 : i32
    %c0_i32_0 = arith.constant 0 : i32
    %c0_i32_1 = arith.constant 0 : i32
    return %c0_i32, %c0_i32_0 : i32, i32
  }
  func.func @transform_24(%arg0: i32) -> (i32, i32) {
    %c0_i32 = arith.constant 0 : i32
    %c0_i32_0 = arith.constant 0 : i32
    %c0_i32_1 = arith.constant 0 : i32
    return %c0_i32, %c0_i32_0 : i32, i32
  }
  func.func @transform_25(%arg0: i32) -> (i32, i32) {
    %c0_i32 = arith.constant 0 : i32
    %c0_i32_0 = arith.constant 0 : i32
    %c0_i32_1 = arith.constant 0 : i32
    return %c0_i32, %c0_i32_0 : i32, i32
  }
}

</mosaic_0001>

<sc_bundles>
// kernel: kernel.4.cloned.1.call-start
scs
__scs_entry_jumppad:
0x0: {  	(pc) =	sbr.rel $0x88, $3  }
0x1: {  	(tag) =	ssettag $0x0;
	lr =	simm.s32 $0x1  }
0x2: {  	[smem:$0x3F8B] =	sst lr;
	_ =	strace $0xD0000000  }
0x3: {  	_ = 	snop  }
0x4: {  	_ = 	snop  }
0x5: {  	_ = 	snop  }
0x6: {  	_ = 	snop  }
0x7: {  	_ = 	snop  }
__scs_overlays_trampoline_lowered:
0x8: {  	[smem:$0x3F9A] =	sst s0  }
0x9: {  	[smem:$0x3F9B] =	sst s1  }
0xa: {  	[smem:$0x3F9C] =	sst s2  }
0xb: {  	[smem:$0x3F9D] =	sst s3  }
0xc: {  	[smem:$0x3F9E] =	sst s4  }
0xd: {  	[smem:$0x3F9F] =	sst s5  }
0xe: {  	[smem:$0x3FA0] =	sst s6  }
0xf: {  	[smem:$0x3FA1] =	sst s7  }
0x10: {  	[smem:$0x3FA2] =	sst s8  }
0x11: {  	[smem:$0x3FA3] =	sst s9;
	s0 =	simm.s32 @!p0 $0x0  }
0x12: {  	s1 =	sld [smem:$0x3F89];
	s0 =	simm.s32 @p0 $0x1  }
0x13: {  	[smem:$0x3FA4] =	sst s0;
	s0 =	simm.s32 @!p1 $0x0  }
0x14: {  	s2 =	sld [smem:$0x3F88];
	s0 =	simm.s32 @p1 $0x1  }
0x15: {  	[smem:$0x3FA5] =	sst s0;
	s0 =	simm.s32 @!p2 $0x0  }
0x16: {  	s3 =	sld [smem:$0x3FDB];
	s0 =	simm.s32 @p2 $0x1  }
0x17: {  	s4 =	simm.s32 $0x1BF5;
	[smem:$0x3FA7] =	sst s0  }
0x18: {  	s0 =	sld [smem:$0x3F8A];
	_ =	swait.ge [sflag:s4], $0x0  }
0x19: {  	s7 =	sld [smem:$0x3F8B]  }
0x1a: {  	s8 =	sadd.s32 $0xFFFFE003, lr  }
0x1b: {  	s9 =	sadd.s32 $0xFFFFFEF7, lr;
	s5 =	simm.s32 $0xFFFFFFFF;
	p2 =	slt.u32 s8, $0xFFFFF086  }
0x1c: {  	p1 =	slt.u32 s9, $0xF7A;
	s5 =	simm.s32 @!p2 $0x0  }
0x1d: {  	s5 =	simm.s32 @p1 $0x1;
	p0 =	seq.s32 s7, s2  }
0x1e: {  	s7 =	smul.u32 @!p0 $0xF7A, s2;
	p2 =	seq.s32 @!p0 s5, $0x0  }
0x1f: {  	s9 =	smul.u32 $0xF7A, s1;
	s8 =	simm.s32 @!p0 $0x1BF5;
	p2 =	por !p2, p0  }
0x20: {  	[sflag:s8] =	ssyncset.s32 @!p0 $0xFFFFF086;
	s6 =	sadd.s32 @!p0 s3, s7;
	s7 =	simm.s32 @!p0 $0x108  }
0x21: {  	s3 =	sadd.s32 s3, s9;
	s6 =	sadd.s32 @!p0 $0x88, s6;
	s7 =	simm.s32 @p2 $0x1082  }
0x22: {  	[simem:s7], [sflag:s8] =	dma.local @!p0 [hbm:s6], $0xF7A  }
0x23: {  	s9 =	sor.u32 $0xD0000000, s2;
	s6 =	simm.s32 $0x108;
	_ =	swait.ge @!p0 [sflag:s8], $0x0  }
0x24: {  	s3 =	sadd.s32 $0x88, s3;
	s6 =	simm.s32 @!p1 $0x1082;
	[sflag:s4] =	ssyncset.s32 $0xFFFFF086  }
0x25: {  	[simem:s6], [sflag:s4] =	dma.local [hbm:s3], $0xF7A  }
0x26: {  	[smem:$0x3F8B] =	sst s1;
	(tag) =	ssettag s2;
	_ =	strace s9  }
0x27: {  	s1 =	sld [smem:$0x3F9B]  }
0x28: {  	s2 =	sld [smem:$0x3F9C]  }
0x29: {  	s4 =	sld [smem:$0x3F9E]  }
0x2a: {  	p0 =	seq.s32 s5, $0x0;
	s5 =	sld [smem:$0x3F9F]  }
0x2b: {  	s6 =	sld [smem:$0x3FA0]  }
0x2c: {  	s7 =	sld [smem:$0x3FA1]  }
0x2d: {  	s3 =	simm.s32 $0x108;
	s8 =	sld [smem:$0x3FA2]  }
0x2e: {  	s3 =	simm.s32 @!p0 $0x1082;
	s9 =	sld [smem:$0x3FA3]  }
0x2f: {  	lr =	sadd.s32 s0, s3;
	s0 =	sld [smem:$0x3F9A]  }
0x30: {  	s3 =	sld [smem:$0x3F9D]  }
0x31: {  	[smem:$0x3FA6] =	sst s10  }
0x32: {  	s10 =	sld [smem:$0x3FA4];
	_ =	sdelay $0x3  }
0x33: {  	p0 =	seq.s32 s10, $0x1;
	s10 =	sld [smem:$0x3FA6];
	_ =	sdelay $0x3  }
0x34: {  	[smem:$0x3FA6] =	sst s10  }
0x35: {  	s10 =	sld [smem:$0x3FA5];
	_ =	sdelay $0x3  }
0x36: {  	p1 =	seq.s32 s10, $0x1;
	s10 =	sld [smem:$0x3FA6];
	_ =	sdelay $0x3  }
0x37: {  	[smem:$0x3FA6] =	sst s10  }
0x38: {  	s10 =	sld [smem:$0x3FA7]  }
0x39: {  	_ = 	snop;
	(pc) =	sbr.ind lr, $3  }
0x3a: {  	_ = 	snop  }
0x3b: {  	_ = 	snop  }
0x3c: {  	p2 =	seq.s32 s10, $0x1;
	s10 =	sld [smem:$0x3FA6]  }
0x3d: {  	_ =	shalt  }
0x3e: {  	_ =	shalt  }
0x3f: {  	_ =	shalt  }
0x40: {  	_ =	shalt  }
0x41: {  	_ =	shalt  }
0x42: {  	_ =	shalt  }
0x43: {  	_ =	shalt  }
0x44: {  	_ =	shalt  }
0x45: {  	_ =	shalt  }
0x46: {  	_ =	shalt  }
0x47: {  	_ =	shalt  }
0x48: {  	_ =	shalt  }
0x49: {  	_ =	shalt  }
0x4a: {  	_ =	shalt  }
0x4b: {  	_ =	shalt  }
0x4c: {  	_ =	shalt  }
0x4d: {  	_ =	shalt  }
0x4e: {  	_ =	shalt  }
0x4f: {  	_ =	shalt  }
0x50: {  	_ =	shalt  }
0x51: {  	_ =	shalt  }
0x52: {  	_ =	shalt  }
0x53: {  	_ =	shalt  }
0x54: {  	_ =	shalt  }
0x55: {  	_ =	shalt  }
0x56: {  	_ =	shalt  }
0x57: {  	_ =	shalt  }
0x58: {  	_ =	shalt  }
0x59: {  	_ =	shalt  }
0x5a: {  	_ =	shalt  }
0x5b: {  	_ =	shalt  }
0x5c: {  	_ =	shalt  }
0x5d: {  	_ =	shalt  }
0x5e: {  	_ =	shalt  }
0x5f: {  	_ =	shalt  }
0x60: {  	_ =	shalt  }
0x61: {  	_ =	shalt  }
0x62: {  	_ =	shalt  }
0x63: {  	_ =	shalt  }
0x64: {  	_ =	shalt  }
0x65: {  	_ =	shalt  }
0x66: {  	_ =	shalt  }
0x67: {  	_ =	shalt  }
0x68: {  	_ =	shalt  }
0x69: {  	_ =	shalt  }
0x6a: {  	_ =	shalt  }
0x6b: {  	_ =	shalt  }
0x6c: {  	_ =	shalt  }
0x6d: {  	_ =	shalt  }
0x6e: {  	_ =	shalt  }
0x6f: {  	_ =	shalt  }
0x70: {  	_ =	shalt  }
0x71: {  	_ =	shalt  }
0x72: {  	_ =	shalt  }
0x73: {  	_ =	shalt  }
0x74: {  	_ =	shalt  }
0x75: {  	_ =	shalt  }
0x76: {  	_ =	shalt  }
0x77: {  	_ =	shalt  }
0x78: {  	_ =	shalt  }
0x79: {  	_ =	shalt  }
0x7a: {  	_ =	shalt  }
0x7b: {  	_ =	shalt  }
0x7c: {  	_ =	shalt  }
0x7d: {  	_ =	shalt  }
0x7e: {  	_ =	shalt  }
0x7f: {  	_ =	shalt  }
0x80: {  	_ =	shalt  }
0x81: {  	_ =	shalt  }
0x82: {  	_ =	shalt  }
0x83: {  	_ =	shalt  }
0x84: {  	_ =	shalt  }
0x85: {  	_ =	shalt  }
0x86: {  	_ =	shalt  }
0x87: {  	_ =	shalt  }
.Lfunc_end0:
.L_simem_size_0:
called_computation_lowered:
.L_overlay_start_0:
0x88: {  	s2 =	sld [smem:$0x3FD9]  }
0x89: {  	s3 =	sld [smem:$0x3FFE];
	_ =	sdelay $0x1  }
0x8a: {  	s1 =	srdreg.scid  }
0x8b: {  	s0 =	sand.u32 $0x1, s1  }
0x8c: {  	s17 =	sshll.u32 s0, $0xA;
	s2 =	sadd.s32 s3, s2  }
0x8d: {  	s2 =	sadd.s32 s2, s17  }
0x8e: {  	[smem:$0x3FB2] =	sst s2  }
0x8f: {  	_ = 	snop  }
0x90: {  	s2 =	sld [smem:$0x3FC5];
	(tm) =	ssettm $0x1  }
0x91: {  	s18 =	sld [smem:$0x3FFB];
	_ =	sdelay $0x3  }
0x92: {  	_ =	strace s18  }
0x93: {  	s3 =	sld [smem:$0x3FFC];
	_ =	sdelay $0x3  }
0x94: {  	_ =	strace s3  }
0x95: {  	s3 =	sld [smem:$0x3FFD];
	_ =	sdelay $0x3  }
0x96: {  	_ =	strace s3  }
0x97: {  	_ =	strace $0x8FFFFFFF  }
0x98: {  	s19 =	sld [smem:$0x3FDB];
	_ =	sdelay $0x1  }
0x99: {  	s4 =	simm.s32 $_scs_section_size  }
0x9a: {  	s5 =	simm.s32 $_size__tile_overlayer_lowered;
	s6 =	simm.s32 $_tile_overlayer_lowered  }
0x9b: {  	s22 =	simm.s32 $0x1BFF;
	s21 =	sshll.u32 s6, $0x1;
	s3 =	sadd.s32 s4, s19  }
0x9c: {  	s7 =	simm.s32 $0x0;
	s20 =	sshll.u32 s5, $0x1;
	s5 =	sadd.s32 s21, s3  }
0x9d: {  	[timem:s7], [sflag:s22] =	dma.local [hbm:s5], s20  }
0x9e: {  	_ =	swait.ge [sflag:s22], s20  }
0x9f: {  	s4 =	ssub.s32 $0x0, s20;
	[sflag:s22] =	ssyncset.done $0x0  }
0xa0: {  	[sflag:s22] =	ssyncadd.s32 s4;
	_ =	sdelay $0x1  }
0xa1: {  	s23 =	simm.s32 $0x1B8B  }
0xa2: {  	_ =	swait.ge [sflag:s23], $0x1  }
0xa3: {  	[sflag:s23] =	ssyncset.done $0x0  }
0xa4: {  	s25 =	simm.s32 $0x1B8E;
	s24 =	sld [smem:$0x3FFE];
	[sflag:s23] =	ssyncadd.s32 $0xFFFFFFFF  }
0xa5: {  	s26 =	simm.s32 $execute0_lowered;
	[smem:$0x3FD2] =	sst s25  }
0xa6: {  	s5 =	sshll.u32 s26, $0x1;
	_ =	strace $0x80000046;
	[dreg:$0x1] =	wrdreg $0xFFFFFFFF  }
0xa7: {  	s28 =	simm.s32 $_size_execute0_lowered;
	s3 =	sadd.s32 s3, s5;
	[dreg:$0x0] =	wrdreg $0x0  }
0xa8: {  	s5 =	sshll.u32 s28, $0x1;
	[dreg:$0x2] =	wrdreg s3  }
0xa9: {  	[dreg:$0x3] =	wrdreg s5  }
0xaa: {  	[dreg:$0x4] =	wrdreg $0xC0  }
0xab: {  	_ =	task [dreg:s7], $0x5FFFF  }
0xac: {  	[dreg:$0x1] =	wrdreg $0xFFFFFFFF  }
0xad: {  	[dreg:$0x0] =	wrdreg $0x60  }
0xae: {  	[dreg:$0x2] =	wrdreg s2  }
0xaf: {  	[dreg:$0x3] =	wrdreg s24  }
0xb0: {  	[dreg:$0x4] =	wrdreg $0x53800  }
0xb1: {  	[dreg:$0x5] =	wrdreg $0x9  }
0xb2: {  	_ =	task.clear_ibuf [dreg:s7], $0x6FFFF;
	_ =	strace $0x90000046  }
0xb3: {  	s29 =	simm.s32 $0x9;
	_ =	strace $0x80000048  }
0xb4: {  	_ =	swait.ge [sflag:s29], $0x1  }
0xb5: {  	[sflag:s29] =	ssyncadd.s32 $0xFFFFFFFF  }
0xb6: {  	_ =	strace $0x90000048  }
0xb7: {  	_ =	sfence  }
0xb8: {  	s30 =	sld [smem:$0x0];
	_ =	sdelay $0x2  }
0xb9: {  	s31 =	sshll.u32 s1, $0xD;
	s1 =	sshrl.u32 s1, $0x2  }
0xba: {  	s3 =	sand.u32 $0x4000, s31;
	s1 =	sadd.s32 s1, s30  }
0xbb: {  	s0 =	sor.u32 s3, s0;
	s1 =	sshll.u32 s1, $0x11  }
0xbc: {  	s0 =	sor.u32 s1, s0  }
0xbd: {  	s0 =	sadd.s32 $0x8F2B, s0  }
0xbe: {  	[sflag:s0] =	ssyncadd.remote.s32 $0x1  }
0xbf: {  	_ =	sfence.sel $0xFFFF  }
0xc0: {  	[dreg:$0x0] =	wrdreg $0xFFFFFFFF;
	(pc) =	sbr.abs _section_cstart, $3  }
0xc1: {  	[dreg:$0x1] =	wrdreg $0xFFFFFFFF  }
0xc2: {  	_ =	task.clear_ibuf [dreg:s7], $0x2FFFF;
	_ =	strace $0x9FFFFFFF  }
0xc3: {  	(tm) =	ssettm $0x7FFFFFFF  }
tec
execute0_lowered:
.L_overlay_start_1:
0x0: {  	(tag) =	ssettag $0x1  }
0x1: {  	s5 =	rddreg [dreg:$0x0]  }
0x2: {  	s4 =	rddreg [dreg:$0x1];
	s1 =	srdreg.scid  }
0x3: {  	s0 =	stileid.u32;
	s2 =	rddreg [dreg:$0x2]  }
0x4: {  	s3 =	simm.s32 $0x0;
	s6 =	sand.u32 $0x1, s1;
	s1 =	rddreg [dreg:$0x3]  }
0x5: {  	s7 =	smul.u32 $0x280, s0;
	[smem:$0x7FF] =	sst s3  }
0x6: {  	s9 =	sshll.u32 s0, $0x1;
	s31 =	sshll.u32 s0, $0x6;
	s8 =	smul.u32 $0x2800, s6  }
0x7: {  	s10 =	ssub.s32 $0x2, s6;
	s9 =	sor.u32 s6, s9;
	_ =	strace $0x80000047  }
0x8: {  	s30 =	sshrl.u32 s10, $0x1;
	s11 =	smul.u32 $0xA00, s9;
	s6 =	sadd.s32 s7, s2  }
.Ltmp0:
0x9: {  	p0 =	seq.s32 s9, $0x1F;
	s8 =	sadd.s32 s7, s8;
	(pc) =	sbr.rel .LBB2_1-.Ltmp0, $4  }
0xa: {  	s9 =	simm.s32 $0x5100;
	s13 =	sshrl.u32 s6, $0x3;
	s29 =	sshrl.u32 s8, $0x3  }
0xb: {  	s8 =	ssub.s32 s10, s30;
	s10 =	simm.s32 $0x2;
	s12 =	sadd.s32 s29, s4  }
0xc: {  	s4 =	sadd.s32 s5, s11;
	s5 =	sadd.s32 $0x13600, s5;
	s8 =	smax.u32 s8, $0x1  }
0xd: {  	v0 =	vimm.f32 $0.0e+00;
	v1 =	vimm.s32 $0x0;
	s11 =	simm.s32 $0x1;
	s7 =	sadd.s32 $0x3000, s12;
	s12 =	sor.u32 $0x1C02, s31  }
.LBB2_14:
0xe: {  	s3 =	sadd.s32 $0x1, s3  }
0xf: {  	p1 =	sne.s32 s3, s8  }
.Ltmp1:
0x10: {  	[bflag:$0x0] =	sbarrier.arrive $0xFFFF;
	(pc) =	sbr.rel @!p1 .LBB2_15-.Ltmp1, $4  }
0x11: {  	[hbm:s7], [sflag:s12] =	dma.local [spmem:s13], $0x50  }
0x12: {  	_ =	swait.ge [sflag:s10], $0x50  }
0x13: {  	[sflag:s10] =	ssyncset.done $0x0  }
0x14: {  	[sflag:s10] =	ssyncadd.s32 $0xFFFFFFB0  }
.LBB2_1:
0x15: {  	s14 =	simm.s32 @p0 $0x0  }
0x16: {  	[tilespmem:s14], [sflag:$0x1] =	stream.linear.gather @p0 [hbm4b:s5+s14], $0x1400, $0x38;
	[tilespmem:$0x5600] =	vst v63  }
0x17: {  	s14 =	simm.s32 @!p0 $0x0  }
0x18: {  	[tilespmem:s14], [sflag:$0x1] =	stream.linear.gather @!p0 [hbm4b:s4+s14], $0x5000, $0x38;
	[tilespmem:$0x5600] =	vst v63  }
0x19: {  	[tilespmem:$0x5100] =	vst v0  }
0x1a: {  	[tilespmem:$0x5110] =	vst v0  }
0x1b: {  	[tilespmem:$0x5120] =	vst v0  }
0x1c: {  	[tilespmem:$0x5130] =	vst v0  }
0x1d: {  	[tilespmem:$0x5140] =	vst v0  }
0x1e: {  	[tilespmem:$0x5150] =	vst v0  }
0x1f: {  	[tilespmem:$0x5160] =	vst v0  }
0x20: {  	[tilespmem:$0x5170] =	vst v0  }
0x21: {  	[tilespmem:$0x5180] =	vst v0  }
0x22: {  	[tilespmem:$0x5190] =	vst v0  }
0x23: {  	[tilespmem:$0x51A0] =	vst v0  }
0x24: {  	[tilespmem:$0x51B0] =	vst v0  }
0x25: {  	[tilespmem:$0x51C0] =	vst v0  }
0x26: {  	[tilespmem:$0x51D0] =	vst v0  }
0x27: {  	[tilespmem:$0x51E0] =	vst v0  }
0x28: {  	[tilespmem:$0x51F0] =	vst v0  }
0x29: {  	[tilespmem:$0x5200] =	vst v0  }
0x2a: {  	[tilespmem:$0x5210] =	vst v0  }
0x2b: {  	[tilespmem:$0x5220] =	vst v0  }
0x2c: {  	[tilespmem:$0x5230] =	vst v0  }
0x2d: {  	[tilespmem:$0x5240] =	vst v0  }
0x2e: {  	[tilespmem:$0x5250] =	vst v0  }
0x2f: {  	[tilespmem:$0x5260] =	vst v0  }
0x30: {  	[tilespmem:$0x5270] =	vst v0  }
0x31: {  	[tilespmem:$0x5280] =	vst v0  }
0x32: {  	[tilespmem:$0x5290] =	vst v0  }
0x33: {  	[tilespmem:$0x52A0] =	vst v0  }
0x34: {  	[tilespmem:$0x52B0] =	vst v0  }
0x35: {  	[tilespmem:$0x52C0] =	vst v0  }
0x36: {  	[tilespmem:$0x52D0] =	vst v0  }
0x37: {  	[tilespmem:$0x52E0] =	vst v0  }
0x38: {  	[tilespmem:$0x52F0] =	vst v0  }
0x39: {  	[tilespmem:$0x5300] =	vst v0  }
0x3a: {  	[tilespmem:$0x5310] =	vst v0  }
0x3b: {  	[tilespmem:$0x5320] =	vst v0  }
0x3c: {  	[tilespmem:$0x5330] =	vst v0  }
0x3d: {  	[tilespmem:$0x5340] =	vst v0  }
0x3e: {  	[tilespmem:$0x5350] =	vst v0  }
0x3f: {  	[tilespmem:$0x5360] =	vst v0  }
0x40: {  	[tilespmem:$0x5370] =	vst v0  }
0x41: {  	[spmem:s6] =	stream.linear.scatter [tilespmem:s9], [sflag:$0x2], $0x280, $0x38;
	[tilespmem:$0x5600] =	vst v63  }
.Ltmp2:
0x42: {  	_ =	swait.ge [sflag:s10], $0x280;
	(pc) =	sbr.rel @!p0 .LBB2_2-.Ltmp2, $3  }
0x43: {  	[sflag:s10] =	ssyncset.done $0x0  }
0x44: {  	[sflag:s10] =	ssyncadd.s32 $0xFFFFFD80  }
0x45: {  	[bflag:$0x0] =	sbarrier.arrive $0xFFFF;
	_ =	sdelay $0x1  }
.Ltmp3:
0x46: {  	(pc) =	sbr.rel .LBB2_9-.Ltmp3, $4  }
0x47: {  	_ = 	snop  }
0x48: {  	_ =	swait.ge [sflag:s11], $0x1400  }
0x49: {  	[sflag:s11] =	ssyncset.done $0x0  }
0x4a: {  	s14 =	simm.s32 $0x0;
	s15 =	simm.s32 $0x0;
	[sflag:s11] =	ssyncadd.s32 $0xFFFFEC00  }
.LBB2_13:
0x4b: {  	s15 =	sadd.s32 $0x1, s15  }
0x4c: {  	p1 =	sne.s32 s15, $0x5  }
.Ltmp4:
0x4d: {  	_ = 	snop;
	(pc) =	sbr.rel @!p1 .LBB2_14-.Ltmp4, $2  }
0x4e: {  	_ =	sdelay $0x2  }
0x4f: {  	s14 =	sadd.s32 $0x400, s14  }
.LBB2_9:
0x50: {  	s16 =	sshll.u32 s15, $0xA  }
0x51: {  	s16 =	sand.u32 $0x3FFFFC00, s16  }
0x52: {  	v2 =	vld [tilespmem:s16+$0x80]  }
0x53: {  	v3 =	vld [tilespmem:s16+$0x90]  }
0x54: {  	v4 =	vld [tilespmem:s16+$0xA0]  }
0x55: {  	v5 =	vld [tilespmem:s16+$0xB0]  }
0x56: {  	v6 =	vld [tilespmem:s16+$0xC0]  }
0x57: {  	v7 =	vld [tilespmem:s16+$0xD0]  }
0x58: {  	vm0 =	veq.s32 v2, $0x0;
	vm1 =	veq.s32 v3, $0x0;
	v2 =	vld [tilespmem:s16+$0xE0]  }
0x59: {  	vm10 =	veq.s32 v4, $0x0;
	v3 =	vld [tilespmem:s16+$0xF0];
	vm0 =	vmor vm0, vm1  }
0x5a: {  	v49 =	vld [tilespmem:s16+$0x180];
	vm11 =	veq.s32 v5, $0x0;
	vm0 =	vmor vm0, vm10  }
0x5b: {  	v50 =	vld [tilespmem:s16+$0x190];
	vm12 =	veq.s32 v6, $0x0;
	vm0 =	vmor vm0, vm11  }
0x5c: {  	v51 =	vld [tilespmem:s16+$0x1A0];
	vm13 =	veq.s32 v7, $0x0;
	vm0 =	vmor vm0, vm12  }
0x5d: {  	vm0 =	vmor vm0, vm13;
	vm14 =	veq.s32 v2, $0x0;
	v2 =	vld [tilespmem:s16+$0x1B0]  }
0x5e: {  	vm15 =	veq.s32 v3, $0x0;
	v3 =	vld [tilespmem:s16+$0x1C0];
	vm0 =	vmor vm0, vm14  }
0x5f: {  	v52 =	vld [tilespmem:s16+$0x1D0];
	vm4 =	veq.s32 v49, $0x0;
	vm0 =	vmor vm0, vm15  }
0x60: {  	v53 =	vld [tilespmem:s16+$0x1E0];
	vm5 =	veq.s32 v50, $0x0;
	vm0 =	vmor vm0, vm4  }
0x61: {  	v54 =	vld [tilespmem:s16+$0x1F0];
	vm6 =	veq.s32 v51, $0x0;
	vm0 =	vmor vm0, vm5  }
0x62: {  	vm0 =	vmor vm0, vm6;
	vm7 =	veq.s32 v2, $0x0;
	v2 =	vld [tilespmem:s16+$0x280]  }
0x63: {  	vm8 =	veq.s32 v3, $0x0;
	v3 =	vld [tilespmem:s16+$0x290];
	vm0 =	vmor vm0, vm7  }
0x64: {  	v55 =	vld [tilespmem:s16+$0x2A0];
	vm9 =	veq.s32 v52, $0x0;
	vm0 =	vmor vm0, vm8  }
0x65: {  	v56 =	vld [tilespmem:s16+$0x2B0];
	vm10 =	veq.s32 v53, $0x0;
	vm0 =	vmor vm0, vm9  }
0x66: {  	v57 =	vld [tilespmem:s16+$0x2C0];
	vm11 =	veq.s32 v54, $0x0;
	vm0 =	vmor vm0, vm10  }
0x67: {  	vm0 =	vmor vm0, vm11;
	vm12 =	veq.s32 v2, $0x0;
	v2 =	vld [tilespmem:s16+$0x2D0]  }
0x68: {  	vm13 =	veq.s32 v3, $0x0;
	v3 =	vld [tilespmem:s16+$0x2E0];
	vm0 =	vmor vm0, vm12  }
0x69: {  	v58 =	vld [tilespmem:s16+$0x2F0];
	vm14 =	veq.s32 v55, $0x0;
	vm0 =	vmor vm0, vm13  }
0x6a: {  	v59 =	vld [tilespmem:s16+$0x380];
	vm15 =	veq.s32 v56, $0x0;
	vm0 =	vmor vm0, vm14  }
0x6b: {  	v60 =	vld [tilespmem:s16+$0x390];
	vm4 =	veq.s32 v57, $0x0;
	vm0 =	vmor vm0, vm15  }
0x6c: {  	vm0 =	vmor vm0, vm4;
	vm5 =	veq.s32 v2, $0x0;
	v2 =	vld [tilespmem:s16+$0x3A0]  }
0x6d: {  	vm6 =	veq.s32 v3, $0x0;
	v3 =	vld [tilespmem:s16+$0x3B0];
	vm0 =	vmor vm0, vm5  }
0x6e: {  	v61 =	vld [tilespmem:s16+$0x3C0];
	vm7 =	veq.s32 v58, $0x0;
	vm0 =	vmor vm0, vm6  }
0x6f: {  	v62 =	vld [tilespmem:s16+$0x3D0];
	vm8 =	veq.s32 v59, $0x0;
	vm0 =	vmor vm0, vm7  }
0x70: {  	v63 =	vld [tilespmem:s16+$0x3E0];
	vm9 =	veq.s32 v60, $0x0;
	vm0 =	vmor vm0, vm8  }
0x71: {  	vm0 =	vmor vm0, vm9;
	vm10 =	veq.s32 v2, $0x0;
	v2 =	vld [tilespmem:s16+$0x3F0]  }
0x72: {  	vm11 =	veq.s32 v3, $0x0;
	vm0 =	vmor vm0, vm10  }
0x73: {  	vm12 =	veq.s32 v61, $0x0;
	vm0 =	vmor vm0, vm11  }
0x74: {  	vm13 =	veq.s32 v62, $0x0;
	vm0 =	vmor vm0, vm12  }
0x75: {  	vm14 =	veq.s32 v63, $0x0;
	vm0 =	vmor vm0, vm13  }
0x76: {  	vm0 =	vmor vm0, vm14;
	vm15 =	veq.s32 v2, $0x0  }
0x77: {  	vm0 =	vmor vm0, vm15  }
0x78: {  	v2 =	vsel vm0, $0x1, v1  }
0x79: {  	(v2sf) =	vpush v2, $0x0  }
0x7a: {  	(v2sf) =	vpush v2, $0x1  }
0x7b: {  	(v2sf) =	vpush v2, $0x2  }
0x7c: {  	(v2sf) =	vpush v2, $0x3  }
0x7d: {  	(v2sf) =	vpush v2, $0x4  }
0x7e: {  	(v2sf) =	vpush v2, $0x5  }
0x7f: {  	(v2sf) =	vpush v2, $0x6  }
0x80: {  	(v2sf) =	vpush v2, $0x7  }
0x81: {  	(v2sf) =	vpush v2, $0x8  }
0x82: {  	(v2sf) =	vpush v2, $0x9  }
0x83: {  	(v2sf) =	vpush v2, $0xA  }
0x84: {  	(v2sf) =	vpush v2, $0xB  }
0x85: {  	(v2sf) =	vpush v2, $0xC  }
0x86: {  	(v2sf) =	vpush v2, $0xD  }
0x87: {  	(v2sf) =	vpush v2, $0xE  }
0x88: {  	s30 =	spop (v2sf);
	(v2sf) =	vpush v2, $0xF  }
0x89: {  	s17 =	spop (v2sf)  }
0x8a: {  	s16 =	sadd.s32 s17, s30;
	s31 =	spop (v2sf)  }
0x8b: {  	s16 =	sadd.s32 s31, s16;
	s18 =	spop (v2sf)  }
0x8c: {  	s16 =	sadd.s32 s18, s16;
	s19 =	spop (v2sf)  }
0x8d: {  	s16 =	sadd.s32 s19, s16;
	s20 =	spop (v2sf)  }
0x8e: {  	s16 =	sadd.s32 s20, s16;
	s21 =	spop (v2sf)  }
0x8f: {  	s16 =	sadd.s32 s21, s16;
	s22 =	spop (v2sf)  }
0x90: {  	s16 =	sadd.s32 s22, s16;
	s23 =	spop (v2sf)  }
0x91: {  	s16 =	sadd.s32 s23, s16;
	s24 =	spop (v2sf)  }
0x92: {  	s16 =	sadd.s32 s24, s16;
	s25 =	spop (v2sf)  }
0x93: {  	s16 =	sadd.s32 s25, s16;
	s26 =	spop (v2sf)  }
0x94: {  	s16 =	sadd.s32 s26, s16;
	s28 =	spop (v2sf)  }
0x95: {  	s16 =	sadd.s32 s28, s16;
	s29 =	spop (v2sf)  }
0x96: {  	s16 =	sadd.s32 s29, s16;
	s30 =	spop (v2sf)  }
0x97: {  	s16 =	sadd.s32 s30, s16;
	s31 =	spop (v2sf)  }
0x98: {  	s16 =	sadd.s32 s31, s16  }
0x99: {  	p1 =	slt.s32 s16, $0x1  }
.Ltmp5:
0x9a: {  	_ = 	snop;
	(pc) =	sbr.rel @p1 .LBB2_13-.Ltmp5, $1  }
0x9b: {  	_ =	sdelay $0x3  }
0x9c: {  	s16 =	sadd.s32 $0x0, s14  }
0x9d: {  	v2 =	vld [tilespmem:s16+$0x80]  }
0x9e: {  	v3 =	vld [tilespmem:s16+$0x90]  }
0x9f: {  	v4 =	vld [tilespmem:s16+$0xA0]  }
0xa0: {  	v5 =	vld [tilespmem:s16+$0xB0]  }
0xa1: {  	v6 =	vld [tilespmem:s16+$0xC0]  }
0xa2: {  	v7 =	vld [tilespmem:s16+$0xD0]  }
0xa3: {  	vm0 =	veq.s32 v2, $0x0;
	vm1 =	veq.s32 v3, $0x0;
	v2 =	vld [tilespmem:s16+$0xE0]  }
0xa4: {  	vm10 =	veq.s32 v4, $0x0;
	v3 =	vld [tilespmem:s16+$0xF0];
	vm0 =	vmor vm0, vm1  }
0xa5: {  	vm11 =	veq.s32 v5, $0x0;
	vm0 =	vmor vm0, vm10  }
0xa6: {  	vm12 =	veq.s32 v6, $0x0;
	vm0 =	vmor vm0, vm11  }
0xa7: {  	vm13 =	veq.s32 v7, $0x0;
	vm0 =	vmor vm0, vm12  }
0xa8: {  	vm0 =	vmor vm0, vm13;
	vm14 =	veq.s32 v2, $0x0  }
0xa9: {  	vm15 =	veq.s32 v3, $0x0;
	vm0 =	vmor vm0, vm14  }
0xaa: {  	vm0 =	vmor vm0, vm15  }
0xab: {  	v2 =	vsel vm0, $0x1, v1  }
0xac: {  	(v2sf) =	vpush v2, $0x0  }
0xad: {  	(v2sf) =	vpush v2, $0x1  }
0xae: {  	(v2sf) =	vpush v2, $0x2  }
0xaf: {  	(v2sf) =	vpush v2, $0x3  }
0xb0: {  	(v2sf) =	vpush v2, $0x4  }
0xb1: {  	(v2sf) =	vpush v2, $0x5  }
0xb2: {  	(v2sf) =	vpush v2, $0x6  }
0xb3: {  	(v2sf) =	vpush v2, $0x7  }
0xb4: {  	(v2sf) =	vpush v2, $0x8  }
0xb5: {  	(v2sf) =	vpush v2, $0x9  }
0xb6: {  	(v2sf) =	vpush v2, $0xA  }
0xb7: {  	(v2sf) =	vpush v2, $0xB  }
0xb8: {  	(v2sf) =	vpush v2, $0xC  }
0xb9: {  	(v2sf) =	vpush v2, $0xD  }
0xba: {  	(v2sf) =	vpush v2, $0xE  }
0xbb: {  	s17 =	spop (v2sf);
	(v2sf) =	vpush v2, $0xF  }
0xbc: {  	s18 =	spop (v2sf)  }
0xbd: {  	s17 =	sadd.s32 s18, s17;
	s30 =	spop (v2sf)  }
0xbe: {  	s17 =	sadd.s32 s30, s17;
	s31 =	spop (v2sf)  }
0xbf: {  	s17 =	sadd.s32 s31, s17;
	s19 =	spop (v2sf)  }
0xc0: {  	s17 =	sadd.s32 s19, s17;
	s20 =	spop (v2sf)  }
0xc1: {  	s17 =	sadd.s32 s20, s17;
	s21 =	spop (v2sf)  }
0xc2: {  	s17 =	sadd.s32 s21, s17;
	s22 =	spop (v2sf)  }
0xc3: {  	s17 =	sadd.s32 s22, s17;
	s23 =	spop (v2sf)  }
0xc4: {  	s17 =	sadd.s32 s23, s17;
	s24 =	spop (v2sf)  }
0xc5: {  	s17 =	sadd.s32 s24, s17;
	s25 =	spop (v2sf)  }
0xc6: {  	s17 =	sadd.s32 s25, s17;
	s26 =	spop (v2sf)  }
0xc7: {  	s17 =	sadd.s32 s26, s17;
	s28 =	spop (v2sf)  }
0xc8: {  	s17 =	sadd.s32 s28, s17;
	s29 =	spop (v2sf)  }
0xc9: {  	s17 =	sadd.s32 s29, s17;
	s30 =	spop (v2sf)  }
0xca: {  	s17 =	sadd.s32 s30, s17;
	s31 =	spop (v2sf)  }
0xcb: {  	s17 =	sadd.s32 s31, s17  }
0xcc: {  	p2 =	slt.s32 s17, $0x1  }
0xcd: {  	s17 =	sadd.s32 @!p2 $0x0, s14  }
0xce: {  	v2 =	vld @!p2 [tilespmem:s17+$0x0];
	_ =	sdelay $0x4  }
0xcf: {  	[tilespmem:$0x5000] =	vst @!p2 v2  }
0xd0: {  	v2 =	vld @!p2 [tilespmem:s16+$0x80];
	_ =	sdelay $0x4  }
0xd1: {  	vm0 =	veq.s32 @!p2 v2, $0x0;
	v2 =	vimm.f32 @!p2 $0.0e+00  }
0xd2: {  	v3 =	vsel @!p2 vm0, $0x3F800000, v2  }
0xd3: {  	[tilespmem:$0x5080] =	vst @!p2 v3  }
0xd4: {  	v3 =	vld @!p2 [tilespmem:s17+$0x10];
	_ =	sdelay $0x4  }
0xd5: {  	[tilespmem:$0x5010] =	vst @!p2 v3  }
0xd6: {  	v3 =	vld @!p2 [tilespmem:s16+$0x90];
	_ =	sdelay $0x4  }
0xd7: {  	vm0 =	veq.s32 @!p2 v3, $0x0  }
0xd8: {  	v3 =	vsel @!p2 vm0, $0x3F800000, v2  }
0xd9: {  	[tilespmem:$0x5090] =	vst @!p2 v3  }
0xda: {  	v3 =	vld @!p2 [tilespmem:s17+$0x20];
	_ =	sdelay $0x4  }
0xdb: {  	[tilespmem:$0x5020] =	vst @!p2 v3  }
0xdc: {  	v3 =	vld @!p2 [tilespmem:s16+$0xA0];
	_ =	sdelay $0x4  }
0xdd: {  	vm0 =	veq.s32 @!p2 v3, $0x0  }
0xde: {  	v3 =	vsel @!p2 vm0, $0x3F800000, v2  }
0xdf: {  	[tilespmem:$0x50A0] =	vst @!p2 v3  }
0xe0: {  	v3 =	vld @!p2 [tilespmem:s17+$0x30];
	_ =	sdelay $0x4  }
0xe1: {  	[tilespmem:$0x5030] =	vst @!p2 v3  }
0xe2: {  	v3 =	vld @!p2 [tilespmem:s16+$0xB0];
	_ =	sdelay $0x4  }
0xe3: {  	vm0 =	veq.s32 @!p2 v3, $0x0  }
0xe4: {  	v3 =	vsel @!p2 vm0, $0x3F800000, v2  }
0xe5: {  	[tilespmem:$0x50B0] =	vst @!p2 v3  }
0xe6: {  	v3 =	vld @!p2 [tilespmem:s17+$0x40];
	_ =	sdelay $0x4  }
0xe7: {  	[tilespmem:$0x5040] =	vst @!p2 v3  }
0xe8: {  	v3 =	vld @!p2 [tilespmem:s16+$0xC0];
	_ =	sdelay $0x4  }
0xe9: {  	vm0 =	veq.s32 @!p2 v3, $0x0  }
0xea: {  	v3 =	vsel @!p2 vm0, $0x3F800000, v2  }
0xeb: {  	[tilespmem:$0x50C0] =	vst @!p2 v3  }
0xec: {  	v3 =	vld @!p2 [tilespmem:s17+$0x50];
	_ =	sdelay $0x4  }
0xed: {  	[tilespmem:$0x5050] =	vst @!p2 v3  }
0xee: {  	v3 =	vld @!p2 [tilespmem:s16+$0xD0];
	_ =	sdelay $0x4  }
0xef: {  	vm0 =	veq.s32 @!p2 v3, $0x0  }
0xf0: {  	v3 =	vsel @!p2 vm0, $0x3F800000, v2  }
0xf1: {  	[tilespmem:$0x50D0] =	vst @!p2 v3  }
0xf2: {  	v3 =	vld @!p2 [tilespmem:s17+$0x60];
	_ =	sdelay $0x4  }
0xf3: {  	[tilespmem:$0x5060] =	vst @!p2 v3  }
0xf4: {  	v3 =	vld @!p2 [tilespmem:s16+$0xE0];
	_ =	sdelay $0x4  }
0xf5: {  	vm0 =	veq.s32 @!p2 v3, $0x0  }
0xf6: {  	v3 =	vsel @!p2 vm0, $0x3F800000, v2  }
0xf7: {  	[tilespmem:$0x50E0] =	vst @!p2 v3  }
0xf8: {  	v3 =	vld @!p2 [tilespmem:s17+$0x70];
	_ =	sdelay $0x4  }
0xf9: {  	[tilespmem:$0x5070] =	vst @!p2 v3  }
0xfa: {  	v3 =	vld @!p2 [tilespmem:s16+$0xF0];
	_ =	sdelay $0x4  }
0xfb: {  	s18 =	simm.s32 @!p2 $0x80;
	vm0 =	veq.s32 @!p2 v3, $0x0  }
0xfc: {  	s19 =	simm.s32 @!p2 $0x5000;
	s20 =	simm.s32 @!p2 $0x5080;
	s16 =	simm.s32 $0x400;
	v2 =	vsel @!p2 vm0, $0x3F800000, v2  }
.LBB2_11:
0xfd: {  	s21 =	smov.u32 s16;
	s16 =	sadd.s32 $0x400, s16  }
0xfe: {  	s22 =	simm.s32 @!p2 $0x2;
	s17 =	sshra.s32 s21, $0x2;
	p1 =	sne.s32 s16, $0x1000;
	[tilespmem:$0x50F0] =	vst @!p2 v2  }
0xff: {  	[spmem:s2] =	stream.indirect.scatter.add.f32 @!p2 [tilespmem:s20], [sflag:$0x2], $0x1, s19, s18, $0xb8;
	[tilespmem:$0x5600] =	vst v63  }
0x100: {  	s17 =	sadd.s32 s17, s14;
	_ =	swait.ge @!p2 [sflag:s22], $0x80  }
0x101: {  	[sflag:s22] =	ssyncset.done @!p2 $0x0  }
0x102: {  	[sflag:s22] =	ssyncadd.s32 @!p2 $0xFFFFFF80  }
0x103: {  	v2 =	vld [tilespmem:s17+$0x80]  }
0x104: {  	v3 =	vld [tilespmem:s17+$0x90]  }
0x105: {  	v4 =	vld [tilespmem:s17+$0xA0]  }
0x106: {  	v5 =	vld [tilespmem:s17+$0xB0]  }
0x107: {  	v6 =	vld [tilespmem:s17+$0xC0]  }
0x108: {  	v7 =	vld [tilespmem:s17+$0xD0]  }
0x109: {  	vm0 =	veq.s32 v2, $0x0;
	vm1 =	veq.s32 v3, $0x0;
	v2 =	vld [tilespmem:s17+$0xE0]  }
0x10a: {  	vm0 =	vmor vm0, vm1;
	vm1 =	veq.s32 v4, $0x0;
	v3 =	vld [tilespmem:s17+$0xF0]  }
0x10b: {  	vm0 =	vmor vm0, vm1;
	vm1 =	veq.s32 v5, $0x0  }
0x10c: {  	vm0 =	vmor vm0, vm1;
	vm1 =	veq.s32 v6, $0x0  }
0x10d: {  	vm0 =	vmor vm0, vm1;
	vm1 =	veq.s32 v7, $0x0  }
0x10e: {  	vm0 =	vmor vm0, vm1;
	vm1 =	veq.s32 v2, $0x0  }
0x10f: {  	vm0 =	vmor vm0, vm1;
	vm1 =	veq.s32 v3, $0x0  }
0x110: {  	vm0 =	vmor vm0, vm1  }
0x111: {  	v2 =	vsel vm0, $0x1, v1  }
0x112: {  	(v2sf) =	vpush v2, $0x0  }
0x113: {  	(v2sf) =	vpush v2, $0x1  }
0x114: {  	(v2sf) =	vpush v2, $0x2  }
0x115: {  	(v2sf) =	vpush v2, $0x3  }
0x116: {  	(v2sf) =	vpush v2, $0x4  }
0x117: {  	(v2sf) =	vpush v2, $0x5  }
0x118: {  	(v2sf) =	vpush v2, $0x6  }
0x119: {  	(v2sf) =	vpush v2, $0x7  }
0x11a: {  	(v2sf) =	vpush v2, $0x8  }
0x11b: {  	(v2sf) =	vpush v2, $0x9  }
0x11c: {  	(v2sf) =	vpush v2, $0xA  }
0x11d: {  	(v2sf) =	vpush v2, $0xB  }
0x11e: {  	(v2sf) =	vpush v2, $0xC  }
0x11f: {  	(v2sf) =	vpush v2, $0xD  }
0x120: {  	(v2sf) =	vpush v2, $0xE  }
0x121: {  	s18 =	spop (v2sf);
	(v2sf) =	vpush v2, $0xF  }
0x122: {  	s19 =	spop (v2sf)  }
0x123: {  	s18 =	sadd.s32 s19, s18;
	s19 =	spop (v2sf)  }
0x124: {  	s18 =	sadd.s32 s19, s18;
	s19 =	spop (v2sf)  }
0x125: {  	s18 =	sadd.s32 s19, s18;
	s19 =	spop (v2sf)  }
0x126: {  	s18 =	sadd.s32 s19, s18;
	s19 =	spop (v2sf)  }
0x127: {  	s18 =	sadd.s32 s19, s18;
	s19 =	spop (v2sf)  }
0x128: {  	s18 =	sadd.s32 s19, s18;
	s19 =	spop (v2sf)  }
0x129: {  	s18 =	sadd.s32 s19, s18;
	s19 =	spop (v2sf)  }
0x12a: {  	s18 =	sadd.s32 s19, s18;
	s19 =	spop (v2sf)  }
0x12b: {  	s18 =	sadd.s32 s19, s18;
	s19 =	spop (v2sf)  }
0x12c: {  	s18 =	sadd.s32 s19, s18;
	s19 =	spop (v2sf)  }
0x12d: {  	s18 =	sadd.s32 s19, s18;
	s19 =	spop (v2sf)  }
0x12e: {  	s18 =	sadd.s32 s19, s18;
	s19 =	spop (v2sf)  }
0x12f: {  	s18 =	sadd.s32 s19, s18;
	s19 =	spop (v2sf)  }
0x130: {  	s18 =	sadd.s32 s19, s18;
	s19 =	spop (v2sf)  }
0x131: {  	s18 =	sadd.s32 s19, s18  }
0x132: {  	p2 =	slt.s32 s18, $0x1  }
0x133: {  	s20 =	sshra.s32 @!p2 s21, $0x2;
	s18 =	simm.s32 @!p2 $0x80;
	s19 =	simm.s32 @!p2 $0x5000  }
0x134: {  	s21 =	sadd.s32 @!p2 s20, s14;
	s20 =	simm.s32 @!p2 $0x5080  }
0x135: {  	v2 =	vld @!p2 [tilespmem:s21+$0x0];
	_ =	sdelay $0x4  }
0x136: {  	[tilespmem:$0x5000] =	vst @!p2 v2  }
0x137: {  	v2 =	vld @!p2 [tilespmem:s17+$0x80];
	_ =	sdelay $0x4  }
0x138: {  	vm0 =	veq.s32 @!p2 v2, $0x0;
	v2 =	vimm.f32 @!p2 $0.0e+00  }
0x139: {  	v3 =	vsel @!p2 vm0, $0x3F800000, v2  }
0x13a: {  	[tilespmem:$0x5080] =	vst @!p2 v3  }
0x13b: {  	v3 =	vld @!p2 [tilespmem:s21+$0x10];
	_ =	sdelay $0x4  }
0x13c: {  	[tilespmem:$0x5010] =	vst @!p2 v3  }
0x13d: {  	v3 =	vld @!p2 [tilespmem:s17+$0x90];
	_ =	sdelay $0x4  }
0x13e: {  	vm0 =	veq.s32 @!p2 v3, $0x0  }
0x13f: {  	v3 =	vsel @!p2 vm0, $0x3F800000, v2  }
0x140: {  	[tilespmem:$0x5090] =	vst @!p2 v3  }
0x141: {  	v3 =	vld @!p2 [tilespmem:s21+$0x20];
	_ =	sdelay $0x4  }
0x142: {  	[tilespmem:$0x5020] =	vst @!p2 v3  }
0x143: {  	v3 =	vld @!p2 [tilespmem:s17+$0xA0];
	_ =	sdelay $0x4  }
0x144: {  	vm0 =	veq.s32 @!p2 v3, $0x0  }
0x145: {  	v3 =	vsel @!p2 vm0, $0x3F800000, v2  }
0x146: {  	[tilespmem:$0x50A0] =	vst @!p2 v3  }
0x147: {  	v3 =	vld @!p2 [tilespmem:s21+$0x30];
	_ =	sdelay $0x4  }
0x148: {  	[tilespmem:$0x5030] =	vst @!p2 v3  }
0x149: {  	v3 =	vld @!p2 [tilespmem:s17+$0xB0];
	_ =	sdelay $0x4  }
0x14a: {  	vm0 =	veq.s32 @!p2 v3, $0x0  }
0x14b: {  	v3 =	vsel @!p2 vm0, $0x3F800000, v2  }
0x14c: {  	[tilespmem:$0x50B0] =	vst @!p2 v3  }
0x14d: {  	v3 =	vld @!p2 [tilespmem:s21+$0x40];
	_ =	sdelay $0x4  }
0x14e: {  	[tilespmem:$0x5040] =	vst @!p2 v3  }
0x14f: {  	v3 =	vld @!p2 [tilespmem:s17+$0xC0];
	_ =	sdelay $0x4  }
0x150: {  	vm0 =	veq.s32 @!p2 v3, $0x0  }
0x151: {  	v3 =	vsel @!p2 vm0, $0x3F800000, v2  }
0x152: {  	[tilespmem:$0x50C0] =	vst @!p2 v3  }
0x153: {  	v3 =	vld @!p2 [tilespmem:s21+$0x50];
	_ =	sdelay $0x4  }
0x154: {  	[tilespmem:$0x5050] =	vst @!p2 v3  }
0x155: {  	v3 =	vld @!p2 [tilespmem:s17+$0xD0];
	_ =	sdelay $0x4  }
0x156: {  	vm0 =	veq.s32 @!p2 v3, $0x0  }
0x157: {  	v3 =	vsel @!p2 vm0, $0x3F800000, v2  }
0x158: {  	[tilespmem:$0x50D0] =	vst @!p2 v3  }
0x159: {  	v3 =	vld @!p2 [tilespmem:s21+$0x60];
	_ =	sdelay $0x4  }
0x15a: {  	[tilespmem:$0x5060] =	vst @!p2 v3  }
0x15b: {  	v3 =	vld @!p2 [tilespmem:s17+$0xE0];
	_ =	sdelay $0x4  }
0x15c: {  	vm0 =	veq.s32 @!p2 v3, $0x0  }
0x15d: {  	v3 =	vsel @!p2 vm0, $0x3F800000, v2  }
0x15e: {  	[tilespmem:$0x50E0] =	vst @!p2 v3  }
0x15f: {  	v3 =	vld @!p2 [tilespmem:s21+$0x70];
	_ =	sdelay $0x4  }
0x160: {  	[tilespmem:$0x5070] =	vst @!p2 v3  }
0x161: {  	v3 =	vld @!p2 [tilespmem:s17+$0xF0];
	_ =	sdelay $0x1  }
.Ltmp6:
0x162: {  	(pc) =	sbr.rel @p1 .LBB2_11-.Ltmp6, $3  }
0x163: {  	_ =	sdelay $0x1  }
0x164: {  	vm0 =	veq.s32 @!p2 v3, $0x0  }
0x165: {  	v2 =	vsel @!p2 vm0, $0x3F800000, v2  }
.Ltmp7:
0x166: {  	[tilespmem:$0x50F0] =	vst @!p2 v2;
	s16 =	simm.s32 @!p2 $0x2;
	(pc) =	sbr.rel .LBB2_13-.Ltmp7, $4  }
0x167: {  	[spmem:s2] =	stream.indirect.scatter.add.f32 @!p2 [tilespmem:s20], [sflag:$0x2], $0x1, s19, s18, $0xb8;
	[tilespmem:$0x5600] =	vst v63  }
0x168: {  	_ =	swait.ge @!p2 [sflag:s16], $0x80  }
0x169: {  	[sflag:s16] =	ssyncset.done @!p2 $0x0  }
0x16a: {  	[sflag:s16] =	ssyncadd.s32 @!p2 $0xFFFFFF80  }
.LBB2_2:
.Ltmp8:
0x16b: {  	(pc) =	sbr.rel .LBB2_3-.Ltmp8, $4  }
0x16c: {  	_ = 	snop  }
0x16d: {  	_ =	swait.ge [sflag:s11], $0x5000  }
0x16e: {  	[sflag:s11] =	ssyncset.done $0x0  }
0x16f: {  	s14 =	simm.s32 $0x0;
	s15 =	simm.s32 $0x0;
	[sflag:s11] =	ssyncadd.s32 $0xFFFFB000  }
.LBB2_7:
0x170: {  	s15 =	sadd.s32 $0x1, s15  }
0x171: {  	p1 =	seq.s32 s15, $0x14  }
.Ltmp9:
0x172: {  	_ = 	snop;
	(pc) =	sbr.rel @p1 .LBB2_14-.Ltmp9, $2  }
0x173: {  	_ =	sdelay $0x2  }
0x174: {  	s14 =	sadd.s32 $0x400, s14  }
.LBB2_3:
0x175: {  	s16 =	sshll.u32 s15, $0xA  }
0x176: {  	s16 =	sand.u32 $0x3FFFFC00, s16  }
0x177: {  	v2 =	vld [tilespmem:s16+$0x80]  }
0x178: {  	v3 =	vld [tilespmem:s16+$0x90]  }
0x179: {  	v4 =	vld [tilespmem:s16+$0xA0]  }
0x17a: {  	v5 =	vld [tilespmem:s16+$0xB0]  }
0x17b: {  	v6 =	vld [tilespmem:s16+$0xC0]  }
0x17c: {  	v7 =	vld [tilespmem:s16+$0xD0]  }
0x17d: {  	vm0 =	veq.s32 v2, $0x0;
	vm1 =	veq.s32 v3, $0x0;
	v2 =	vld [tilespmem:s16+$0xE0]  }
0x17e: {  	vm10 =	veq.s32 v4, $0x0;
	v3 =	vld [tilespmem:s16+$0xF0];
	vm0 =	vmor vm0, vm1  }
0x17f: {  	v49 =	vld [tilespmem:s16+$0x180];
	vm11 =	veq.s32 v5, $0x0;
	vm0 =	vmor vm0, vm10  }
0x180: {  	v50 =	vld [tilespmem:s16+$0x190];
	vm12 =	veq.s32 v6, $0x0;
	vm0 =	vmor vm0, vm11  }
0x181: {  	v51 =	vld [tilespmem:s16+$0x1A0];
	vm13 =	veq.s32 v7, $0x0;
	vm0 =	vmor vm0, vm12  }
0x182: {  	vm0 =	vmor vm0, vm13;
	vm14 =	veq.s32 v2, $0x0;
	v2 =	vld [tilespmem:s16+$0x1B0]  }
0x183: {  	vm15 =	veq.s32 v3, $0x0;
	v3 =	vld [tilespmem:s16+$0x1C0];
	vm0 =	vmor vm0, vm14  }
0x184: {  	v52 =	vld [tilespmem:s16+$0x1D0];
	vm4 =	veq.s32 v49, $0x0;
	vm0 =	vmor vm0, vm15  }
0x185: {  	v53 =	vld [tilespmem:s16+$0x1E0];
	vm5 =	veq.s32 v50, $0x0;
	vm0 =	vmor vm0, vm4  }
0x186: {  	v54 =	vld [tilespmem:s16+$0x1F0];
	vm6 =	veq.s32 v51, $0x0;
	vm0 =	vmor vm0, vm5  }
0x187: {  	vm0 =	vmor vm0, vm6;
	vm7 =	veq.s32 v2, $0x0;
	v2 =	vld [tilespmem:s16+$0x280]  }
0x188: {  	vm8 =	veq.s32 v3, $0x0;
	v3 =	vld [tilespmem:s16+$0x290];
	vm0 =	vmor vm0, vm7  }
0x189: {  	v55 =	vld [tilespmem:s16+$0x2A0];
	vm9 =	veq.s32 v52, $0x0;
	vm0 =	vmor vm0, vm8  }
0x18a: {  	v56 =	vld [tilespmem:s16+$0x2B0];
	vm10 =	veq.s32 v53, $0x0;
	vm0 =	vmor vm0, vm9  }
0x18b: {  	v57 =	vld [tilespmem:s16+$0x2C0];
	vm11 =	veq.s32 v54, $0x0;
	vm0 =	vmor vm0, vm10  }
0x18c: {  	vm0 =	vmor vm0, vm11;
	vm12 =	veq.s32 v2, $0x0;
	v2 =	vld [tilespmem:s16+$0x2D0]  }
0x18d: {  	vm13 =	veq.s32 v3, $0x0;
	v3 =	vld [tilespmem:s16+$0x2E0];
	vm0 =	vmor vm0, vm12  }
0x18e: {  	v58 =	vld [tilespmem:s16+$0x2F0];
	vm14 =	veq.s32 v55, $0x0;
	vm0 =	vmor vm0, vm13  }
0x18f: {  	v59 =	vld [tilespmem:s16+$0x380];
	vm15 =	veq.s32 v56, $0x0;
	vm0 =	vmor vm0, vm14  }
0x190: {  	v60 =	vld [tilespmem:s16+$0x390];
	vm4 =	veq.s32 v57, $0x0;
	vm0 =	vmor vm0, vm15  }
0x191: {  	vm0 =	vmor vm0, vm4;
	vm5 =	veq.s32 v2, $0x0;
	v2 =	vld [tilespmem:s16+$0x3A0]  }
0x192: {  	vm6 =	veq.s32 v3, $0x0;
	v3 =	vld [tilespmem:s16+$0x3B0];
	vm0 =	vmor vm0, vm5  }
0x193: {  	v61 =	vld [tilespmem:s16+$0x3C0];
	vm7 =	veq.s32 v58, $0x0;
	vm0 =	vmor vm0, vm6  }
0x194: {  	v62 =	vld [tilespmem:s16+$0x3D0];
	vm8 =	veq.s32 v59, $0x0;
	vm0 =	vmor vm0, vm7  }
0x195: {  	v63 =	vld [tilespmem:s16+$0x3E0];
	vm9 =	veq.s32 v60, $0x0;
	vm0 =	vmor vm0, vm8  }
0x196: {  	vm0 =	vmor vm0, vm9;
	vm10 =	veq.s32 v2, $0x0;
	v2 =	vld [tilespmem:s16+$0x3F0]  }
0x197: {  	vm11 =	veq.s32 v3, $0x0;
	vm0 =	vmor vm0, vm10  }
0x198: {  	vm12 =	veq.s32 v61, $0x0;
	vm0 =	vmor vm0, vm11  }
0x199: {  	vm13 =	veq.s32 v62, $0x0;
	vm0 =	vmor vm0, vm12  }
0x19a: {  	vm14 =	veq.s32 v63, $0x0;
	vm0 =	vmor vm0, vm13  }
0x19b: {  	vm0 =	vmor vm0, vm14;
	vm15 =	veq.s32 v2, $0x0  }
0x19c: {  	vm0 =	vmor vm0, vm15  }
0x19d: {  	v2 =	vsel vm0, $0x1, v1  }
0x19e: {  	(v2sf) =	vpush v2, $0x0  }
0x19f: {  	(v2sf) =	vpush v2, $0x1  }
0x1a0: {  	(v2sf) =	vpush v2, $0x2  }
0x1a1: {  	(v2sf) =	vpush v2, $0x3  }
0x1a2: {  	(v2sf) =	vpush v2, $0x4  }
0x1a3: {  	(v2sf) =	vpush v2, $0x5  }
0x1a4: {  	(v2sf) =	vpush v2, $0x6  }
0x1a5: {  	(v2sf) =	vpush v2, $0x7  }
0x1a6: {  	(v2sf) =	vpush v2, $0x8  }
0x1a7: {  	(v2sf) =	vpush v2, $0x9  }
0x1a8: {  	(v2sf) =	vpush v2, $0xA  }
0x1a9: {  	(v2sf) =	vpush v2, $0xB  }
0x1aa: {  	(v2sf) =	vpush v2, $0xC  }
0x1ab: {  	(v2sf) =	vpush v2, $0xD  }
0x1ac: {  	(v2sf) =	vpush v2, $0xE  }
0x1ad: {  	s30 =	spop (v2sf);
	(v2sf) =	vpush v2, $0xF  }
0x1ae: {  	s17 =	spop (v2sf)  }
0x1af: {  	s16 =	sadd.s32 s17, s30;
	s31 =	spop (v2sf)  }
0x1b0: {  	s16 =	sadd.s32 s31, s16;
	s18 =	spop (v2sf)  }
0x1b1: {  	s16 =	sadd.s32 s18, s16;
	s19 =	spop (v2sf)  }
0x1b2: {  	s16 =	sadd.s32 s19, s16;
	s20 =	spop (v2sf)  }
0x1b3: {  	s16 =	sadd.s32 s20, s16;
	s21 =	spop (v2sf)  }
0x1b4: {  	s16 =	sadd.s32 s21, s16;
	s22 =	spop (v2sf)  }
0x1b5: {  	s16 =	sadd.s32 s22, s16;
	s23 =	spop (v2sf)  }
0x1b6: {  	s16 =	sadd.s32 s23, s16;
	s24 =	spop (v2sf)  }
0x1b7: {  	s16 =	sadd.s32 s24, s16;
	s25 =	spop (v2sf)  }
0x1b8: {  	s16 =	sadd.s32 s25, s16;
	s26 =	spop (v2sf)  }
0x1b9: {  	s16 =	sadd.s32 s26, s16;
	s28 =	spop (v2sf)  }
0x1ba: {  	s16 =	sadd.s32 s28, s16;
	s29 =	spop (v2sf)  }
0x1bb: {  	s16 =	sadd.s32 s29, s16;
	s30 =	spop (v2sf)  }
0x1bc: {  	s16 =	sadd.s32 s30, s16;
	s31 =	spop (v2sf)  }
0x1bd: {  	s16 =	sadd.s32 s31, s16  }
0x1be: {  	p1 =	slt.s32 s16, $0x1  }
.Ltmp10:
0x1bf: {  	_ = 	snop;
	(pc) =	sbr.rel @p1 .LBB2_7-.Ltmp10, $1  }
0x1c0: {  	_ =	sdelay $0x3  }
0x1c1: {  	s16 =	sadd.s32 $0x0, s14  }
0x1c2: {  	v2 =	vld [tilespmem:s16+$0x80]  }
0x1c3: {  	v3 =	vld [tilespmem:s16+$0x90]  }
0x1c4: {  	v4 =	vld [tilespmem:s16+$0xA0]  }
0x1c5: {  	v5 =	vld [tilespmem:s16+$0xB0]  }
0x1c6: {  	v6 =	vld [tilespmem:s16+$0xC0]  }
0x1c7: {  	v7 =	vld [tilespmem:s16+$0xD0]  }
0x1c8: {  	vm0 =	veq.s32 v2, $0x0;
	vm1 =	veq.s32 v3, $0x0;
	v2 =	vld [tilespmem:s16+$0xE0]  }
0x1c9: {  	vm10 =	veq.s32 v4, $0x0;
	v3 =	vld [tilespmem:s16+$0xF0];
	vm0 =	vmor vm0, vm1  }
0x1ca: {  	vm11 =	veq.s32 v5, $0x0;
	vm0 =	vmor vm0, vm10  }
0x1cb: {  	vm12 =	veq.s32 v6, $0x0;
	vm0 =	vmor vm0, vm11  }
0x1cc: {  	vm13 =	veq.s32 v7, $0x0;
	vm0 =	vmor vm0, vm12  }
0x1cd: {  	vm0 =	vmor vm0, vm13;
	vm14 =	veq.s32 v2, $0x0  }
0x1ce: {  	vm15 =	veq.s32 v3, $0x0;
	vm0 =	vmor vm0, vm14  }
0x1cf: {  	vm0 =	vmor vm0, vm15  }
0x1d0: {  	v2 =	vsel vm0, $0x1, v1  }
0x1d1: {  	(v2sf) =	vpush v2, $0x0  }
0x1d2: {  	(v2sf) =	vpush v2, $0x1  }
0x1d3: {  	(v2sf) =	vpush v2, $0x2  }
0x1d4: {  	(v2sf) =	vpush v2, $0x3  }
0x1d5: {  	(v2sf) =	vpush v2, $0x4  }
0x1d6: {  	(v2sf) =	vpush v2, $0x5  }
0x1d7: {  	(v2sf) =	vpush v2, $0x6  }
0x1d8: {  	(v2sf) =	vpush v2, $0x7  }
0x1d9: {  	(v2sf) =	vpush v2, $0x8  }
0x1da: {  	(v2sf) =	vpush v2, $0x9  }
0x1db: {  	(v2sf) =	vpush v2, $0xA  }
0x1dc: {  	(v2sf) =	vpush v2, $0xB  }
0x1dd: {  	(v2sf) =	vpush v2, $0xC  }
0x1de: {  	(v2sf) =	vpush v2, $0xD  }
0x1df: {  	(v2sf) =	vpush v2, $0xE  }
0x1e0: {  	s17 =	spop (v2sf);
	(v2sf) =	vpush v2, $0xF  }
0x1e1: {  	s18 =	spop (v2sf)  }
0x1e2: {  	s17 =	sadd.s32 s18, s17;
	s30 =	spop (v2sf)  }
0x1e3: {  	s17 =	sadd.s32 s30, s17;
	s31 =	spop (v2sf)  }
0x1e4: {  	s17 =	sadd.s32 s31, s17;
	s19 =	spop (v2sf)  }
0x1e5: {  	s17 =	sadd.s32 s19, s17;
	s20 =	spop (v2sf)  }
0x1e6: {  	s17 =	sadd.s32 s20, s17;
	s21 =	spop (v2sf)  }
0x1e7: {  	s17 =	sadd.s32 s21, s17;
	s22 =	spop (v2sf)  }
0x1e8: {  	s17 =	sadd.s32 s22, s17;
	s23 =	spop (v2sf)  }
0x1e9: {  	s17 =	sadd.s32 s23, s17;
	s24 =	spop (v2sf)  }
0x1ea: {  	s17 =	sadd.s32 s24, s17;
	s25 =	spop (v2sf)  }
0x1eb: {  	s17 =	sadd.s32 s25, s17;
	s26 =	spop (v2sf)  }
0x1ec: {  	s17 =	sadd.s32 s26, s17;
	s28 =	spop (v2sf)  }
0x1ed: {  	s17 =	sadd.s32 s28, s17;
	s29 =	spop (v2sf)  }
0x1ee: {  	s17 =	sadd.s32 s29, s17;
	s30 =	spop (v2sf)  }
0x1ef: {  	s17 =	sadd.s32 s30, s17;
	s31 =	spop (v2sf)  }
0x1f0: {  	s17 =	sadd.s32 s31, s17  }
0x1f1: {  	p2 =	slt.s32 s17, $0x1  }
0x1f2: {  	s17 =	sadd.s32 @!p2 $0x0, s14  }
0x1f3: {  	v2 =	vld @!p2 [tilespmem:s17+$0x0];
	_ =	sdelay $0x4  }
0x1f4: {  	[tilespmem:$0x5000] =	vst @!p2 v2  }
0x1f5: {  	v2 =	vld @!p2 [tilespmem:s16+$0x80];
	_ =	sdelay $0x4  }
0x1f6: {  	vm0 =	veq.s32 @!p2 v2, $0x0;
	v2 =	vimm.f32 @!p2 $0.0e+00  }
0x1f7: {  	v3 =	vsel @!p2 vm0, $0x3F800000, v2  }
0x1f8: {  	[tilespmem:$0x5080] =	vst @!p2 v3  }
0x1f9: {  	v3 =	vld @!p2 [tilespmem:s17+$0x10];
	_ =	sdelay $0x4  }
0x1fa: {  	[tilespmem:$0x5010] =	vst @!p2 v3  }
0x1fb: {  	v3 =	vld @!p2 [tilespmem:s16+$0x90];
	_ =	sdelay $0x4  }
0x1fc: {  	vm0 =	veq.s32 @!p2 v3, $0x0  }
0x1fd: {  	v3 =	vsel @!p2 vm0, $0x3F800000, v2  }
0x1fe: {  	[tilespmem:$0x5090] =	vst @!p2 v3  }
0x1ff: {  	v3 =	vld @!p2 [tilespmem:s17+$0x20];
	_ =	sdelay $0x4  }
0x200: {  	[tilespmem:$0x5020] =	vst @!p2 v3  }
0x201: {  	v3 =	vld @!p2 [tilespmem:s16+$0xA0];
	_ =	sdelay $0x4  }
0x202: {  	vm0 =	veq.s32 @!p2 v3, $0x0  }
0x203: {  	v3 =	vsel @!p2 vm0, $0x3F800000, v2  }
0x204: {  	[tilespmem:$0x50A0] =	vst @!p2 v3  }
0x205: {  	v3 =	vld @!p2 [tilespmem:s17+$0x30];
	_ =	sdelay $0x4  }
0x206: {  	[tilespmem:$0x5030] =	vst @!p2 v3  }
0x207: {  	v3 =	vld @!p2 [tilespmem:s16+$0xB0];
	_ =	sdelay $0x4  }
0x208: {  	vm0 =	veq.s32 @!p2 v3, $0x0  }
0x209: {  	v3 =	vsel @!p2 vm0, $0x3F800000, v2  }
0x20a: {  	[tilespmem:$0x50B0] =	vst @!p2 v3  }
0x20b: {  	v3 =	vld @!p2 [tilespmem:s17+$0x40];
	_ =	sdelay $0x4  }
0x20c: {  	[tilespmem:$0x5040] =	vst @!p2 v3  }
0x20d: {  	v3 =	vld @!p2 [tilespmem:s16+$0xC0];
	_ =	sdelay $0x4  }
0x20e: {  	vm0 =	veq.s32 @!p2 v3, $0x0  }
0x20f: {  	v3 =	vsel @!p2 vm0, $0x3F800000, v2  }
0x210: {  	[tilespmem:$0x50C0] =	vst @!p2 v3  }
0x211: {  	v3 =	vld @!p2 [tilespmem:s17+$0x50];
	_ =	sdelay $0x4  }
0x212: {  	[tilespmem:$0x5050] =	vst @!p2 v3  }
0x213: {  	v3 =	vld @!p2 [tilespmem:s16+$0xD0];
	_ =	sdelay $0x4  }
0x214: {  	vm0 =	veq.s32 @!p2 v3, $0x0  }
0x215: {  	v3 =	vsel @!p2 vm0, $0x3F800000, v2  }
0x216: {  	[tilespmem:$0x50D0] =	vst @!p2 v3  }
0x217: {  	v3 =	vld @!p2 [tilespmem:s17+$0x60];
	_ =	sdelay $0x4  }
0x218: {  	[tilespmem:$0x5060] =	vst @!p2 v3  }
0x219: {  	v3 =	vld @!p2 [tilespmem:s16+$0xE0];
	_ =	sdelay $0x4  }
0x21a: {  	vm0 =	veq.s32 @!p2 v3, $0x0  }
0x21b: {  	v3 =	vsel @!p2 vm0, $0x3F800000, v2  }
0x21c: {  	[tilespmem:$0x50E0] =	vst @!p2 v3  }
0x21d: {  	v3 =	vld @!p2 [tilespmem:s17+$0x70];
	_ =	sdelay $0x4  }
0x21e: {  	[tilespmem:$0x5070] =	vst @!p2 v3  }
0x21f: {  	v3 =	vld @!p2 [tilespmem:s16+$0xF0];
	_ =	sdelay $0x4  }
0x220: {  	s18 =	simm.s32 @!p2 $0x80;
	vm0 =	veq.s32 @!p2 v3, $0x0  }
0x221: {  	s19 =	simm.s32 @!p2 $0x5000;
	s20 =	simm.s32 @!p2 $0x5080;
	s16 =	simm.s32 $0x400;
	v2 =	vsel @!p2 vm0, $0x3F800000, v2  }
.LBB2_5:
0x222: {  	s21 =	smov.u32 s16;
	s16 =	sadd.s32 $0x400, s16  }
0x223: {  	s22 =	simm.s32 @!p2 $0x2;
	s17 =	sshra.s32 s21, $0x2;
	p1 =	sne.s32 s16, $0x1000;
	[tilespmem:$0x50F0] =	vst @!p2 v2  }
0x224: {  	[spmem:s2] =	stream.indirect.scatter.add.f32 @!p2 [tilespmem:s20], [sflag:$0x2], $0x1, s19, s18, $0xb8;
	[tilespmem:$0x5600] =	vst v63  }
0x225: {  	s17 =	sadd.s32 s17, s14;
	_ =	swait.ge @!p2 [sflag:s22], $0x80  }
0x226: {  	[sflag:s22] =	ssyncset.done @!p2 $0x0  }
0x227: {  	[sflag:s22] =	ssyncadd.s32 @!p2 $0xFFFFFF80  }
0x228: {  	v2 =	vld [tilespmem:s17+$0x80]  }
0x229: {  	v3 =	vld [tilespmem:s17+$0x90]  }
0x22a: {  	v4 =	vld [tilespmem:s17+$0xA0]  }
0x22b: {  	v5 =	vld [tilespmem:s17+$0xB0]  }
0x22c: {  	v6 =	vld [tilespmem:s17+$0xC0]  }
0x22d: {  	v7 =	vld [tilespmem:s17+$0xD0]  }
0x22e: {  	vm0 =	veq.s32 v2, $0x0;
	vm1 =	veq.s32 v3, $0x0;
	v2 =	vld [tilespmem:s17+$0xE0]  }
0x22f: {  	vm0 =	vmor vm0, vm1;
	vm1 =	veq.s32 v4, $0x0;
	v3 =	vld [tilespmem:s17+$0xF0]  }
0x230: {  	vm0 =	vmor vm0, vm1;
	vm1 =	veq.s32 v5, $0x0  }
0x231: {  	vm0 =	vmor vm0, vm1;
	vm1 =	veq.s32 v6, $0x0  }
0x232: {  	vm0 =	vmor vm0, vm1;
	vm1 =	veq.s32 v7, $0x0  }
0x233: {  	vm0 =	vmor vm0, vm1;
	vm1 =	veq.s32 v2, $0x0  }
0x234: {  	vm0 =	vmor vm0, vm1;
	vm1 =	veq.s32 v3, $0x0  }
0x235: {  	vm0 =	vmor vm0, vm1  }
0x236: {  	v2 =	vsel vm0, $0x1, v1  }
0x237: {  	(v2sf) =	vpush v2, $0x0  }
0x238: {  	(v2sf) =	vpush v2, $0x1  }
0x239: {  	(v2sf) =	vpush v2, $0x2  }
0x23a: {  	(v2sf) =	vpush v2, $0x3  }
0x23b: {  	(v2sf) =	vpush v2, $0x4  }
0x23c: {  	(v2sf) =	vpush v2, $0x5  }
0x23d: {  	(v2sf) =	vpush v2, $0x6  }
0x23e: {  	(v2sf) =	vpush v2, $0x7  }
0x23f: {  	(v2sf) =	vpush v2, $0x8  }
0x240: {  	(v2sf) =	vpush v2, $0x9  }
0x241: {  	(v2sf) =	vpush v2, $0xA  }
0x242: {  	(v2sf) =	vpush v2, $0xB  }
0x243: {  	(v2sf) =	vpush v2, $0xC  }
0x244: {  	(v2sf) =	vpush v2, $0xD  }
0x245: {  	(v2sf) =	vpush v2, $0xE  }
0x246: {  	s18 =	spop (v2sf);
	(v2sf) =	vpush v2, $0xF  }
0x247: {  	s19 =	spop (v2sf)  }
0x248: {  	s18 =	sadd.s32 s19, s18;
	s19 =	spop (v2sf)  }
0x249: {  	s18 =	sadd.s32 s19, s18;
	s19 =	spop (v2sf)  }
0x24a: {  	s18 =	sadd.s32 s19, s18;
	s19 =	spop (v2sf)  }
0x24b: {  	s18 =	sadd.s32 s19, s18;
	s19 =	spop (v2sf)  }
0x24c: {  	s18 =	sadd.s32 s19, s18;
	s19 =	spop (v2sf)  }
0x24d: {  	s18 =	sadd.s32 s19, s18;
	s19 =	spop (v2sf)  }
0x24e: {  	s18 =	sadd.s32 s19, s18;
	s19 =	spop (v2sf)  }
0x24f: {  	s18 =	sadd.s32 s19, s18;
	s19 =	spop (v2sf)  }
0x250: {  	s18 =	sadd.s32 s19, s18;
	s19 =	spop (v2sf)  }
0x251: {  	s18 =	sadd.s32 s19, s18;
	s19 =	spop (v2sf)  }
0x252: {  	s18 =	sadd.s32 s19, s18;
	s19 =	spop (v2sf)  }
0x253: {  	s18 =	sadd.s32 s19, s18;
	s19 =	spop (v2sf)  }
0x254: {  	s18 =	sadd.s32 s19, s18;
	s19 =	spop (v2sf)  }
0x255: {  	s18 =	sadd.s32 s19, s18;
	s19 =	spop (v2sf)  }
0x256: {  	s18 =	sadd.s32 s19, s18  }
0x257: {  	p2 =	slt.s32 s18, $0x1  }
0x258: {  	s20 =	sshra.s32 @!p2 s21, $0x2;
	s18 =	simm.s32 @!p2 $0x80;
	s19 =	simm.s32 @!p2 $0x5000  }
0x259: {  	s21 =	sadd.s32 @!p2 s20, s14;
	s20 =	simm.s32 @!p2 $0x5080  }
0x25a: {  	v2 =	vld @!p2 [tilespmem:s21+$0x0];
	_ =	sdelay $0x4  }
0x25b: {  	[tilespmem:$0x5000] =	vst @!p2 v2  }
0x25c: {  	v2 =	vld @!p2 [tilespmem:s17+$0x80];
	_ =	sdelay $0x4  }
0x25d: {  	vm0 =	veq.s32 @!p2 v2, $0x0;
	v2 =	vimm.f32 @!p2 $0.0e+00  }
0x25e: {  	v3 =	vsel @!p2 vm0, $0x3F800000, v2  }
0x25f: {  	[tilespmem:$0x5080] =	vst @!p2 v3  }
0x260: {  	v3 =	vld @!p2 [tilespmem:s21+$0x10];
	_ =	sdelay $0x4  }
0x261: {  	[tilespmem:$0x5010] =	vst @!p2 v3  }
0x262: {  	v3 =	vld @!p2 [tilespmem:s17+$0x90];
	_ =	sdelay $0x4  }
0x263: {  	vm0 =	veq.s32 @!p2 v3, $0x0  }
0x264: {  	v3 =	vsel @!p2 vm0, $0x3F800000, v2  }
0x265: {  	[tilespmem:$0x5090] =	vst @!p2 v3  }
0x266: {  	v3 =	vld @!p2 [tilespmem:s21+$0x20];
	_ =	sdelay $0x4  }
0x267: {  	[tilespmem:$0x5020] =	vst @!p2 v3  }
0x268: {  	v3 =	vld @!p2 [tilespmem:s17+$0xA0];
	_ =	sdelay $0x4  }
0x269: {  	vm0 =	veq.s32 @!p2 v3, $0x0  }
0x26a: {  	v3 =	vsel @!p2 vm0, $0x3F800000, v2  }
0x26b: {  	[tilespmem:$0x50A0] =	vst @!p2 v3  }
0x26c: {  	v3 =	vld @!p2 [tilespmem:s21+$0x30];
	_ =	sdelay $0x4  }
0x26d: {  	[tilespmem:$0x5030] =	vst @!p2 v3  }
0x26e: {  	v3 =	vld @!p2 [tilespmem:s17+$0xB0];
	_ =	sdelay $0x4  }
0x26f: {  	vm0 =	veq.s32 @!p2 v3, $0x0  }
0x270: {  	v3 =	vsel @!p2 vm0, $0x3F800000, v2  }
0x271: {  	[tilespmem:$0x50B0] =	vst @!p2 v3  }
0x272: {  	v3 =	vld @!p2 [tilespmem:s21+$0x40];
	_ =	sdelay $0x4  }
0x273: {  	[tilespmem:$0x5040] =	vst @!p2 v3  }
0x274: {  	v3 =	vld @!p2 [tilespmem:s17+$0xC0];
	_ =	sdelay $0x4  }
0x275: {  	vm0 =	veq.s32 @!p2 v3, $0x0  }
0x276: {  	v3 =	vsel @!p2 vm0, $0x3F800000, v2  }
0x277: {  	[tilespmem:$0x50C0] =	vst @!p2 v3  }
0x278: {  	v3 =	vld @!p2 [tilespmem:s21+$0x50];
	_ =	sdelay $0x4  }
0x279: {  	[tilespmem:$0x5050] =	vst @!p2 v3  }
0x27a: {  	v3 =	vld @!p2 [tilespmem:s17+$0xD0];
	_ =	sdelay $0x4  }
0x27b: {  	vm0 =	veq.s32 @!p2 v3, $0x0  }
0x27c: {  	v3 =	vsel @!p2 vm0, $0x3F800000, v2  }
0x27d: {  	[tilespmem:$0x50D0] =	vst @!p2 v3  }
0x27e: {  	v3 =	vld @!p2 [tilespmem:s21+$0x60];
	_ =	sdelay $0x4  }
0x27f: {  	[tilespmem:$0x5060] =	vst @!p2 v3  }
0x280: {  	v3 =	vld @!p2 [tilespmem:s17+$0xE0];
	_ =	sdelay $0x4  }
0x281: {  	vm0 =	veq.s32 @!p2 v3, $0x0  }
0x282: {  	v3 =	vsel @!p2 vm0, $0x3F800000, v2  }
0x283: {  	[tilespmem:$0x50E0] =	vst @!p2 v3  }
0x284: {  	v3 =	vld @!p2 [tilespmem:s21+$0x70];
	_ =	sdelay $0x4  }
0x285: {  	[tilespmem:$0x5070] =	vst @!p2 v3  }
0x286: {  	v3 =	vld @!p2 [tilespmem:s17+$0xF0];
	_ =	sdelay $0x1  }
.Ltmp11:
0x287: {  	(pc) =	sbr.rel @p1 .LBB2_5-.Ltmp11, $3  }
0x288: {  	_ =	sdelay $0x1  }
0x289: {  	vm0 =	veq.s32 @!p2 v3, $0x0  }
0x28a: {  	v2 =	vsel @!p2 vm0, $0x3F800000, v2  }
.Ltmp12:
0x28b: {  	[tilespmem:$0x50F0] =	vst @!p2 v2;
	s16 =	simm.s32 @!p2 $0x2;
	(pc) =	sbr.rel .LBB2_7-.Ltmp12, $4  }
0x28c: {  	[spmem:s2] =	stream.indirect.scatter.add.f32 @!p2 [tilespmem:s20], [sflag:$0x2], $0x1, s19, s18, $0xb8;
	[tilespmem:$0x5600] =	vst v63  }
0x28d: {  	_ =	swait.ge @!p2 [sflag:s16], $0x80  }
0x28e: {  	[sflag:s16] =	ssyncset.done @!p2 $0x0  }
0x28f: {  	[sflag:s16] =	ssyncadd.s32 @!p2 $0xFFFFFF80  }
.LBB2_15:
0x290: {  	_ =	sfence.sel $0x180000  }
0x291: {  	[bflag:$0x0] =	sbarrier.arrive $0xFFFF  }
0x292: {  	p0 =	sne.s32 s0, $0x0;
	_ =	strace $0x90000047  }
0x293: {  	s0 =	sadd.s32 @!p0 $0x100000, s1;
	[bflag:$0x2] =	sbarrier.arrive $0xFFFF  }
0x294: {  	[sflag:s0] =	ssyncadd.tile.s32 @!p0 $0x1;
	_ =	shalt  }
.Lfunc_end2:
_tile_overlayer_lowered:
.L_overlay_start_2:
0x295: {  	(tag) =	ssettag $0x2  }
0x296: {  	s0 =	rddreg [dreg:$0x0];
	s2 =	stileid.u32  }
0x297: {  	s1 =	rddreg [dreg:$0x1];
	p0 =	sne.s32 s2, $0x0  }
0x298: {  	s3 =	rddreg [dreg:$0x2];
	[bflag:$0x3] =	sbarrier.arrive $0xFFFF;
	s2 =	simm.s32 @!p0 $0x1C02  }
0x299: {  	[timem:s3], [sflag:s2] =	dma.local @!p0 [hbm:s0], s1  }
0x29a: {  	s0 =	simm.s32 @!p0 $0x2  }
0x29b: {  	_ =	swait.ge @!p0 [sflag:s0], s1  }
0x29c: {  	s1 =	ssub.s32 @!p0 $0x0, s1;
	[sflag:s0] =	ssyncset.done @!p0 $0x0  }
0x29d: {  	[sflag:s0] =	ssyncadd.s32 @!p0 s1  }
0x29e: {  	[bflag:$0x3] =	sbarrier.arrive $0xFFFF  }
0x29f: {  	_ =	shalt  }

</sc_bundles>
